<compile_context>
chip_gen: v7x
topology: tpu7x:2x2x1
jax: 0.10.2.dev20260603
libtpu: 0.0.44.dev20260713+nightly
codegen_flags: <defaults>
</compile_context>

<pallas_src>
import jax
import jax.numpy as jnp
import numpy as np
from jax import lax
from jax.experimental import pallas as pl
from jax.experimental.pallas import tpu as pltpu
from jax.experimental.pallas import tpu_sc as plsc

NSAMP, NBS, LD = 8, 100000, 16
NB, NK, OD = 4096, 26, 16

NC, NSUB = 2, 16
NW = NC * NSUB
BPW = NB // NW
CB = 8
NCHUNK = BPW // CB
TPC = CB * NK
RPC = NSAMP * TPC
MINOR = 128
NROW = RPC // MINOR
ROWS2 = 2 * NSAMP * NK
R2 = NB * ROWS2


def _pattern():
    i = np.arange(RPC, dtype=np.int64)
    s = i // TPC
    j = i % TPC
    pat = ROWS2 * (j // NK) + 2 * NK * s + 2 * (j % NK)
    return jnp.asarray(pat.reshape(NROW, MINOR), dtype=jnp.int32)


def _body(samples_hbm, ids_hbm, towers_hbm, pat_hbm, out_hbm,
          ids_v, gidx, lidx, tidx, lat_v, tow8_v, sem):
    wid = lax.axis_index("s") * NC + lax.axis_index("c")
    wb0 = wid * BPW

    pltpu.sync_copy(pat_hbm, lidx)
    base = (ROWS2 * wb0).astype(jnp.int32)

    def init_row(r, carry):
        for m in range(MINOR // 16):
            sl = pl.ds(16 * m, 16)
            v = lidx[r, sl] + base
            lidx[r, sl] = v
            tidx[r, sl] = v + 1
        return carry

    lax.fori_loop(0, NROW, init_row, 0)

    def chunk(ci, carry):
        b0 = wb0 + ci * CB
        pltpu.sync_copy(ids_hbm.at[pl.ds(NK * b0, TPC)], ids_v)
        for s in range(NSAMP):
            pltpu.sync_copy(towers_hbm.at[pl.ds(NK * b0, TPC)],
                            tow8_v.at[pl.ds(TPC * s, TPC)])

        for r in range(NROW):
            for m in range(MINOR // 16):
                off = r * MINOR + 16 * m
                s_off = jnp.int32((off // TPC) * NBS)
                gidx[r, pl.ds(16 * m, 16)] = (
                    ids_v[pl.ds(off % TPC, 16)] + s_off)

        def move_row(r, c2):
            sl = pl.ds(r * MINOR, MINOR)
            pltpu.async_copy(samples_hbm.at[gidx.at[r]], lat_v.at[sl],
                             sem).wait()
            pltpu.async_copy(lat_v.at[sl], out_hbm.at[lidx.at[r]],
                             sem).wait()
            pltpu.async_copy(tow8_v.at[sl], out_hbm.at[tidx.at[r]],
                             sem).wait()
            return c2

        lax.fori_loop(0, NROW, move_row, 0)

        def bump_row(r, c2):
            for m in range(MINOR // 16):
                sl = pl.ds(16 * m, 16)
                lidx[r, sl] = lidx[r, sl] + jnp.int32(ROWS2 * CB)
                tidx[r, sl] = tidx[r, sl] + jnp.int32(ROWS2 * CB)
            return c2

        lax.fori_loop(0, NROW, bump_row, 0)
        return carry

    lax.fori_loop(0, NCHUNK, chunk, 0)


def kernel(samples, block_ids, towers):
    samples2d = samples.reshape(NSAMP * NBS, LD)
    ids_flat = block_ids.reshape(NB * NK).astype(jnp.int32)
    towers2d = towers.reshape(NB * NK, OD)

    mesh = plsc.VectorSubcoreMesh(core_axis_name="c", subcore_axis_name="s")
    run = pl.kernel(
        _body,
        out_type=jax.ShapeDtypeStruct((R2, LD), jnp.float32),
        mesh=mesh,
        scratch_types=[
            pltpu.VMEM((TPC,), jnp.int32),
            pltpu.VMEM((NROW, MINOR), jnp.int32),
            pltpu.VMEM((NROW, MINOR), jnp.int32),
            pltpu.VMEM((NROW, MINOR), jnp.int32),
            pltpu.VMEM((RPC, LD), jnp.float32),
            pltpu.VMEM((RPC, OD), jnp.float32),
            pltpu.SemaphoreType.DMA,
        ],
        compiler_params=pltpu.CompilerParams(use_tc_tiling_on_sc=False),
    )
    out2 = run(samples2d, ids_flat, towers2d, _pattern())
    return out2.reshape(NB, NSAMP, NK, 2, LD).reshape(NB, NSAMP, NK, 2 * LD)

# --- scband reference (transcript-rebuilt; emitter-appended) ---
"""Pipeline reference for scband-latent-ensemble-30812095382208 (READ-ONLY COPY).

The authoritative reference and input builder live on the scoring server;
editing this copy changes nothing except your own understanding.
"""

import jax, jax.numpy as jnp
import numpy as np


def setup_inputs(seed: int = 0) -> dict:
    key = jax.random.key(seed)
    k1, k2, k3 = jax.random.split(key, 3)
    N_samples, N_blockset, latent_dim = 8, 100000, 16
    N_batch, N_blocks, observed_dim = 4096, 26, 16
    samples = jax.random.normal(k1, (N_samples, N_blockset, latent_dim), dtype=jnp.float32)
    block_ids = jax.random.randint(k2, (N_batch, N_blocks), 0, N_blockset, dtype=jnp.int64 if jax.config.jax_enable_x64 else jnp.int32).astype(jnp.int32)
    towers = jax.random.normal(k3, (N_batch, N_blocks, observed_dim), dtype=jnp.float32)
    return {"samples": samples, "block_ids": block_ids, "towers": towers}


def associate(samples, block_ids):
    # samples: [N_samples, N_blockset, latent_dim]; block_ids: [N_batch, N_blocks]
    # gather -> [N_samples, N_batch, N_blocks, latent_dim], then permute(1,0,2,3)
    gathered = jnp.take(samples, block_ids, axis=1)
    return jnp.transpose(gathered, (1, 0, 2, 3))


def concat_samples(samples, observed):
    # samples: [N_batch, N_samples, N_blocks, latent_dim]; observed: [N_batch, N_blocks, observed_dim]
    N_batch, N_samples, N_blocks, latent_dim = samples.shape
    observed = jnp.expand_dims(observed, 1)
    observed = jnp.tile(observed, (1, N_samples, 1, 1))
    return jnp.concatenate([samples, observed], axis=3)


def reference(samples, block_ids, towers):
    samples_for_each_tower_in_batch = associate(samples, block_ids)
    towers_with_latents = concat_samples(samples_for_each_tower_in_batch, towers)
    return towers_with_latents

if __name__ == "__main__":
    import jax
    _d = setup_inputs()
    print(jax.jit(kernel)(*tuple(_d.values())))

</pallas_src>

<mosaic_0001>
#map = affine_map<(d0, d1) -> (0, 0)>
#map1 = affine_map<(d0, d1) -> (0)>
module attributes {stable_mosaic.version = 14 : i64} {
  func.func @_body(%arg0: i32, %arg1: i32, %arg2: memref<800000x16xf32, #tpu.memory_space<hbm>>, %arg3: memref<106496xi32, #tpu.memory_space<hbm>>, %arg4: memref<106496x16xf32, #tpu.memory_space<hbm>>, %arg5: memref<13x128xi32, #tpu.memory_space<hbm>>, %arg6: memref<1703936x16xf32, #tpu.memory_space<hbm>>, %arg7: memref<208xi32, #tpu.memory_space<vmem>>, %arg8: memref<13x128xi32, #tpu.memory_space<vmem>>, %arg9: memref<13x128xi32, #tpu.memory_space<vmem>>, %arg10: memref<13x128xi32, #tpu.memory_space<vmem>>, %arg11: memref<1664x16xf32, #tpu.memory_space<vmem>>, %arg12: memref<1664x16xf32, #tpu.memory_space<vmem>>, %arg13: memref<!tpu.dma_semaphore, #tpu.memory_space<semaphore_mem>>) attributes {dimension_semantics = [#tpu.dimension_semantics<core_parallel>, #tpu.dimension_semantics<subcore_parallel>], iteration_bounds = array<i64: 2, 16>, scalar_prefetch = 0 : i64, scratch_operands = 7 : i64, tpu.core_type = #tpu.core_type<sc_vector_subcore>, window_params = [{transform_indices = #map}, {transform_indices = #map1}, {transform_indices = #map}, {transform_indices = #map}, {transform_indices = #map}]} {
    %mul3A = arith.constant 2 : i32
    %mul3A_0 = arith.muli %arg1, %mul3A : i32
    %add3A = arith.addi %mul3A_0, %arg0 : i32
    %mul3A_1 = arith.constant 128 : i32
    %mul3A_2 = arith.muli %add3A, %mul3A_1 : i32
    "tpu.region"() ({
      %run_scoped3A = tpu.sem_alloc : memref<!tpu.dma_semaphore, #tpu.memory_space<semaphore_mem>>
      tpu.enqueue_dma source(%arg5 : memref<13x128xi32, #tpu.memory_space<hbm>>) target(%arg9 : memref<13x128xi32, #tpu.memory_space<vmem>>) target_semaphore(%run_scoped3A : memref<!tpu.dma_semaphore, #tpu.memory_space<semaphore_mem>>)
      tpu.wait_dma2 semaphore(%run_scoped3A : memref<!tpu.dma_semaphore, #tpu.memory_space<semaphore_mem>>) src(%arg5 : memref<13x128xi32, #tpu.memory_space<hbm>>) dst(%arg9 : memref<13x128xi32, #tpu.memory_space<vmem>>)
      tpu.yield
    }) : () -> ()
    %mul3A_3 = arith.constant 416 : i32
    %mul3A_4 = arith.muli %mul3A_3, %mul3A_2 : i32
    %scan3A = arith.constant 0 : i32
    %scan3A_5 = arith.constant 0 : i32
    %scan3A_6 = arith.constant 13 : i32
    %scan3A_7 = arith.addi %scan3A_5, %scan3A_6 : i32
    %scan3A_8 = arith.constant 1 : i32
    scf.for %scan3A_16 = %scan3A_5 to %scan3A_7 step %scan3A_8  : i32 {
      %get3A = arith.index_cast %scan3A_16 : i32 to index
      %get3A_17 = arith.constant 0 : index
      %get3A_18 = tpu.vector_load %arg9[%get3A, %get3A_17] {strides = array<i32>} : memref<13x128xi32, #tpu.memory_space<vmem>>, vector<1x16xi32>,
      %get3A_19 = vector.shape_cast %get3A_18 : vector<1x16xi32> to vector<16xi32>
      %add3A_20 = vector.broadcast %mul3A_4 : i32 to vector<16xi32>
      %add3A_21 = arith.addi %get3A_19, %add3A_20 : vector<16xi32>
      %swap3A = arith.index_cast %scan3A_16 : i32 to index
      %swap3A_22 = arith.constant 0 : index
      %swap3A_23 = tpu.vector_load %arg9[%swap3A, %swap3A_22] {strides = array<i32>} : memref<13x128xi32, #tpu.memory_space<vmem>>, vector<1x16xi32>,
      %swap3A_24 = vector.shape_cast %swap3A_23 : vector<1x16xi32> to vector<16xi32>
      %swap3A_25 = vector.shape_cast %add3A_21 : vector<16xi32> to vector<1x16xi32>
      tpu.vector_store %arg9[%swap3A, %swap3A_22], %swap3A_25 {strides = array<i32>} : memref<13x128xi32, #tpu.memory_space<vmem>>, vector<1x16xi32>,
      %add3A_26 = arith.constant 1 : i32
      %add3A_27 = vector.broadcast %add3A_26 : i32 to vector<16xi32>
      %add3A_28 = arith.addi %add3A_21, %add3A_27 : vector<16xi32>
      %swap3A_29 = arith.index_cast %scan3A_16 : i32 to index
      %swap3A_30 = arith.constant 0 : index
      %swap3A_31 = tpu.vector_load %arg10[%swap3A_29, %swap3A_30] {strides = array<i32>} : memref<13x128xi32, #tpu.memory_space<vmem>>, vector<1x16xi32>,
      %swap3A_32 = vector.shape_cast %swap3A_31 : vector<1x16xi32> to vector<16xi32>
      %swap3A_33 = vector.shape_cast %add3A_28 : vector<16xi32> to vector<1x16xi32>
      tpu.vector_store %arg10[%swap3A_29, %swap3A_30], %swap3A_33 {strides = array<i32>} : memref<13x128xi32, #tpu.memory_space<vmem>>, vector<1x16xi32>,
      %get3A_34 = arith.index_cast %scan3A_16 : i32 to index
      %get3A_35 = arith.constant 16 : index
      %get3A_36 = tpu.vector_load %arg9[%get3A_34, %get3A_35] {strides = array<i32>} : memref<13x128xi32, #tpu.memory_space<vmem>>, vector<1x16xi32>,
      %get3A_37 = vector.shape_cast %get3A_36 : vector<1x16xi32> to vector<16xi32>
      %add3A_38 = vector.broadcast %mul3A_4 : i32 to vector<16xi32>
      %add3A_39 = arith.addi %get3A_37, %add3A_38 : vector<16xi32>
      %swap3A_40 = arith.index_cast %scan3A_16 : i32 to index
      %swap3A_41 = arith.constant 16 : index
      %swap3A_42 = tpu.vector_load %arg9[%swap3A_40, %swap3A_41] {strides = array<i32>} : memref<13x128xi32, #tpu.memory_space<vmem>>, vector<1x16xi32>,
      %swap3A_43 = vector.shape_cast %swap3A_42 : vector<1x16xi32> to vector<16xi32>
      %swap3A_44 = vector.shape_cast %add3A_39 : vector<16xi32> to vector<1x16xi32>
      tpu.vector_store %arg9[%swap3A_40, %swap3A_41], %swap3A_44 {strides = array<i32>} : memref<13x128xi32, #tpu.memory_space<vmem>>, vector<1x16xi32>,
      %add3A_45 = arith.constant 1 : i32
      %add3A_46 = vector.broadcast %add3A_45 : i32 to vector<16xi32>
      %add3A_47 = arith.addi %add3A_39, %add3A_46 : vector<16xi32>
      %swap3A_48 = arith.index_cast %scan3A_16 : i32 to index
      %swap3A_49 = arith.constant 16 : index
      %swap3A_50 = tpu.vector_load %arg10[%swap3A_48, %swap3A_49] {strides = array<i32>} : memref<13x128xi32, #tpu.memory_space<vmem>>, vector<1x16xi32>,
      %swap3A_51 = vector.shape_cast %swap3A_50 : vector<1x16xi32> to vector<16xi32>
      %swap3A_52 = vector.shape_cast %add3A_47 : vector<16xi32> to vector<1x16xi32>
      tpu.vector_store %arg10[%swap3A_48, %swap3A_49], %swap3A_52 {strides = array<i32>} : memref<13x128xi32, #tpu.memory_space<vmem>>, vector<1x16xi32>,
      %get3A_53 = arith.index_cast %scan3A_16 : i32 to index
      %get3A_54 = arith.constant 32 : index
      %get3A_55 = tpu.vector_load %arg9[%get3A_53, %get3A_54] {strides = array<i32>} : memref<13x128xi32, #tpu.memory_space<vmem>>, vector<1x16xi32>,
      %get3A_56 = vector.shape_cast %get3A_55 : vector<1x16xi32> to vector<16xi32>
      %add3A_57 = vector.broadcast %mul3A_4 : i32 to vector<16xi32>
      %add3A_58 = arith.addi %get3A_56, %add3A_57 : vector<16xi32>
      %swap3A_59 = arith.index_cast %scan3A_16 : i32 to index
      %swap3A_60 = arith.constant 32 : index
      %swap3A_61 = tpu.vector_load %arg9[%swap3A_59, %swap3A_60] {strides = array<i32>} : memref<13x128xi32, #tpu.memory_space<vmem>>, vector<1x16xi32>,
      %swap3A_62 = vector.shape_cast %swap3A_61 : vector<1x16xi32> to vector<16xi32>
      %swap3A_63 = vector.shape_cast %add3A_58 : vector<16xi32> to vector<1x16xi32>
      tpu.vector_store %arg9[%swap3A_59, %swap3A_60], %swap3A_63 {strides = array<i32>} : memref<13x128xi32, #tpu.memory_space<vmem>>, vector<1x16xi32>,
      %add3A_64 = arith.constant 1 : i32
      %add3A_65 = vector.broadcast %add3A_64 : i32 to vector<16xi32>
      %add3A_66 = arith.addi %add3A_58, %add3A_65 : vector<16xi32>
      %swap3A_67 = arith.index_cast %scan3A_16 : i32 to index
      %swap3A_68 = arith.constant 32 : index
      %swap3A_69 = tpu.vector_load %arg10[%swap3A_67, %swap3A_68] {strides = array<i32>} : memref<13x128xi32, #tpu.memory_space<vmem>>, vector<1x16xi32>,
      %swap3A_70 = vector.shape_cast %swap3A_69 : vector<1x16xi32> to vector<16xi32>
      %swap3A_71 = vector.shape_cast %add3A_66 : vector<16xi32> to vector<1x16xi32>
      tpu.vector_store %arg10[%swap3A_67, %swap3A_68], %swap3A_71 {strides = array<i32>} : memref<13x128xi32, #tpu.memory_space<vmem>>, vector<1x16xi32>,
      %get3A_72 = arith.index_cast %scan3A_16 : i32 to index
      %get3A_73 = arith.constant 48 : index
      %get3A_74 = tpu.vector_load %arg9[%get3A_72, %get3A_73] {strides = array<i32>} : memref<13x128xi32, #tpu.memory_space<vmem>>, vector<1x16xi32>,
      %get3A_75 = vector.shape_cast %get3A_74 : vector<1x16xi32> to vector<16xi32>
      %add3A_76 = vector.broadcast %mul3A_4 : i32 to vector<16xi32>
      %add3A_77 = arith.addi %get3A_75, %add3A_76 : vector<16xi32>
      %swap3A_78 = arith.index_cast %scan3A_16 : i32 to index
      %swap3A_79 = arith.constant 48 : index
      %swap3A_80 = tpu.vector_load %arg9[%swap3A_78, %swap3A_79] {strides = array<i32>} : memref<13x128xi32, #tpu.memory_space<vmem>>, vector<1x16xi32>,
      %swap3A_81 = vector.shape_cast %swap3A_80 : vector<1x16xi32> to vector<16xi32>
      %swap3A_82 = vector.shape_cast %add3A_77 : vector<16xi32> to vector<1x16xi32>
      tpu.vector_store %arg9[%swap3A_78, %swap3A_79], %swap3A_82 {strides = array<i32>} : memref<13x128xi32, #tpu.memory_space<vmem>>, vector<1x16xi32>,
      %add3A_83 = arith.constant 1 : i32
      %add3A_84 = vector.broadcast %add3A_83 : i32 to vector<16xi32>
      %add3A_85 = arith.addi %add3A_77, %add3A_84 : vector<16xi32>
      %swap3A_86 = arith.index_cast %scan3A_16 : i32 to index
      %swap3A_87 = arith.constant 48 : index
      %swap3A_88 = tpu.vector_load %arg10[%swap3A_86, %swap3A_87] {strides = array<i32>} : memref<13x128xi32, #tpu.memory_space<vmem>>, vector<1x16xi32>,
      %swap3A_89 = vector.shape_cast %swap3A_88 : vector<1x16xi32> to vector<16xi32>
      %swap3A_90 = vector.shape_cast %add3A_85 : vector<16xi32> to vector<1x16xi32>
      tpu.vector_store %arg10[%swap3A_86, %swap3A_87], %swap3A_90 {strides = array<i32>} : memref<13x128xi32, #tpu.memory_space<vmem>>, vector<1x16xi32>,
      %get3A_91 = arith.index_cast %scan3A_16 : i32 to index
      %get3A_92 = arith.constant 64 : index
      %get3A_93 = tpu.vector_load %arg9[%get3A_91, %get3A_92] {strides = array<i32>} : memref<13x128xi32, #tpu.memory_space<vmem>>, vector<1x16xi32>,
      %get3A_94 = vector.shape_cast %get3A_93 : vector<1x16xi32> to vector<16xi32>
      %add3A_95 = vector.broadcast %mul3A_4 : i32 to vector<16xi32>
      %add3A_96 = arith.addi %get3A_94, %add3A_95 : vector<16xi32>
      %swap3A_97 = arith.index_cast %scan3A_16 : i32 to index
      %swap3A_98 = arith.constant 64 : index
      %swap3A_99 = tpu.vector_load %arg9[%swap3A_97, %swap3A_98] {strides = array<i32>} : memref<13x128xi32, #tpu.memory_space<vmem>>, vector<1x16xi32>,
      %swap3A_100 = vector.shape_cast %swap3A_99 : vector<1x16xi32> to vector<16xi32>
      %swap3A_101 = vector.shape_cast %add3A_96 : vector<16xi32> to vector<1x16xi32>
      tpu.vector_store %arg9[%swap3A_97, %swap3A_98], %swap3A_101 {strides = array<i32>} : memref<13x128xi32, #tpu.memory_space<vmem>>, vector<1x16xi32>,
      %add3A_102 = arith.constant 1 : i32
      %add3A_103 = vector.broadcast %add3A_102 : i32 to vector<16xi32>
      %add3A_104 = arith.addi %add3A_96, %add3A_103 : vector<16xi32>
      %swap3A_105 = arith.index_cast %scan3A_16 : i32 to index
      %swap3A_106 = arith.constant 64 : index
      %swap3A_107 = tpu.vector_load %arg10[%swap3A_105, %swap3A_106] {strides = array<i32>} : memref<13x128xi32, #tpu.memory_space<vmem>>, vector<1x16xi32>,
      %swap3A_108 = vector.shape_cast %swap3A_107 : vector<1x16xi32> to vector<16xi32>
      %swap3A_109 = vector.shape_cast %add3A_104 : vector<16xi32> to vector<1x16xi32>
      tpu.vector_store %arg10[%swap3A_105, %swap3A_106], %swap3A_109 {strides = array<i32>} : memref<13x128xi32, #tpu.memory_space<vmem>>, vector<1x16xi32>,
      %get3A_110 = arith.index_cast %scan3A_16 : i32 to index
      %get3A_111 = arith.constant 80 : index
      %get3A_112 = tpu.vector_load %arg9[%get3A_110, %get3A_111] {strides = array<i32>} : memref<13x128xi32, #tpu.memory_space<vmem>>, vector<1x16xi32>,
      %get3A_113 = vector.shape_cast %get3A_112 : vector<1x16xi32> to vector<16xi32>
      %add3A_114 = vector.broadcast %mul3A_4 : i32 to vector<16xi32>
      %add3A_115 = arith.addi %get3A_113, %add3A_114 : vector<16xi32>
      %swap3A_116 = arith.index_cast %scan3A_16 : i32 to index
      %swap3A_117 = arith.constant 80 : index
      %swap3A_118 = tpu.vector_load %arg9[%swap3A_116, %swap3A_117] {strides = array<i32>} : memref<13x128xi32, #tpu.memory_space<vmem>>, vector<1x16xi32>,
      %swap3A_119 = vector.shape_cast %swap3A_118 : vector<1x16xi32> to vector<16xi32>
      %swap3A_120 = vector.shape_cast %add3A_115 : vector<16xi32> to vector<1x16xi32>
      tpu.vector_store %arg9[%swap3A_116, %swap3A_117], %swap3A_120 {strides = array<i32>} : memref<13x128xi32, #tpu.memory_space<vmem>>, vector<1x16xi32>,
      %add3A_121 = arith.constant 1 : i32
      %add3A_122 = vector.broadcast %add3A_121 : i32 to vector<16xi32>
      %add3A_123 = arith.addi %add3A_115, %add3A_122 : vector<16xi32>
      %swap3A_124 = arith.index_cast %scan3A_16 : i32 to index
      %swap3A_125 = arith.constant 80 : index
      %swap3A_126 = tpu.vector_load %arg10[%swap3A_124, %swap3A_125] {strides = array<i32>} : memref<13x128xi32, #tpu.memory_space<vmem>>, vector<1x16xi32>,
      %swap3A_127 = vector.shape_cast %swap3A_126 : vector<1x16xi32> to vector<16xi32>
      %swap3A_128 = vector.shape_cast %add3A_123 : vector<16xi32> to vector<1x16xi32>
      tpu.vector_store %arg10[%swap3A_124, %swap3A_125], %swap3A_128 {strides = array<i32>} : memref<13x128xi32, #tpu.memory_space<vmem>>, vector<1x16xi32>,
      %get3A_129 = arith.index_cast %scan3A_16 : i32 to index
      %get3A_130 = arith.constant 96 : index
      %get3A_131 = tpu.vector_load %arg9[%get3A_129, %get3A_130] {strides = array<i32>} : memref<13x128xi32, #tpu.memory_space<vmem>>, vector<1x16xi32>,
      %get3A_132 = vector.shape_cast %get3A_131 : vector<1x16xi32> to vector<16xi32>
      %add3A_133 = vector.broadcast %mul3A_4 : i32 to vector<16xi32>
      %add3A_134 = arith.addi %get3A_132, %add3A_133 : vector<16xi32>
      %swap3A_135 = arith.index_cast %scan3A_16 : i32 to index
      %swap3A_136 = arith.constant 96 : index
      %swap3A_137 = tpu.vector_load %arg9[%swap3A_135, %swap3A_136] {strides = array<i32>} : memref<13x128xi32, #tpu.memory_space<vmem>>, vector<1x16xi32>,
      %swap3A_138 = vector.shape_cast %swap3A_137 : vector<1x16xi32> to vector<16xi32>
      %swap3A_139 = vector.shape_cast %add3A_134 : vector<16xi32> to vector<1x16xi32>
      tpu.vector_store %arg9[%swap3A_135, %swap3A_136], %swap3A_139 {strides = array<i32>} : memref<13x128xi32, #tpu.memory_space<vmem>>, vector<1x16xi32>,
      %add3A_140 = arith.constant 1 : i32
      %add3A_141 = vector.broadcast %add3A_140 : i32 to vector<16xi32>
      %add3A_142 = arith.addi %add3A_134, %add3A_141 : vector<16xi32>
      %swap3A_143 = arith.index_cast %scan3A_16 : i32 to index
      %swap3A_144 = arith.constant 96 : index
      %swap3A_145 = tpu.vector_load %arg10[%swap3A_143, %swap3A_144] {strides = array<i32>} : memref<13x128xi32, #tpu.memory_space<vmem>>, vector<1x16xi32>,
      %swap3A_146 = vector.shape_cast %swap3A_145 : vector<1x16xi32> to vector<16xi32>
      %swap3A_147 = vector.shape_cast %add3A_142 : vector<16xi32> to vector<1x16xi32>
      tpu.vector_store %arg10[%swap3A_143, %swap3A_144], %swap3A_147 {strides = array<i32>} : memref<13x128xi32, #tpu.memory_space<vmem>>, vector<1x16xi32>,
      %get3A_148 = arith.index_cast %scan3A_16 : i32 to index
      %get3A_149 = arith.constant 112 : index
      %get3A_150 = tpu.vector_load %arg9[%get3A_148, %get3A_149] {strides = array<i32>} : memref<13x128xi32, #tpu.memory_space<vmem>>, vector<1x16xi32>,
      %get3A_151 = vector.shape_cast %get3A_150 : vector<1x16xi32> to vector<16xi32>
      %add3A_152 = vector.broadcast %mul3A_4 : i32 to vector<16xi32>
      %add3A_153 = arith.addi %get3A_151, %add3A_152 : vector<16xi32>
      %swap3A_154 = arith.index_cast %scan3A_16 : i32 to index
      %swap3A_155 = arith.constant 112 : index
      %swap3A_156 = tpu.vector_load %arg9[%swap3A_154, %swap3A_155] {strides = array<i32>} : memref<13x128xi32, #tpu.memory_space<vmem>>, vector<1x16xi32>,
      %swap3A_157 = vector.shape_cast %swap3A_156 : vector<1x16xi32> to vector<16xi32>
      %swap3A_158 = vector.shape_cast %add3A_153 : vector<16xi32> to vector<1x16xi32>
      tpu.vector_store %arg9[%swap3A_154, %swap3A_155], %swap3A_158 {strides = array<i32>} : memref<13x128xi32, #tpu.memory_space<vmem>>, vector<1x16xi32>,
      %add3A_159 = arith.constant 1 : i32
      %add3A_160 = vector.broadcast %add3A_159 : i32 to vector<16xi32>
      %add3A_161 = arith.addi %add3A_153, %add3A_160 : vector<16xi32>
      %swap3A_162 = arith.index_cast %scan3A_16 : i32 to index
      %swap3A_163 = arith.constant 112 : index
      %swap3A_164 = tpu.vector_load %arg10[%swap3A_162, %swap3A_163] {strides = array<i32>} : memref<13x128xi32, #tpu.memory_space<vmem>>, vector<1x16xi32>,
      %swap3A_165 = vector.shape_cast %swap3A_164 : vector<1x16xi32> to vector<16xi32>
      %swap3A_166 = vector.shape_cast %add3A_161 : vector<16xi32> to vector<1x16xi32>
      tpu.vector_store %arg10[%swap3A_162, %swap3A_163], %swap3A_166 {strides = array<i32>} : memref<13x128xi32, #tpu.memory_space<vmem>>, vector<1x16xi32>,
    }
    %scan3A_9 = arith.constant 13 : i32
    %scan3A_10 = arith.constant 0 : i32
    %scan3A_11 = arith.constant 0 : i32
    %scan3A_12 = arith.constant 16 : i32
    %scan3A_13 = arith.addi %scan3A_11, %scan3A_12 : i32
    %scan3A_14 = arith.constant 1 : i32
    scf.for %scan3A_16 = %scan3A_11 to %scan3A_13 step %scan3A_14  : i32 {
      %mul3A_17 = arith.constant 8 : i32
      %mul3A_18 = arith.muli %scan3A_16, %mul3A_17 : i32
      %add3A_19 = arith.addi %mul3A_2, %mul3A_18 : i32
      %mul3A_20 = arith.constant 26 : i32
      %mul3A_21 = arith.muli %mul3A_20, %add3A_19 : i32
      "tpu.region"() ({
        %run_scoped3A = tpu.sem_alloc : memref<!tpu.dma_semaphore, #tpu.memory_space<semaphore_mem>>
        %dma_start3A = tpu.memref_slice %arg3[%mul3A_21] : memref<106496xi32, #tpu.memory_space<hbm>> -> memref<208xi32, #tpu.memory_space<hbm>>
        %dma_start3A_1296 = tpu.memref_slice %arg3[%mul3A_21] : memref<106496xi32, #tpu.memory_space<hbm>> -> memref<208xi32, #tpu.memory_space<hbm>>
        tpu.enqueue_dma source(%dma_start3A_1296 : memref<208xi32, #tpu.memory_space<hbm>>) target(%arg7 : memref<208xi32, #tpu.memory_space<vmem>>) target_semaphore(%run_scoped3A : memref<!tpu.dma_semaphore, #tpu.memory_space<semaphore_mem>>)
        %dma_wait3A = tpu.memref_slice %arg3[%mul3A_21] : memref<106496xi32, #tpu.memory_space<hbm>> -> memref<208xi32, #tpu.memory_space<hbm>>
        %dma_wait3A_1297 = tpu.memref_slice %arg3[%mul3A_21] : memref<106496xi32, #tpu.memory_space<hbm>> -> memref<208xi32, #tpu.memory_space<hbm>>
        tpu.wait_dma2 semaphore(%run_scoped3A : memref<!tpu.dma_semaphore, #tpu.memory_space<semaphore_mem>>) src(%dma_wait3A_1297 : memref<208xi32, #tpu.memory_space<hbm>>) dst(%arg7 : memref<208xi32, #tpu.memory_space<vmem>>)
        tpu.yield
      }) : () -> ()
      %mul3A_22 = arith.constant 26 : i32
      %mul3A_23 = arith.muli %mul3A_22, %add3A_19 : i32
      "tpu.region"() ({
        %run_scoped3A = tpu.sem_alloc : memref<!tpu.dma_semaphore, #tpu.memory_space<semaphore_mem>>
        %dma_start3A = arith.constant 0 : i32
        %dma_start3A_1296 = arith.constant 0 : i32
        %dma_start3A_1297 = tpu.memref_slice %arg12[%dma_start3A, %dma_start3A_1296] : memref<1664x16xf32, #tpu.memory_space<vmem>> -> memref<208x16xf32, #tpu.memory_space<vmem>>
        %dma_start3A_1298 = arith.constant 0 : i32
        %dma_start3A_1299 = tpu.memref_slice %arg4[%mul3A_23, %dma_start3A_1298] : memref<106496x16xf32, #tpu.memory_space<hbm>> -> memref<208x16xf32, #tpu.memory_space<hbm>>
        %dma_start3A_1300 = arith.constant 0 : i32
        %dma_start3A_1301 = arith.constant 0 : i32
        %dma_start3A_1302 = tpu.memref_slice %arg12[%dma_start3A_1300, %dma_start3A_1301] : memref<1664x16xf32, #tpu.memory_space<vmem>> -> memref<208x16xf32, #tpu.memory_space<vmem>>
        %dma_start3A_1303 = arith.constant 0 : i32
        %dma_start3A_1304 = tpu.memref_slice %arg4[%mul3A_23, %dma_start3A_1303] : memref<106496x16xf32, #tpu.memory_space<hbm>> -> memref<208x16xf32, #tpu.memory_space<hbm>>
        tpu.enqueue_dma source(%dma_start3A_1304 : memref<208x16xf32, #tpu.memory_space<hbm>>) target(%dma_start3A_1302 : memref<208x16xf32, #tpu.memory_space<vmem>>) target_semaphore(%run_scoped3A : memref<!tpu.dma_semaphore, #tpu.memory_space<semaphore_mem>>)
        %dma_wait3A = arith.constant 0 : i32
        %dma_wait3A_1305 = arith.constant 0 : i32
        %dma_wait3A_1306 = tpu.memref_slice %arg12[%dma_wait3A, %dma_wait3A_1305] : memref<1664x16xf32, #tpu.memory_space<vmem>> -> memref<208x16xf32, #tpu.memory_space<vmem>>
        %dma_wait3A_1307 = arith.constant 0 : i32
        %dma_wait3A_1308 = tpu.memref_slice %arg4[%mul3A_23, %dma_wait3A_1307] : memref<106496x16xf32, #tpu.memory_space<hbm>> -> memref<208x16xf32, #tpu.memory_space<hbm>>
        %dma_wait3A_1309 = arith.constant 0 : i32
        %dma_wait3A_1310 = arith.constant 0 : i32
        %dma_wait3A_1311 = tpu.memref_slice %arg12[%dma_wait3A_1309, %dma_wait3A_1310] : memref<1664x16xf32, #tpu.memory_space<vmem>> -> memref<208x16xf32, #tpu.memory_space<vmem>>
        %dma_wait3A_1312 = arith.constant 0 : i32
        %dma_wait3A_1313 = tpu.memref_slice %arg4[%mul3A_23, %dma_wait3A_1312] : memref<106496x16xf32, #tpu.memory_space<hbm>> -> memref<208x16xf32, #tpu.memory_space<hbm>>
        tpu.wait_dma2 semaphore(%run_scoped3A : memref<!tpu.dma_semaphore, #tpu.memory_space<semaphore_mem>>) src(%dma_wait3A_1313 : memref<208x16xf32, #tpu.memory_space<hbm>>) dst(%dma_wait3A_1311 : memref<208x16xf32, #tpu.memory_space<vmem>>)
        tpu.yield
      }) : () -> ()
      %mul3A_24 = arith.constant 26 : i32
      %mul3A_25 = arith.muli %mul3A_24, %add3A_19 : i32
      "tpu.region"() ({
        %run_scoped3A = tpu.sem_alloc : memref<!tpu.dma_semaphore, #tpu.memory_space<semaphore_mem>>
        %dma_start3A = arith.constant 208 : i32
        %dma_start3A_1296 = arith.constant 0 : i32
        %dma_start3A_1297 = tpu.memref_slice %arg12[%dma_start3A, %dma_start3A_1296] : memref<1664x16xf32, #tpu.memory_space<vmem>> -> memref<208x16xf32, #tpu.memory_space<vmem>>
        %dma_start3A_1298 = arith.constant 0 : i32
        %dma_start3A_1299 = tpu.memref_slice %arg4[%mul3A_25, %dma_start3A_1298] : memref<106496x16xf32, #tpu.memory_space<hbm>> -> memref<208x16xf32, #tpu.memory_space<hbm>>
        %dma_start3A_1300 = arith.constant 208 : i32
        %dma_start3A_1301 = arith.constant 0 : i32
        %dma_start3A_1302 = tpu.memref_slice %arg12[%dma_start3A_1300, %dma_start3A_1301] : memref<1664x16xf32, #tpu.memory_space<vmem>> -> memref<208x16xf32, #tpu.memory_space<vmem>>
        %dma_start3A_1303 = arith.constant 0 : i32
        %dma_start3A_1304 = tpu.memref_slice %arg4[%mul3A_25, %dma_start3A_1303] : memref<106496x16xf32, #tpu.memory_space<hbm>> -> memref<208x16xf32, #tpu.memory_space<hbm>>
        tpu.enqueue_dma source(%dma_start3A_1304 : memref<208x16xf32, #tpu.memory_space<hbm>>) target(%dma_start3A_1302 : memref<208x16xf32, #tpu.memory_space<vmem>>) target_semaphore(%run_scoped3A : memref<!tpu.dma_semaphore, #tpu.memory_space<semaphore_mem>>)
        %dma_wait3A = arith.constant 208 : i32
        %dma_wait3A_1305 = arith.constant 0 : i32
        %dma_wait3A_1306 = tpu.memref_slice %arg12[%dma_wait3A, %dma_wait3A_1305] : memref<1664x16xf32, #tpu.memory_space<vmem>> -> memref<208x16xf32, #tpu.memory_space<vmem>>
        %dma_wait3A_1307 = arith.constant 0 : i32
        %dma_wait3A_1308 = tpu.memref_slice %arg4[%mul3A_25, %dma_wait3A_1307] : memref<106496x16xf32, #tpu.memory_space<hbm>> -> memref<208x16xf32, #tpu.memory_space<hbm>>
        %dma_wait3A_1309 = arith.constant 208 : i32
        %dma_wait3A_1310 = arith.constant 0 : i32
        %dma_wait3A_1311 = tpu.memref_slice %arg12[%dma_wait3A_1309, %dma_wait3A_1310] : memref<1664x16xf32, #tpu.memory_space<vmem>> -> memref<208x16xf32, #tpu.memory_space<vmem>>
        %dma_wait3A_1312 = arith.constant 0 : i32
        %dma_wait3A_1313 = tpu.memref_slice %arg4[%mul3A_25, %dma_wait3A_1312] : memref<106496x16xf32, #tpu.memory_space<hbm>> -> memref<208x16xf32, #tpu.memory_space<hbm>>
        tpu.wait_dma2 semaphore(%run_scoped3A : memref<!tpu.dma_semaphore, #tpu.memory_space<semaphore_mem>>) src(%dma_wait3A_1313 : memref<208x16xf32, #tpu.memory_space<hbm>>) dst(%dma_wait3A_1311 : memref<208x16xf32, #tpu.memory_space<vmem>>)
        tpu.yield
      }) : () -> ()
      %mul3A_26 = arith.constant 26 : i32
      %mul3A_27 = arith.muli %mul3A_26, %add3A_19 : i32
      "tpu.region"() ({
        %run_scoped3A = tpu.sem_alloc : memref<!tpu.dma_semaphore, #tpu.memory_space<semaphore_mem>>
        %dma_start3A = arith.constant 416 : i32
        %dma_start3A_1296 = arith.constant 0 : i32
        %dma_start3A_1297 = tpu.memref_slice %arg12[%dma_start3A, %dma_start3A_1296] : memref<1664x16xf32, #tpu.memory_space<vmem>> -> memref<208x16xf32, #tpu.memory_space<vmem>>
        %dma_start3A_1298 = arith.constant 0 : i32
        %dma_start3A_1299 = tpu.memref_slice %arg4[%mul3A_27, %dma_start3A_1298] : memref<106496x16xf32, #tpu.memory_space<hbm>> -> memref<208x16xf32, #tpu.memory_space<hbm>>
        %dma_start3A_1300 = arith.constant 416 : i32
        %dma_start3A_1301 = arith.constant 0 : i32
        %dma_start3A_1302 = tpu.memref_slice %arg12[%dma_start3A_1300, %dma_start3A_1301] : memref<1664x16xf32, #tpu.memory_space<vmem>> -> memref<208x16xf32, #tpu.memory_space<vmem>>
        %dma_start3A_1303 = arith.constant 0 : i32
        %dma_start3A_1304 = tpu.memref_slice %arg4[%mul3A_27, %dma_start3A_1303] : memref<106496x16xf32, #tpu.memory_space<hbm>> -> memref<208x16xf32, #tpu.memory_space<hbm>>
        tpu.enqueue_dma source(%dma_start3A_1304 : memref<208x16xf32, #tpu.memory_space<hbm>>) target(%dma_start3A_1302 : memref<208x16xf32, #tpu.memory_space<vmem>>) target_semaphore(%run_scoped3A : memref<!tpu.dma_semaphore, #tpu.memory_space<semaphore_mem>>)
        %dma_wait3A = arith.constant 416 : i32
        %dma_wait3A_1305 = arith.constant 0 : i32
        %dma_wait3A_1306 = tpu.memref_slice %arg12[%dma_wait3A, %dma_wait3A_1305] : memref<1664x16xf32, #tpu.memory_space<vmem>> -> memref<208x16xf32, #tpu.memory_space<vmem>>
        %dma_wait3A_1307 = arith.constant 0 : i32
        %dma_wait3A_1308 = tpu.memref_slice %arg4[%mul3A_27, %dma_wait3A_1307] : memref<106496x16xf32, #tpu.memory_space<hbm>> -> memref<208x16xf32, #tpu.memory_space<hbm>>
        %dma_wait3A_1309 = arith.constant 416 : i32
        %dma_wait3A_1310 = arith.constant 0 : i32
        %dma_wait3A_1311 = tpu.memref_slice %arg12[%dma_wait3A_1309, %dma_wait3A_1310] : memref<1664x16xf32, #tpu.memory_space<vmem>> -> memref<208x16xf32, #tpu.memory_space<vmem>>
        %dma_wait3A_1312 = arith.constant 0 : i32
        %dma_wait3A_1313 = tpu.memref_slice %arg4[%mul3A_27, %dma_wait3A_1312] : memref<106496x16xf32, #tpu.memory_space<hbm>> -> memref<208x16xf32, #tpu.memory_space<hbm>>
        tpu.wait_dma2 semaphore(%run_scoped3A : memref<!tpu.dma_semaphore, #tpu.memory_space<semaphore_mem>>) src(%dma_wait3A_1313 : memref<208x16xf32, #tpu.memory_space<hbm>>) dst(%dma_wait3A_1311 : memref<208x16xf32, #tpu.memory_space<vmem>>)
        tpu.yield
      }) : () -> ()
      %mul3A_28 = arith.constant 26 : i32
      %mul3A_29 = arith.muli %mul3A_28, %add3A_19 : i32
      "tpu.region"() ({
        %run_scoped3A = tpu.sem_alloc : memref<!tpu.dma_semaphore, #tpu.memory_space<semaphore_mem>>
        %dma_start3A = arith.constant 624 : i32
        %dma_start3A_1296 = arith.constant 0 : i32
        %dma_start3A_1297 = tpu.memref_slice %arg12[%dma_start3A, %dma_start3A_1296] : memref<1664x16xf32, #tpu.memory_space<vmem>> -> memref<208x16xf32, #tpu.memory_space<vmem>>
        %dma_start3A_1298 = arith.constant 0 : i32
        %dma_start3A_1299 = tpu.memref_slice %arg4[%mul3A_29, %dma_start3A_1298] : memref<106496x16xf32, #tpu.memory_space<hbm>> -> memref<208x16xf32, #tpu.memory_space<hbm>>
        %dma_start3A_1300 = arith.constant 624 : i32
        %dma_start3A_1301 = arith.constant 0 : i32
        %dma_start3A_1302 = tpu.memref_slice %arg12[%dma_start3A_1300, %dma_start3A_1301] : memref<1664x16xf32, #tpu.memory_space<vmem>> -> memref<208x16xf32, #tpu.memory_space<vmem>>
        %dma_start3A_1303 = arith.constant 0 : i32
        %dma_start3A_1304 = tpu.memref_slice %arg4[%mul3A_29, %dma_start3A_1303] : memref<106496x16xf32, #tpu.memory_space<hbm>> -> memref<208x16xf32, #tpu.memory_space<hbm>>
        tpu.enqueue_dma source(%dma_start3A_1304 : memref<208x16xf32, #tpu.memory_space<hbm>>) target(%dma_start3A_1302 : memref<208x16xf32, #tpu.memory_space<vmem>>) target_semaphore(%run_scoped3A : memref<!tpu.dma_semaphore, #tpu.memory_space<semaphore_mem>>)
        %dma_wait3A = arith.constant 624 : i32
        %dma_wait3A_1305 = arith.constant 0 : i32
        %dma_wait3A_1306 = tpu.memref_slice %arg12[%dma_wait3A, %dma_wait3A_1305] : memref<1664x16xf32, #tpu.memory_space<vmem>> -> memref<208x16xf32, #tpu.memory_space<vmem>>
        %dma_wait3A_1307 = arith.constant 0 : i32
        %dma_wait3A_1308 = tpu.memref_slice %arg4[%mul3A_29, %dma_wait3A_1307] : memref<106496x16xf32, #tpu.memory_space<hbm>> -> memref<208x16xf32, #tpu.memory_space<hbm>>
        %dma_wait3A_1309 = arith.constant 624 : i32
        %dma_wait3A_1310 = arith.constant 0 : i32
        %dma_wait3A_1311 = tpu.memref_slice %arg12[%dma_wait3A_1309, %dma_wait3A_1310] : memref<1664x16xf32, #tpu.memory_space<vmem>> -> memref<208x16xf32, #tpu.memory_space<vmem>>
        %dma_wait3A_1312 = arith.constant 0 : i32
        %dma_wait3A_1313 = tpu.memref_slice %arg4[%mul3A_29, %dma_wait3A_1312] : memref<106496x16xf32, #tpu.memory_space<hbm>> -> memref<208x16xf32, #tpu.memory_space<hbm>>
        tpu.wait_dma2 semaphore(%run_scoped3A : memref<!tpu.dma_semaphore, #tpu.memory_space<semaphore_mem>>) src(%dma_wait3A_1313 : memref<208x16xf32, #tpu.memory_space<hbm>>) dst(%dma_wait3A_1311 : memref<208x16xf32, #tpu.memory_space<vmem>>)
        tpu.yield
      }) : () -> ()
      %mul3A_30 = arith.constant 26 : i32
      %mul3A_31 = arith.muli %mul3A_30, %add3A_19 : i32
      "tpu.region"() ({
        %run_scoped3A = tpu.sem_alloc : memref<!tpu.dma_semaphore, #tpu.memory_space<semaphore_mem>>
        %dma_start3A = arith.constant 832 : i32
        %dma_start3A_1296 = arith.constant 0 : i32
        %dma_start3A_1297 = tpu.memref_slice %arg12[%dma_start3A, %dma_start3A_1296] : memref<1664x16xf32, #tpu.memory_space<vmem>> -> memref<208x16xf32, #tpu.memory_space<vmem>>
        %dma_start3A_1298 = arith.constant 0 : i32
        %dma_start3A_1299 = tpu.memref_slice %arg4[%mul3A_31, %dma_start3A_1298] : memref<106496x16xf32, #tpu.memory_space<hbm>> -> memref<208x16xf32, #tpu.memory_space<hbm>>
        %dma_start3A_1300 = arith.constant 832 : i32
        %dma_start3A_1301 = arith.constant 0 : i32
        %dma_start3A_1302 = tpu.memref_slice %arg12[%dma_start3A_1300, %dma_start3A_1301] : memref<1664x16xf32, #tpu.memory_space<vmem>> -> memref<208x16xf32, #tpu.memory_space<vmem>>
        %dma_start3A_1303 = arith.constant 0 : i32
        %dma_start3A_1304 = tpu.memref_slice %arg4[%mul3A_31, %dma_start3A_1303] : memref<106496x16xf32, #tpu.memory_space<hbm>> -> memref<208x16xf32, #tpu.memory_space<hbm>>
        tpu.enqueue_dma source(%dma_start3A_1304 : memref<208x16xf32, #tpu.memory_space<hbm>>) target(%dma_start3A_1302 : memref<208x16xf32, #tpu.memory_space<vmem>>) target_semaphore(%run_scoped3A : memref<!tpu.dma_semaphore, #tpu.memory_space<semaphore_mem>>)
        %dma_wait3A = arith.constant 832 : i32
        %dma_wait3A_1305 = arith.constant 0 : i32
        %dma_wait3A_1306 = tpu.memref_slice %arg12[%dma_wait3A, %dma_wait3A_1305] : memref<1664x16xf32, #tpu.memory_space<vmem>> -> memref<208x16xf32, #tpu.memory_space<vmem>>
        %dma_wait3A_1307 = arith.constant 0 : i32
        %dma_wait3A_1308 = tpu.memref_slice %arg4[%mul3A_31, %dma_wait3A_1307] : memref<106496x16xf32, #tpu.memory_space<hbm>> -> memref<208x16xf32, #tpu.memory_space<hbm>>
        %dma_wait3A_1309 = arith.constant 832 : i32
        %dma_wait3A_1310 = arith.constant 0 : i32
        %dma_wait3A_1311 = tpu.memref_slice %arg12[%dma_wait3A_1309, %dma_wait3A_1310] : memref<1664x16xf32, #tpu.memory_space<vmem>> -> memref<208x16xf32, #tpu.memory_space<vmem>>
        %dma_wait3A_1312 = arith.constant 0 : i32
        %dma_wait3A_1313 = tpu.memref_slice %arg4[%mul3A_31, %dma_wait3A_1312] : memref<106496x16xf32, #tpu.memory_space<hbm>> -> memref<208x16xf32, #tpu.memory_space<hbm>>
        tpu.wait_dma2 semaphore(%run_scoped3A : memref<!tpu.dma_semaphore, #tpu.memory_space<semaphore_mem>>) src(%dma_wait3A_1313 : memref<208x16xf32, #tpu.memory_space<hbm>>) dst(%dma_wait3A_1311 : memref<208x16xf32, #tpu.memory_space<vmem>>)
        tpu.yield
      }) : () -> ()
      %mul3A_32 = arith.constant 26 : i32
      %mul3A_33 = arith.muli %mul3A_32, %add3A_19 : i32
      "tpu.region"() ({
        %run_scoped3A = tpu.sem_alloc : memref<!tpu.dma_semaphore, #tpu.memory_space<semaphore_mem>>
        %dma_start3A = arith.constant 1040 : i32
        %dma_start3A_1296 = arith.constant 0 : i32
        %dma_start3A_1297 = tpu.memref_slice %arg12[%dma_start3A, %dma_start3A_1296] : memref<1664x16xf32, #tpu.memory_space<vmem>> -> memref<208x16xf32, #tpu.memory_space<vmem>>
        %dma_start3A_1298 = arith.constant 0 : i32
        %dma_start3A_1299 = tpu.memref_slice %arg4[%mul3A_33, %dma_start3A_1298] : memref<106496x16xf32, #tpu.memory_space<hbm>> -> memref<208x16xf32, #tpu.memory_space<hbm>>
        %dma_start3A_1300 = arith.constant 1040 : i32
        %dma_start3A_1301 = arith.constant 0 : i32
        %dma_start3A_1302 = tpu.memref_slice %arg12[%dma_start3A_1300, %dma_start3A_1301] : memref<1664x16xf32, #tpu.memory_space<vmem>> -> memref<208x16xf32, #tpu.memory_space<vmem>>
        %dma_start3A_1303 = arith.constant 0 : i32
        %dma_start3A_1304 = tpu.memref_slice %arg4[%mul3A_33, %dma_start3A_1303] : memref<106496x16xf32, #tpu.memory_space<hbm>> -> memref<208x16xf32, #tpu.memory_space<hbm>>
        tpu.enqueue_dma source(%dma_start3A_1304 : memref<208x16xf32, #tpu.memory_space<hbm>>) target(%dma_start3A_1302 : memref<208x16xf32, #tpu.memory_space<vmem>>) target_semaphore(%run_scoped3A : memref<!tpu.dma_semaphore, #tpu.memory_space<semaphore_mem>>)
        %dma_wait3A = arith.constant 1040 : i32
        %dma_wait3A_1305 = arith.constant 0 : i32
        %dma_wait3A_1306 = tpu.memref_slice %arg12[%dma_wait3A, %dma_wait3A_1305] : memref<1664x16xf32, #tpu.memory_space<vmem>> -> memref<208x16xf32, #tpu.memory_space<vmem>>
        %dma_wait3A_1307 = arith.constant 0 : i32
        %dma_wait3A_1308 = tpu.memref_slice %arg4[%mul3A_33, %dma_wait3A_1307] : memref<106496x16xf32, #tpu.memory_space<hbm>> -> memref<208x16xf32, #tpu.memory_space<hbm>>
        %dma_wait3A_1309 = arith.constant 1040 : i32
        %dma_wait3A_1310 = arith.constant 0 : i32
        %dma_wait3A_1311 = tpu.memref_slice %arg12[%dma_wait3A_1309, %dma_wait3A_1310] : memref<1664x16xf32, #tpu.memory_space<vmem>> -> memref<208x16xf32, #tpu.memory_space<vmem>>
        %dma_wait3A_1312 = arith.constant 0 : i32
        %dma_wait3A_1313 = tpu.memref_slice %arg4[%mul3A_33, %dma_wait3A_1312] : memref<106496x16xf32, #tpu.memory_space<hbm>> -> memref<208x16xf32, #tpu.memory_space<hbm>>
        tpu.wait_dma2 semaphore(%run_scoped3A : memref<!tpu.dma_semaphore, #tpu.memory_space<semaphore_mem>>) src(%dma_wait3A_1313 : memref<208x16xf32, #tpu.memory_space<hbm>>) dst(%dma_wait3A_1311 : memref<208x16xf32, #tpu.memory_space<vmem>>)
        tpu.yield
      }) : () -> ()
      %mul3A_34 = arith.constant 26 : i32
      %mul3A_35 = arith.muli %mul3A_34, %add3A_19 : i32
      "tpu.region"() ({
        %run_scoped3A = tpu.sem_alloc : memref<!tpu.dma_semaphore, #tpu.memory_space<semaphore_mem>>
        %dma_start3A = arith.constant 1248 : i32
        %dma_start3A_1296 = arith.constant 0 : i32
        %dma_start3A_1297 = tpu.memref_slice %arg12[%dma_start3A, %dma_start3A_1296] : memref<1664x16xf32, #tpu.memory_space<vmem>> -> memref<208x16xf32, #tpu.memory_space<vmem>>
        %dma_start3A_1298 = arith.constant 0 : i32
        %dma_start3A_1299 = tpu.memref_slice %arg4[%mul3A_35, %dma_start3A_1298] : memref<106496x16xf32, #tpu.memory_space<hbm>> -> memref<208x16xf32, #tpu.memory_space<hbm>>
        %dma_start3A_1300 = arith.constant 1248 : i32
        %dma_start3A_1301 = arith.constant 0 : i32
        %dma_start3A_1302 = tpu.memref_slice %arg12[%dma_start3A_1300, %dma_start3A_1301] : memref<1664x16xf32, #tpu.memory_space<vmem>> -> memref<208x16xf32, #tpu.memory_space<vmem>>
        %dma_start3A_1303 = arith.constant 0 : i32
        %dma_start3A_1304 = tpu.memref_slice %arg4[%mul3A_35, %dma_start3A_1303] : memref<106496x16xf32, #tpu.memory_space<hbm>> -> memref<208x16xf32, #tpu.memory_space<hbm>>
        tpu.enqueue_dma source(%dma_start3A_1304 : memref<208x16xf32, #tpu.memory_space<hbm>>) target(%dma_start3A_1302 : memref<208x16xf32, #tpu.memory_space<vmem>>) target_semaphore(%run_scoped3A : memref<!tpu.dma_semaphore, #tpu.memory_space<semaphore_mem>>)
        %dma_wait3A = arith.constant 1248 : i32
        %dma_wait3A_1305 = arith.constant 0 : i32
        %dma_wait3A_1306 = tpu.memref_slice %arg12[%dma_wait3A, %dma_wait3A_1305] : memref<1664x16xf32, #tpu.memory_space<vmem>> -> memref<208x16xf32, #tpu.memory_space<vmem>>
        %dma_wait3A_1307 = arith.constant 0 : i32
        %dma_wait3A_1308 = tpu.memref_slice %arg4[%mul3A_35, %dma_wait3A_1307] : memref<106496x16xf32, #tpu.memory_space<hbm>> -> memref<208x16xf32, #tpu.memory_space<hbm>>
        %dma_wait3A_1309 = arith.constant 1248 : i32
        %dma_wait3A_1310 = arith.constant 0 : i32
        %dma_wait3A_1311 = tpu.memref_slice %arg12[%dma_wait3A_1309, %dma_wait3A_1310] : memref<1664x16xf32, #tpu.memory_space<vmem>> -> memref<208x16xf32, #tpu.memory_space<vmem>>
        %dma_wait3A_1312 = arith.constant 0 : i32
        %dma_wait3A_1313 = tpu.memref_slice %arg4[%mul3A_35, %dma_wait3A_1312] : memref<106496x16xf32, #tpu.memory_space<hbm>> -> memref<208x16xf32, #tpu.memory_space<hbm>>
        tpu.wait_dma2 semaphore(%run_scoped3A : memref<!tpu.dma_semaphore, #tpu.memory_space<semaphore_mem>>) src(%dma_wait3A_1313 : memref<208x16xf32, #tpu.memory_space<hbm>>) dst(%dma_wait3A_1311 : memref<208x16xf32, #tpu.memory_space<vmem>>)
        tpu.yield
      }) : () -> ()
      %mul3A_36 = arith.constant 26 : i32
      %mul3A_37 = arith.muli %mul3A_36, %add3A_19 : i32
      "tpu.region"() ({
        %run_scoped3A = tpu.sem_alloc : memref<!tpu.dma_semaphore, #tpu.memory_space<semaphore_mem>>
        %dma_start3A = arith.constant 1456 : i32
        %dma_start3A_1296 = arith.constant 0 : i32
        %dma_start3A_1297 = tpu.memref_slice %arg12[%dma_start3A, %dma_start3A_1296] : memref<1664x16xf32, #tpu.memory_space<vmem>> -> memref<208x16xf32, #tpu.memory_space<vmem>>
        %dma_start3A_1298 = arith.constant 0 : i32
        %dma_start3A_1299 = tpu.memref_slice %arg4[%mul3A_37, %dma_start3A_1298] : memref<106496x16xf32, #tpu.memory_space<hbm>> -> memref<208x16xf32, #tpu.memory_space<hbm>>
        %dma_start3A_1300 = arith.constant 1456 : i32
        %dma_start3A_1301 = arith.constant 0 : i32
        %dma_start3A_1302 = tpu.memref_slice %arg12[%dma_start3A_1300, %dma_start3A_1301] : memref<1664x16xf32, #tpu.memory_space<vmem>> -> memref<208x16xf32, #tpu.memory_space<vmem>>
        %dma_start3A_1303 = arith.constant 0 : i32
        %dma_start3A_1304 = tpu.memref_slice %arg4[%mul3A_37, %dma_start3A_1303] : memref<106496x16xf32, #tpu.memory_space<hbm>> -> memref<208x16xf32, #tpu.memory_space<hbm>>
        tpu.enqueue_dma source(%dma_start3A_1304 : memref<208x16xf32, #tpu.memory_space<hbm>>) target(%dma_start3A_1302 : memref<208x16xf32, #tpu.memory_space<vmem>>) target_semaphore(%run_scoped3A : memref<!tpu.dma_semaphore, #tpu.memory_space<semaphore_mem>>)
        %dma_wait3A = arith.constant 1456 : i32
        %dma_wait3A_1305 = arith.constant 0 : i32
        %dma_wait3A_1306 = tpu.memref_slice %arg12[%dma_wait3A, %dma_wait3A_1305] : memref<1664x16xf32, #tpu.memory_space<vmem>> -> memref<208x16xf32, #tpu.memory_space<vmem>>
        %dma_wait3A_1307 = arith.constant 0 : i32
        %dma_wait3A_1308 = tpu.memref_slice %arg4[%mul3A_37, %dma_wait3A_1307] : memref<106496x16xf32, #tpu.memory_space<hbm>> -> memref<208x16xf32, #tpu.memory_space<hbm>>
        %dma_wait3A_1309 = arith.constant 1456 : i32
        %dma_wait3A_1310 = arith.constant 0 : i32
        %dma_wait3A_1311 = tpu.memref_slice %arg12[%dma_wait3A_1309, %dma_wait3A_1310] : memref<1664x16xf32, #tpu.memory_space<vmem>> -> memref<208x16xf32, #tpu.memory_space<vmem>>
        %dma_wait3A_1312 = arith.constant 0 : i32
        %dma_wait3A_1313 = tpu.memref_slice %arg4[%mul3A_37, %dma_wait3A_1312] : memref<106496x16xf32, #tpu.memory_space<hbm>> -> memref<208x16xf32, #tpu.memory_space<hbm>>
        tpu.wait_dma2 semaphore(%run_scoped3A : memref<!tpu.dma_semaphore, #tpu.memory_space<semaphore_mem>>) src(%dma_wait3A_1313 : memref<208x16xf32, #tpu.memory_space<hbm>>) dst(%dma_wait3A_1311 : memref<208x16xf32, #tpu.memory_space<vmem>>)
        tpu.yield
      }) : () -> ()
      %get3A = arith.constant 0 : index
      %get3A_38 = tpu.vector_load %arg7[%get3A] {strides = array<i32>} : memref<208xi32, #tpu.memory_space<vmem>>, vector<16xi32>,
      %get3A_39 = vector.shape_cast %get3A_38 : vector<16xi32> to vector<16xi32>
      %add3A_40 = arith.constant 0 : i32
      %add3A_41 = vector.broadcast %add3A_40 : i32 to vector<16xi32>
      %add3A_42 = arith.addi %get3A_39, %add3A_41 : vector<16xi32>
      %swap3A = arith.constant 0 : i32
      %swap3A_43 = arith.index_cast %swap3A : i32 to index
      %swap3A_44 = arith.constant 0 : index
      %swap3A_45 = tpu.vector_load %arg8[%swap3A_43, %swap3A_44] {strides = array<i32>} : memref<13x128xi32, #tpu.memory_space<vmem>>, vector<1x16xi32>,
      %swap3A_46 = vector.shape_cast %swap3A_45 : vector<1x16xi32> to vector<16xi32>
      %swap3A_47 = vector.shape_cast %add3A_42 : vector<16xi32> to vector<1x16xi32>
      tpu.vector_store %arg8[%swap3A_43, %swap3A_44], %swap3A_47 {strides = array<i32>} : memref<13x128xi32, #tpu.memory_space<vmem>>, vector<1x16xi32>,
      %get3A_48 = arith.constant 16 : index
      %get3A_49 = tpu.vector_load %arg7[%get3A_48] {strides = array<i32>} : memref<208xi32, #tpu.memory_space<vmem>>, vector<16xi32>,
      %get3A_50 = vector.shape_cast %get3A_49 : vector<16xi32> to vector<16xi32>
      %add3A_51 = arith.constant 0 : i32
      %add3A_52 = vector.broadcast %add3A_51 : i32 to vector<16xi32>
      %add3A_53 = arith.addi %get3A_50, %add3A_52 : vector<16xi32>
      %swap3A_54 = arith.constant 0 : i32
      %swap3A_55 = arith.index_cast %swap3A_54 : i32 to index
      %swap3A_56 = arith.constant 16 : index
      %swap3A_57 = tpu.vector_load %arg8[%swap3A_55, %swap3A_56] {strides = array<i32>} : memref<13x128xi32, #tpu.memory_space<vmem>>, vector<1x16xi32>,
      %swap3A_58 = vector.shape_cast %swap3A_57 : vector<1x16xi32> to vector<16xi32>
      %swap3A_59 = vector.shape_cast %add3A_53 : vector<16xi32> to vector<1x16xi32>
      tpu.vector_store %arg8[%swap3A_55, %swap3A_56], %swap3A_59 {strides = array<i32>} : memref<13x128xi32, #tpu.memory_space<vmem>>, vector<1x16xi32>,
      %get3A_60 = arith.constant 32 : index
      %get3A_61 = tpu.vector_load %arg7[%get3A_60] {strides = array<i32>} : memref<208xi32, #tpu.memory_space<vmem>>, vector<16xi32>,
      %get3A_62 = vector.shape_cast %get3A_61 : vector<16xi32> to vector<16xi32>
      %add3A_63 = arith.constant 0 : i32
      %add3A_64 = vector.broadcast %add3A_63 : i32 to vector<16xi32>
      %add3A_65 = arith.addi %get3A_62, %add3A_64 : vector<16xi32>
      %swap3A_66 = arith.constant 0 : i32
      %swap3A_67 = arith.index_cast %swap3A_66 : i32 to index
      %swap3A_68 = arith.constant 32 : index
      %swap3A_69 = tpu.vector_load %arg8[%swap3A_67, %swap3A_68] {strides = array<i32>} : memref<13x128xi32, #tpu.memory_space<vmem>>, vector<1x16xi32>,
      %swap3A_70 = vector.shape_cast %swap3A_69 : vector<1x16xi32> to vector<16xi32>
      %swap3A_71 = vector.shape_cast %add3A_65 : vector<16xi32> to vector<1x16xi32>
      tpu.vector_store %arg8[%swap3A_67, %swap3A_68], %swap3A_71 {strides = array<i32>} : memref<13x128xi32, #tpu.memory_space<vmem>>, vector<1x16xi32>,
      %get3A_72 = arith.constant 48 : index
      %get3A_73 = tpu.vector_load %arg7[%get3A_72] {strides = array<i32>} : memref<208xi32, #tpu.memory_space<vmem>>, vector<16xi32>,
      %get3A_74 = vector.shape_cast %get3A_73 : vector<16xi32> to vector<16xi32>
      %add3A_75 = arith.constant 0 : i32
      %add3A_76 = vector.broadcast %add3A_75 : i32 to vector<16xi32>
      %add3A_77 = arith.addi %get3A_74, %add3A_76 : vector<16xi32>
      %swap3A_78 = arith.constant 0 : i32
      %swap3A_79 = arith.index_cast %swap3A_78 : i32 to index
      %swap3A_80 = arith.constant 48 : index
      %swap3A_81 = tpu.vector_load %arg8[%swap3A_79, %swap3A_80] {strides = array<i32>} : memref<13x128xi32, #tpu.memory_space<vmem>>, vector<1x16xi32>,
      %swap3A_82 = vector.shape_cast %swap3A_81 : vector<1x16xi32> to vector<16xi32>
      %swap3A_83 = vector.shape_cast %add3A_77 : vector<16xi32> to vector<1x16xi32>
      tpu.vector_store %arg8[%swap3A_79, %swap3A_80], %swap3A_83 {strides = array<i32>} : memref<13x128xi32, #tpu.memory_space<vmem>>, vector<1x16xi32>,
      %get3A_84 = arith.constant 64 : index
      %get3A_85 = tpu.vector_load %arg7[%get3A_84] {strides = array<i32>} : memref<208xi32, #tpu.memory_space<vmem>>, vector<16xi32>,
      %get3A_86 = vector.shape_cast %get3A_85 : vector<16xi32> to vector<16xi32>
      %add3A_87 = arith.constant 0 : i32
      %add3A_88 = vector.broadcast %add3A_87 : i32 to vector<16xi32>
      %add3A_89 = arith.addi %get3A_86, %add3A_88 : vector<16xi32>
      %swap3A_90 = arith.constant 0 : i32
      %swap3A_91 = arith.index_cast %swap3A_90 : i32 to index
      %swap3A_92 = arith.constant 64 : index
      %swap3A_93 = tpu.vector_load %arg8[%swap3A_91, %swap3A_92] {strides = array<i32>} : memref<13x128xi32, #tpu.memory_space<vmem>>, vector<1x16xi32>,
      %swap3A_94 = vector.shape_cast %swap3A_93 : vector<1x16xi32> to vector<16xi32>
      %swap3A_95 = vector.shape_cast %add3A_89 : vector<16xi32> to vector<1x16xi32>
      tpu.vector_store %arg8[%swap3A_91, %swap3A_92], %swap3A_95 {strides = array<i32>} : memref<13x128xi32, #tpu.memory_space<vmem>>, vector<1x16xi32>,
      %get3A_96 = arith.constant 80 : index
      %get3A_97 = tpu.vector_load %arg7[%get3A_96] {strides = array<i32>} : memref<208xi32, #tpu.memory_space<vmem>>, vector<16xi32>,
      %get3A_98 = vector.shape_cast %get3A_97 : vector<16xi32> to vector<16xi32>
      %add3A_99 = arith.constant 0 : i32
      %add3A_100 = vector.broadcast %add3A_99 : i32 to vector<16xi32>
      %add3A_101 = arith.addi %get3A_98, %add3A_100 : vector<16xi32>
      %swap3A_102 = arith.constant 0 : i32
      %swap3A_103 = arith.index_cast %swap3A_102 : i32 to index
      %swap3A_104 = arith.constant 80 : index
      %swap3A_105 = tpu.vector_load %arg8[%swap3A_103, %swap3A_104] {strides = array<i32>} : memref<13x128xi32, #tpu.memory_space<vmem>>, vector<1x16xi32>,
      %swap3A_106 = vector.shape_cast %swap3A_105 : vector<1x16xi32> to vector<16xi32>
      %swap3A_107 = vector.shape_cast %add3A_101 : vector<16xi32> to vector<1x16xi32>
      tpu.vector_store %arg8[%swap3A_103, %swap3A_104], %swap3A_107 {strides = array<i32>} : memref<13x128xi32, #tpu.memory_space<vmem>>, vector<1x16xi32>,
      %get3A_108 = arith.constant 96 : index
      %get3A_109 = tpu.vector_load %arg7[%get3A_108] {strides = array<i32>} : memref<208xi32, #tpu.memory_space<vmem>>, vector<16xi32>,
      %get3A_110 = vector.shape_cast %get3A_109 : vector<16xi32> to vector<16xi32>
      %add3A_111 = arith.constant 0 : i32
      %add3A_112 = vector.broadcast %add3A_111 : i32 to vector<16xi32>
      %add3A_113 = arith.addi %get3A_110, %add3A_112 : vector<16xi32>
      %swap3A_114 = arith.constant 0 : i32
      %swap3A_115 = arith.index_cast %swap3A_114 : i32 to index
      %swap3A_116 = arith.constant 96 : index
      %swap3A_117 = tpu.vector_load %arg8[%swap3A_115, %swap3A_116] {strides = array<i32>} : memref<13x128xi32, #tpu.memory_space<vmem>>, vector<1x16xi32>,
      %swap3A_118 = vector.shape_cast %swap3A_117 : vector<1x16xi32> to vector<16xi32>
      %swap3A_119 = vector.shape_cast %add3A_113 : vector<16xi32> to vector<1x16xi32>
      tpu.vector_store %arg8[%swap3A_115, %swap3A_116], %swap3A_119 {strides = array<i32>} : memref<13x128xi32, #tpu.memory_space<vmem>>, vector<1x16xi32>,
      %get3A_120 = arith.constant 112 : index
      %get3A_121 = tpu.vector_load %arg7[%get3A_120] {strides = array<i32>} : memref<208xi32, #tpu.memory_space<vmem>>, vector<16xi32>,
      %get3A_122 = vector.shape_cast %get3A_121 : vector<16xi32> to vector<16xi32>
      %add3A_123 = arith.constant 0 : i32
      %add3A_124 = vector.broadcast %add3A_123 : i32 to vector<16xi32>
      %add3A_125 = arith.addi %get3A_122, %add3A_124 : vector<16xi32>
      %swap3A_126 = arith.constant 0 : i32
      %swap3A_127 = arith.index_cast %swap3A_126 : i32 to index
      %swap3A_128 = arith.constant 112 : index
      %swap3A_129 = tpu.vector_load %arg8[%swap3A_127, %swap3A_128] {strides = array<i32>} : memref<13x128xi32, #tpu.memory_space<vmem>>, vector<1x16xi32>,
      %swap3A_130 = vector.shape_cast %swap3A_129 : vector<1x16xi32> to vector<16xi32>
      %swap3A_131 = vector.shape_cast %add3A_125 : vector<16xi32> to vector<1x16xi32>
      tpu.vector_store %arg8[%swap3A_127, %swap3A_128], %swap3A_131 {strides = array<i32>} : memref<13x128xi32, #tpu.memory_space<vmem>>, vector<1x16xi32>,
      %get3A_132 = arith.constant 128 : index
      %get3A_133 = tpu.vector_load %arg7[%get3A_132] {strides = array<i32>} : memref<208xi32, #tpu.memory_space<vmem>>, vector<16xi32>,
      %get3A_134 = vector.shape_cast %get3A_133 : vector<16xi32> to vector<16xi32>
      %add3A_135 = arith.constant 0 : i32
      %add3A_136 = vector.broadcast %add3A_135 : i32 to vector<16xi32>
      %add3A_137 = arith.addi %get3A_134, %add3A_136 : vector<16xi32>
      %swap3A_138 = arith.constant 1 : i32
      %swap3A_139 = arith.index_cast %swap3A_138 : i32 to index
      %swap3A_140 = arith.constant 0 : index
      %swap3A_141 = tpu.vector_load %arg8[%swap3A_139, %swap3A_140] {strides = array<i32>} : memref<13x128xi32, #tpu.memory_space<vmem>>, vector<1x16xi32>,
      %swap3A_142 = vector.shape_cast %swap3A_141 : vector<1x16xi32> to vector<16xi32>
      %swap3A_143 = vector.shape_cast %add3A_137 : vector<16xi32> to vector<1x16xi32>
      tpu.vector_store %arg8[%swap3A_139, %swap3A_140], %swap3A_143 {strides = array<i32>} : memref<13x128xi32, #tpu.memory_space<vmem>>, vector<1x16xi32>,
      %get3A_144 = arith.constant 144 : index
      %get3A_145 = tpu.vector_load %arg7[%get3A_144] {strides = array<i32>} : memref<208xi32, #tpu.memory_space<vmem>>, vector<16xi32>,
      %get3A_146 = vector.shape_cast %get3A_145 : vector<16xi32> to vector<16xi32>
      %add3A_147 = arith.constant 0 : i32
      %add3A_148 = vector.broadcast %add3A_147 : i32 to vector<16xi32>
      %add3A_149 = arith.addi %get3A_146, %add3A_148 : vector<16xi32>
      %swap3A_150 = arith.constant 1 : i32
      %swap3A_151 = arith.index_cast %swap3A_150 : i32 to index
      %swap3A_152 = arith.constant 16 : index
      %swap3A_153 = tpu.vector_load %arg8[%swap3A_151, %swap3A_152] {strides = array<i32>} : memref<13x128xi32, #tpu.memory_space<vmem>>, vector<1x16xi32>,
      %swap3A_154 = vector.shape_cast %swap3A_153 : vector<1x16xi32> to vector<16xi32>
      %swap3A_155 = vector.shape_cast %add3A_149 : vector<16xi32> to vector<1x16xi32>
      tpu.vector_store %arg8[%swap3A_151, %swap3A_152], %swap3A_155 {strides = array<i32>} : memref<13x128xi32, #tpu.memory_space<vmem>>, vector<1x16xi32>,
      %get3A_156 = arith.constant 160 : index
      %get3A_157 = tpu.vector_load %arg7[%get3A_156] {strides = array<i32>} : memref<208xi32, #tpu.memory_space<vmem>>, vector<16xi32>,
      %get3A_158 = vector.shape_cast %get3A_157 : vector<16xi32> to vector<16xi32>
      %add3A_159 = arith.constant 0 : i32
      %add3A_160 = vector.broadcast %add3A_159 : i32 to vector<16xi32>
      %add3A_161 = arith.addi %get3A_158, %add3A_160 : vector<16xi32>
      %swap3A_162 = arith.constant 1 : i32
      %swap3A_163 = arith.index_cast %swap3A_162 : i32 to index
      %swap3A_164 = arith.constant 32 : index
      %swap3A_165 = tpu.vector_load %arg8[%swap3A_163, %swap3A_164] {strides = array<i32>} : memref<13x128xi32, #tpu.memory_space<vmem>>, vector<1x16xi32>,
      %swap3A_166 = vector.shape_cast %swap3A_165 : vector<1x16xi32> to vector<16xi32>
      %swap3A_167 = vector.shape_cast %add3A_161 : vector<16xi32> to vector<1x16xi32>
      tpu.vector_store %arg8[%swap3A_163, %swap3A_164], %swap3A_167 {strides = array<i32>} : memref<13x128xi32, #tpu.memory_space<vmem>>, vector<1x16xi32>,
      %get3A_168 = arith.constant 176 : index
      %get3A_169 = tpu.vector_load %arg7[%get3A_168] {strides = array<i32>} : memref<208xi32, #tpu.memory_space<vmem>>, vector<16xi32>,
      %get3A_170 = vector.shape_cast %get3A_169 : vector<16xi32> to vector<16xi32>
      %add3A_171 = arith.constant 0 : i32
      %add3A_172 = vector.broadcast %add3A_171 : i32 to vector<16xi32>
      %add3A_173 = arith.addi %get3A_170, %add3A_172 : vector<16xi32>
      %swap3A_174 = arith.constant 1 : i32
      %swap3A_175 = arith.index_cast %swap3A_174 : i32 to index
      %swap3A_176 = arith.constant 48 : index
      %swap3A_177 = tpu.vector_load %arg8[%swap3A_175, %swap3A_176] {strides = array<i32>} : memref<13x128xi32, #tpu.memory_space<vmem>>, vector<1x16xi32>,
      %swap3A_178 = vector.shape_cast %swap3A_177 : vector<1x16xi32> to vector<16xi32>
      %swap3A_179 = vector.shape_cast %add3A_173 : vector<16xi32> to vector<1x16xi32>
      tpu.vector_store %arg8[%swap3A_175, %swap3A_176], %swap3A_179 {strides = array<i32>} : memref<13x128xi32, #tpu.memory_space<vmem>>, vector<1x16xi32>,
      %get3A_180 = arith.constant 192 : index
      %get3A_181 = tpu.vector_load %arg7[%get3A_180] {strides = array<i32>} : memref<208xi32, #tpu.memory_space<vmem>>, vector<16xi32>,
      %get3A_182 = vector.shape_cast %get3A_181 : vector<16xi32> to vector<16xi32>
      %add3A_183 = arith.constant 0 : i32
      %add3A_184 = vector.broadcast %add3A_183 : i32 to vector<16xi32>
      %add3A_185 = arith.addi %get3A_182, %add3A_184 : vector<16xi32>
      %swap3A_186 = arith.constant 1 : i32
      %swap3A_187 = arith.index_cast %swap3A_186 : i32 to index
      %swap3A_188 = arith.constant 64 : index
      %swap3A_189 = tpu.vector_load %arg8[%swap3A_187, %swap3A_188] {strides = array<i32>} : memref<13x128xi32, #tpu.memory_space<vmem>>, vector<1x16xi32>,
      %swap3A_190 = vector.shape_cast %swap3A_189 : vector<1x16xi32> to vector<16xi32>
      %swap3A_191 = vector.shape_cast %add3A_185 : vector<16xi32> to vector<1x16xi32>
      tpu.vector_store %arg8[%swap3A_187, %swap3A_188], %swap3A_191 {strides = array<i32>} : memref<13x128xi32, #tpu.memory_space<vmem>>, vector<1x16xi32>,
      %get3A_192 = arith.constant 0 : index
      %get3A_193 = tpu.vector_load %arg7[%get3A_192] {strides = array<i32>} : memref<208xi32, #tpu.memory_space<vmem>>, vector<16xi32>,
      %get3A_194 = vector.shape_cast %get3A_193 : vector<16xi32> to vector<16xi32>
      %add3A_195 = arith.constant 100000 : i32
      %add3A_196 = vector.broadcast %add3A_195 : i32 to vector<16xi32>
      %add3A_197 = arith.addi %get3A_194, %add3A_196 : vector<16xi32>
      %swap3A_198 = arith.constant 1 : i32
      %swap3A_199 = arith.index_cast %swap3A_198 : i32 to index
      %swap3A_200 = arith.constant 80 : index
      %swap3A_201 = tpu.vector_load %arg8[%swap3A_199, %swap3A_200] {strides = array<i32>} : memref<13x128xi32, #tpu.memory_space<vmem>>, vector<1x16xi32>,
      %swap3A_202 = vector.shape_cast %swap3A_201 : vector<1x16xi32> to vector<16xi32>
      %swap3A_203 = vector.shape_cast %add3A_197 : vector<16xi32> to vector<1x16xi32>
      tpu.vector_store %arg8[%swap3A_199, %swap3A_200], %swap3A_203 {strides = array<i32>} : memref<13x128xi32, #tpu.memory_space<vmem>>, vector<1x16xi32>,
      %get3A_204 = arith.constant 16 : index
      %get3A_205 = tpu.vector_load %arg7[%get3A_204] {strides = array<i32>} : memref<208xi32, #tpu.memory_space<vmem>>, vector<16xi32>,
      %get3A_206 = vector.shape_cast %get3A_205 : vector<16xi32> to vector<16xi32>
      %add3A_207 = arith.constant 100000 : i32
      %add3A_208 = vector.broadcast %add3A_207 : i32 to vector<16xi32>
      %add3A_209 = arith.addi %get3A_206, %add3A_208 : vector<16xi32>
      %swap3A_210 = arith.constant 1 : i32
      %swap3A_211 = arith.index_cast %swap3A_210 : i32 to index
      %swap3A_212 = arith.constant 96 : index
      %swap3A_213 = tpu.vector_load %arg8[%swap3A_211, %swap3A_212] {strides = array<i32>} : memref<13x128xi32, #tpu.memory_space<vmem>>, vector<1x16xi32>,
      %swap3A_214 = vector.shape_cast %swap3A_213 : vector<1x16xi32> to vector<16xi32>
      %swap3A_215 = vector.shape_cast %add3A_209 : vector<16xi32> to vector<1x16xi32>
      tpu.vector_store %arg8[%swap3A_211, %swap3A_212], %swap3A_215 {strides = array<i32>} : memref<13x128xi32, #tpu.memory_space<vmem>>, vector<1x16xi32>,
      %get3A_216 = arith.constant 32 : index
      %get3A_217 = tpu.vector_load %arg7[%get3A_216] {strides = array<i32>} : memref<208xi32, #tpu.memory_space<vmem>>, vector<16xi32>,
      %get3A_218 = vector.shape_cast %get3A_217 : vector<16xi32> to vector<16xi32>
      %add3A_219 = arith.constant 100000 : i32
      %add3A_220 = vector.broadcast %add3A_219 : i32 to vector<16xi32>
      %add3A_221 = arith.addi %get3A_218, %add3A_220 : vector<16xi32>
      %swap3A_222 = arith.constant 1 : i32
      %swap3A_223 = arith.index_cast %swap3A_222 : i32 to index
      %swap3A_224 = arith.constant 112 : index
      %swap3A_225 = tpu.vector_load %arg8[%swap3A_223, %swap3A_224] {strides = array<i32>} : memref<13x128xi32, #tpu.memory_space<vmem>>, vector<1x16xi32>,
      %swap3A_226 = vector.shape_cast %swap3A_225 : vector<1x16xi32> to vector<16xi32>
      %swap3A_227 = vector.shape_cast %add3A_221 : vector<16xi32> to vector<1x16xi32>
      tpu.vector_store %arg8[%swap3A_223, %swap3A_224], %swap3A_227 {strides = array<i32>} : memref<13x128xi32, #tpu.memory_space<vmem>>, vector<1x16xi32>,
      %get3A_228 = arith.constant 48 : index
      %get3A_229 = tpu.vector_load %arg7[%get3A_228] {strides = array<i32>} : memref<208xi32, #tpu.memory_space<vmem>>, vector<16xi32>,
      %get3A_230 = vector.shape_cast %get3A_229 : vector<16xi32> to vector<16xi32>
      %add3A_231 = arith.constant 100000 : i32
      %add3A_232 = vector.broadcast %add3A_231 : i32 to vector<16xi32>
      %add3A_233 = arith.addi %get3A_230, %add3A_232 : vector<16xi32>
      %swap3A_234 = arith.constant 2 : i32
      %swap3A_235 = arith.index_cast %swap3A_234 : i32 to index
      %swap3A_236 = arith.constant 0 : index
      %swap3A_237 = tpu.vector_load %arg8[%swap3A_235, %swap3A_236] {strides = array<i32>} : memref<13x128xi32, #tpu.memory_space<vmem>>, vector<1x16xi32>,
      %swap3A_238 = vector.shape_cast %swap3A_237 : vector<1x16xi32> to vector<16xi32>
      %swap3A_239 = vector.shape_cast %add3A_233 : vector<16xi32> to vector<1x16xi32>
      tpu.vector_store %arg8[%swap3A_235, %swap3A_236], %swap3A_239 {strides = array<i32>} : memref<13x128xi32, #tpu.memory_space<vmem>>, vector<1x16xi32>,
      %get3A_240 = arith.constant 64 : index
      %get3A_241 = tpu.vector_load %arg7[%get3A_240] {strides = array<i32>} : memref<208xi32, #tpu.memory_space<vmem>>, vector<16xi32>,
      %get3A_242 = vector.shape_cast %get3A_241 : vector<16xi32> to vector<16xi32>
      %add3A_243 = arith.constant 100000 : i32
      %add3A_244 = vector.broadcast %add3A_243 : i32 to vector<16xi32>
      %add3A_245 = arith.addi %get3A_242, %add3A_244 : vector<16xi32>
      %swap3A_246 = arith.constant 2 : i32
      %swap3A_247 = arith.index_cast %swap3A_246 : i32 to index
      %swap3A_248 = arith.constant 16 : index
      %swap3A_249 = tpu.vector_load %arg8[%swap3A_247, %swap3A_248] {strides = array<i32>} : memref<13x128xi32, #tpu.memory_space<vmem>>, vector<1x16xi32>,
      %swap3A_250 = vector.shape_cast %swap3A_249 : vector<1x16xi32> to vector<16xi32>
      %swap3A_251 = vector.shape_cast %add3A_245 : vector<16xi32> to vector<1x16xi32>
      tpu.vector_store %arg8[%swap3A_247, %swap3A_248], %swap3A_251 {strides = array<i32>} : memref<13x128xi32, #tpu.memory_space<vmem>>, vector<1x16xi32>,
      %get3A_252 = arith.constant 80 : index
      %get3A_253 = tpu.vector_load %arg7[%get3A_252] {strides = array<i32>} : memref<208xi32, #tpu.memory_space<vmem>>, vector<16xi32>,
      %get3A_254 = vector.shape_cast %get3A_253 : vector<16xi32> to vector<16xi32>
      %add3A_255 = arith.constant 100000 : i32
      %add3A_256 = vector.broadcast %add3A_255 : i32 to vector<16xi32>
      %add3A_257 = arith.addi %get3A_254, %add3A_256 : vector<16xi32>
      %swap3A_258 = arith.constant 2 : i32
      %swap3A_259 = arith.index_cast %swap3A_258 : i32 to index
      %swap3A_260 = arith.constant 32 : index
      %swap3A_261 = tpu.vector_load %arg8[%swap3A_259, %swap3A_260] {strides = array<i32>} : memref<13x128xi32, #tpu.memory_space<vmem>>, vector<1x16xi32>,
      %swap3A_262 = vector.shape_cast %swap3A_261 : vector<1x16xi32> to vector<16xi32>
      %swap3A_263 = vector.shape_cast %add3A_257 : vector<16xi32> to vector<1x16xi32>
      tpu.vector_store %arg8[%swap3A_259, %swap3A_260], %swap3A_263 {strides = array<i32>} : memref<13x128xi32, #tpu.memory_space<vmem>>, vector<1x16xi32>,
      %get3A_264 = arith.constant 96 : index
      %get3A_265 = tpu.vector_load %arg7[%get3A_264] {strides = array<i32>} : memref<208xi32, #tpu.memory_space<vmem>>, vector<16xi32>,
      %get3A_266 = vector.shape_cast %get3A_265 : vector<16xi32> to vector<16xi32>
      %add3A_267 = arith.constant 100000 : i32
      %add3A_268 = vector.broadcast %add3A_267 : i32 to vector<16xi32>
      %add3A_269 = arith.addi %get3A_266, %add3A_268 : vector<16xi32>
      %swap3A_270 = arith.constant 2 : i32
      %swap3A_271 = arith.index_cast %swap3A_270 : i32 to index
      %swap3A_272 = arith.constant 48 : index
      %swap3A_273 = tpu.vector_load %arg8[%swap3A_271, %swap3A_272] {strides = array<i32>} : memref<13x128xi32, #tpu.memory_space<vmem>>, vector<1x16xi32>,
      %swap3A_274 = vector.shape_cast %swap3A_273 : vector<1x16xi32> to vector<16xi32>
      %swap3A_275 = vector.shape_cast %add3A_269 : vector<16xi32> to vector<1x16xi32>
      tpu.vector_store %arg8[%swap3A_271, %swap3A_272], %swap3A_275 {strides = array<i32>} : memref<13x128xi32, #tpu.memory_space<vmem>>, vector<1x16xi32>,
      %get3A_276 = arith.constant 112 : index
      %get3A_277 = tpu.vector_load %arg7[%get3A_276] {strides = array<i32>} : memref<208xi32, #tpu.memory_space<vmem>>, vector<16xi32>,
      %get3A_278 = vector.shape_cast %get3A_277 : vector<16xi32> to vector<16xi32>
      %add3A_279 = arith.constant 100000 : i32
      %add3A_280 = vector.broadcast %add3A_279 : i32 to vector<16xi32>
      %add3A_281 = arith.addi %get3A_278, %add3A_280 : vector<16xi32>
      %swap3A_282 = arith.constant 2 : i32
      %swap3A_283 = arith.index_cast %swap3A_282 : i32 to index
      %swap3A_284 = arith.constant 64 : index
      %swap3A_285 = tpu.vector_load %arg8[%swap3A_283, %swap3A_284] {strides = array<i32>} : memref<13x128xi32, #tpu.memory_space<vmem>>, vector<1x16xi32>,
      %swap3A_286 = vector.shape_cast %swap3A_285 : vector<1x16xi32> to vector<16xi32>
      %swap3A_287 = vector.shape_cast %add3A_281 : vector<16xi32> to vector<1x16xi32>
      tpu.vector_store %arg8[%swap3A_283, %swap3A_284], %swap3A_287 {strides = array<i32>} : memref<13x128xi32, #tpu.memory_space<vmem>>, vector<1x16xi32>,
      %get3A_288 = arith.constant 128 : index
      %get3A_289 = tpu.vector_load %arg7[%get3A_288] {strides = array<i32>} : memref<208xi32, #tpu.memory_space<vmem>>, vector<16xi32>,
      %get3A_290 = vector.shape_cast %get3A_289 : vector<16xi32> to vector<16xi32>
      %add3A_291 = arith.constant 100000 : i32
      %add3A_292 = vector.broadcast %add3A_291 : i32 to vector<16xi32>
      %add3A_293 = arith.addi %get3A_290, %add3A_292 : vector<16xi32>
      %swap3A_294 = arith.constant 2 : i32
      %swap3A_295 = arith.index_cast %swap3A_294 : i32 to index
      %swap3A_296 = arith.constant 80 : index
      %swap3A_297 = tpu.vector_load %arg8[%swap3A_295, %swap3A_296] {strides = array<i32>} : memref<13x128xi32, #tpu.memory_space<vmem>>, vector<1x16xi32>,
      %swap3A_298 = vector.shape_cast %swap3A_297 : vector<1x16xi32> to vector<16xi32>
      %swap3A_299 = vector.shape_cast %add3A_293 : vector<16xi32> to vector<1x16xi32>
      tpu.vector_store %arg8[%swap3A_295, %swap3A_296], %swap3A_299 {strides = array<i32>} : memref<13x128xi32, #tpu.memory_space<vmem>>, vector<1x16xi32>,
      %get3A_300 = arith.constant 144 : index
      %get3A_301 = tpu.vector_load %arg7[%get3A_300] {strides = array<i32>} : memref<208xi32, #tpu.memory_space<vmem>>, vector<16xi32>,
      %get3A_302 = vector.shape_cast %get3A_301 : vector<16xi32> to vector<16xi32>
      %add3A_303 = arith.constant 100000 : i32
      %add3A_304 = vector.broadcast %add3A_303 : i32 to vector<16xi32>
      %add3A_305 = arith.addi %get3A_302, %add3A_304 : vector<16xi32>
      %swap3A_306 = arith.constant 2 : i32
      %swap3A_307 = arith.index_cast %swap3A_306 : i32 to index
      %swap3A_308 = arith.constant 96 : index
      %swap3A_309 = tpu.vector_load %arg8[%swap3A_307, %swap3A_308] {strides = array<i32>} : memref<13x128xi32, #tpu.memory_space<vmem>>, vector<1x16xi32>,
      %swap3A_310 = vector.shape_cast %swap3A_309 : vector<1x16xi32> to vector<16xi32>
      %swap3A_311 = vector.shape_cast %add3A_305 : vector<16xi32> to vector<1x16xi32>
      tpu.vector_store %arg8[%swap3A_307, %swap3A_308], %swap3A_311 {strides = array<i32>} : memref<13x128xi32, #tpu.memory_space<vmem>>, vector<1x16xi32>,
      %get3A_312 = arith.constant 160 : index
      %get3A_313 = tpu.vector_load %arg7[%get3A_312] {strides = array<i32>} : memref<208xi32, #tpu.memory_space<vmem>>, vector<16xi32>,
      %get3A_314 = vector.shape_cast %get3A_313 : vector<16xi32> to vector<16xi32>
      %add3A_315 = arith.constant 100000 : i32
      %add3A_316 = vector.broadcast %add3A_315 : i32 to vector<16xi32>
      %add3A_317 = arith.addi %get3A_314, %add3A_316 : vector<16xi32>
      %swap3A_318 = arith.constant 2 : i32
      %swap3A_319 = arith.index_cast %swap3A_318 : i32 to index
      %swap3A_320 = arith.constant 112 : index
      %swap3A_321 = tpu.vector_load %arg8[%swap3A_319, %swap3A_320] {strides = array<i32>} : memref<13x128xi32, #tpu.memory_space<vmem>>, vector<1x16xi32>,
      %swap3A_322 = vector.shape_cast %swap3A_321 : vector<1x16xi32> to vector<16xi32>
      %swap3A_323 = vector.shape_cast %add3A_317 : vector<16xi32> to vector<1x16xi32>
      tpu.vector_store %arg8[%swap3A_319, %swap3A_320], %swap3A_323 {strides = array<i32>} : memref<13x128xi32, #tpu.memory_space<vmem>>, vector<1x16xi32>,
      %get3A_324 = arith.constant 176 : index
      %get3A_325 = tpu.vector_load %arg7[%get3A_324] {strides = array<i32>} : memref<208xi32, #tpu.memory_space<vmem>>, vector<16xi32>,
      %get3A_326 = vector.shape_cast %get3A_325 : vector<16xi32> to vector<16xi32>
      %add3A_327 = arith.constant 100000 : i32
      %add3A_328 = vector.broadcast %add3A_327 : i32 to vector<16xi32>
      %add3A_329 = arith.addi %get3A_326, %add3A_328 : vector<16xi32>
      %swap3A_330 = arith.constant 3 : i32
      %swap3A_331 = arith.index_cast %swap3A_330 : i32 to index
      %swap3A_332 = arith.constant 0 : index
      %swap3A_333 = tpu.vector_load %arg8[%swap3A_331, %swap3A_332] {strides = array<i32>} : memref<13x128xi32, #tpu.memory_space<vmem>>, vector<1x16xi32>,
      %swap3A_334 = vector.shape_cast %swap3A_333 : vector<1x16xi32> to vector<16xi32>
      %swap3A_335 = vector.shape_cast %add3A_329 : vector<16xi32> to vector<1x16xi32>
      tpu.vector_store %arg8[%swap3A_331, %swap3A_332], %swap3A_335 {strides = array<i32>} : memref<13x128xi32, #tpu.memory_space<vmem>>, vector<1x16xi32>,
      %get3A_336 = arith.constant 192 : index
      %get3A_337 = tpu.vector_load %arg7[%get3A_336] {strides = array<i32>} : memref<208xi32, #tpu.memory_space<vmem>>, vector<16xi32>,
      %get3A_338 = vector.shape_cast %get3A_337 : vector<16xi32> to vector<16xi32>
      %add3A_339 = arith.constant 100000 : i32
      %add3A_340 = vector.broadcast %add3A_339 : i32 to vector<16xi32>
      %add3A_341 = arith.addi %get3A_338, %add3A_340 : vector<16xi32>
      %swap3A_342 = arith.constant 3 : i32
      %swap3A_343 = arith.index_cast %swap3A_342 : i32 to index
      %swap3A_344 = arith.constant 16 : index
      %swap3A_345 = tpu.vector_load %arg8[%swap3A_343, %swap3A_344] {strides = array<i32>} : memref<13x128xi32, #tpu.memory_space<vmem>>, vector<1x16xi32>,
      %swap3A_346 = vector.shape_cast %swap3A_345 : vector<1x16xi32> to vector<16xi32>
      %swap3A_347 = vector.shape_cast %add3A_341 : vector<16xi32> to vector<1x16xi32>
      tpu.vector_store %arg8[%swap3A_343, %swap3A_344], %swap3A_347 {strides = array<i32>} : memref<13x128xi32, #tpu.memory_space<vmem>>, vector<1x16xi32>,
      %get3A_348 = arith.constant 0 : index
      %get3A_349 = tpu.vector_load %arg7[%get3A_348] {strides = array<i32>} : memref<208xi32, #tpu.memory_space<vmem>>, vector<16xi32>,
      %get3A_350 = vector.shape_cast %get3A_349 : vector<16xi32> to vector<16xi32>
      %add3A_351 = arith.constant 200000 : i32
      %add3A_352 = vector.broadcast %add3A_351 : i32 to vector<16xi32>
      %add3A_353 = arith.addi %get3A_350, %add3A_352 : vector<16xi32>
      %swap3A_354 = arith.constant 3 : i32
      %swap3A_355 = arith.index_cast %swap3A_354 : i32 to index
      %swap3A_356 = arith.constant 32 : index
      %swap3A_357 = tpu.vector_load %arg8[%swap3A_355, %swap3A_356] {strides = array<i32>} : memref<13x128xi32, #tpu.memory_space<vmem>>, vector<1x16xi32>,
      %swap3A_358 = vector.shape_cast %swap3A_357 : vector<1x16xi32> to vector<16xi32>
      %swap3A_359 = vector.shape_cast %add3A_353 : vector<16xi32> to vector<1x16xi32>
      tpu.vector_store %arg8[%swap3A_355, %swap3A_356], %swap3A_359 {strides = array<i32>} : memref<13x128xi32, #tpu.memory_space<vmem>>, vector<1x16xi32>,
      %get3A_360 = arith.constant 16 : index
      %get3A_361 = tpu.vector_load %arg7[%get3A_360] {strides = array<i32>} : memref<208xi32, #tpu.memory_space<vmem>>, vector<16xi32>,
      %get3A_362 = vector.shape_cast %get3A_361 : vector<16xi32> to vector<16xi32>
      %add3A_363 = arith.constant 200000 : i32
      %add3A_364 = vector.broadcast %add3A_363 : i32 to vector<16xi32>
      %add3A_365 = arith.addi %get3A_362, %add3A_364 : vector<16xi32>
      %swap3A_366 = arith.constant 3 : i32
      %swap3A_367 = arith.index_cast %swap3A_366 : i32 to index
      %swap3A_368 = arith.constant 48 : index
      %swap3A_369 = tpu.vector_load %arg8[%swap3A_367, %swap3A_368] {strides = array<i32>} : memref<13x128xi32, #tpu.memory_space<vmem>>, vector<1x16xi32>,
      %swap3A_370 = vector.shape_cast %swap3A_369 : vector<1x16xi32> to vector<16xi32>
      %swap3A_371 = vector.shape_cast %add3A_365 : vector<16xi32> to vector<1x16xi32>
      tpu.vector_store %arg8[%swap3A_367, %swap3A_368], %swap3A_371 {strides = array<i32>} : memref<13x128xi32, #tpu.memory_space<vmem>>, vector<1x16xi32>,
      %get3A_372 = arith.constant 32 : index
      %get3A_373 = tpu.vector_load %arg7[%get3A_372] {strides = array<i32>} : memref<208xi32, #tpu.memory_space<vmem>>, vector<16xi32>,
      %get3A_374 = vector.shape_cast %get3A_373 : vector<16xi32> to vector<16xi32>
      %add3A_375 = arith.constant 200000 : i32
      %add3A_376 = vector.broadcast %add3A_375 : i32 to vector<16xi32>
      %add3A_377 = arith.addi %get3A_374, %add3A_376 : vector<16xi32>
      %swap3A_378 = arith.constant 3 : i32
      %swap3A_379 = arith.index_cast %swap3A_378 : i32 to index
      %swap3A_380 = arith.constant 64 : index
      %swap3A_381 = tpu.vector_load %arg8[%swap3A_379, %swap3A_380] {strides = array<i32>} : memref<13x128xi32, #tpu.memory_space<vmem>>, vector<1x16xi32>,
      %swap3A_382 = vector.shape_cast %swap3A_381 : vector<1x16xi32> to vector<16xi32>
      %swap3A_383 = vector.shape_cast %add3A_377 : vector<16xi32> to vector<1x16xi32>
      tpu.vector_store %arg8[%swap3A_379, %swap3A_380], %swap3A_383 {strides = array<i32>} : memref<13x128xi32, #tpu.memory_space<vmem>>, vector<1x16xi32>,
      %get3A_384 = arith.constant 48 : index
      %get3A_385 = tpu.vector_load %arg7[%get3A_384] {strides = array<i32>} : memref<208xi32, #tpu.memory_space<vmem>>, vector<16xi32>,
      %get3A_386 = vector.shape_cast %get3A_385 : vector<16xi32> to vector<16xi32>
      %add3A_387 = arith.constant 200000 : i32
      %add3A_388 = vector.broadcast %add3A_387 : i32 to vector<16xi32>
      %add3A_389 = arith.addi %get3A_386, %add3A_388 : vector<16xi32>
      %swap3A_390 = arith.constant 3 : i32
      %swap3A_391 = arith.index_cast %swap3A_390 : i32 to index
      %swap3A_392 = arith.constant 80 : index
      %swap3A_393 = tpu.vector_load %arg8[%swap3A_391, %swap3A_392] {strides = array<i32>} : memref<13x128xi32, #tpu.memory_space<vmem>>, vector<1x16xi32>,
      %swap3A_394 = vector.shape_cast %swap3A_393 : vector<1x16xi32> to vector<16xi32>
      %swap3A_395 = vector.shape_cast %add3A_389 : vector<16xi32> to vector<1x16xi32>
      tpu.vector_store %arg8[%swap3A_391, %swap3A_392], %swap3A_395 {strides = array<i32>} : memref<13x128xi32, #tpu.memory_space<vmem>>, vector<1x16xi32>,
      %get3A_396 = arith.constant 64 : index
      %get3A_397 = tpu.vector_load %arg7[%get3A_396] {strides = array<i32>} : memref<208xi32, #tpu.memory_space<vmem>>, vector<16xi32>,
      %get3A_398 = vector.shape_cast %get3A_397 : vector<16xi32> to vector<16xi32>
      %add3A_399 = arith.constant 200000 : i32
      %add3A_400 = vector.broadcast %add3A_399 : i32 to vector<16xi32>
      %add3A_401 = arith.addi %get3A_398, %add3A_400 : vector<16xi32>
      %swap3A_402 = arith.constant 3 : i32
      %swap3A_403 = arith.index_cast %swap3A_402 : i32 to index
      %swap3A_404 = arith.constant 96 : index
      %swap3A_405 = tpu.vector_load %arg8[%swap3A_403, %swap3A_404] {strides = array<i32>} : memref<13x128xi32, #tpu.memory_space<vmem>>, vector<1x16xi32>,
      %swap3A_406 = vector.shape_cast %swap3A_405 : vector<1x16xi32> to vector<16xi32>
      %swap3A_407 = vector.shape_cast %add3A_401 : vector<16xi32> to vector<1x16xi32>
      tpu.vector_store %arg8[%swap3A_403, %swap3A_404], %swap3A_407 {strides = array<i32>} : memref<13x128xi32, #tpu.memory_space<vmem>>, vector<1x16xi32>,
      %get3A_408 = arith.constant 80 : index
      %get3A_409 = tpu.vector_load %arg7[%get3A_408] {strides = array<i32>} : memref<208xi32, #tpu.memory_space<vmem>>, vector<16xi32>,
      %get3A_410 = vector.shape_cast %get3A_409 : vector<16xi32> to vector<16xi32>
      %add3A_411 = arith.constant 200000 : i32
      %add3A_412 = vector.broadcast %add3A_411 : i32 to vector<16xi32>
      %add3A_413 = arith.addi %get3A_410, %add3A_412 : vector<16xi32>
      %swap3A_414 = arith.constant 3 : i32
      %swap3A_415 = arith.index_cast %swap3A_414 : i32 to index
      %swap3A_416 = arith.constant 112 : index
      %swap3A_417 = tpu.vector_load %arg8[%swap3A_415, %swap3A_416] {strides = array<i32>} : memref<13x128xi32, #tpu.memory_space<vmem>>, vector<1x16xi32>,
      %swap3A_418 = vector.shape_cast %swap3A_417 : vector<1x16xi32> to vector<16xi32>
      %swap3A_419 = vector.shape_cast %add3A_413 : vector<16xi32> to vector<1x16xi32>
      tpu.vector_store %arg8[%swap3A_415, %swap3A_416], %swap3A_419 {strides = array<i32>} : memref<13x128xi32, #tpu.memory_space<vmem>>, vector<1x16xi32>,
      %get3A_420 = arith.constant 96 : index
      %get3A_421 = tpu.vector_load %arg7[%get3A_420] {strides = array<i32>} : memref<208xi32, #tpu.memory_space<vmem>>, vector<16xi32>,
      %get3A_422 = vector.shape_cast %get3A_421 : vector<16xi32> to vector<16xi32>
      %add3A_423 = arith.constant 200000 : i32
      %add3A_424 = vector.broadcast %add3A_423 : i32 to vector<16xi32>
      %add3A_425 = arith.addi %get3A_422, %add3A_424 : vector<16xi32>
      %swap3A_426 = arith.constant 4 : i32
      %swap3A_427 = arith.index_cast %swap3A_426 : i32 to index
      %swap3A_428 = arith.constant 0 : index
      %swap3A_429 = tpu.vector_load %arg8[%swap3A_427, %swap3A_428] {strides = array<i32>} : memref<13x128xi32, #tpu.memory_space<vmem>>, vector<1x16xi32>,
      %swap3A_430 = vector.shape_cast %swap3A_429 : vector<1x16xi32> to vector<16xi32>
      %swap3A_431 = vector.shape_cast %add3A_425 : vector<16xi32> to vector<1x16xi32>
      tpu.vector_store %arg8[%swap3A_427, %swap3A_428], %swap3A_431 {strides = array<i32>} : memref<13x128xi32, #tpu.memory_space<vmem>>, vector<1x16xi32>,
      %get3A_432 = arith.constant 112 : index
      %get3A_433 = tpu.vector_load %arg7[%get3A_432] {strides = array<i32>} : memref<208xi32, #tpu.memory_space<vmem>>, vector<16xi32>,
      %get3A_434 = vector.shape_cast %get3A_433 : vector<16xi32> to vector<16xi32>
      %add3A_435 = arith.constant 200000 : i32
      %add3A_436 = vector.broadcast %add3A_435 : i32 to vector<16xi32>
      %add3A_437 = arith.addi %get3A_434, %add3A_436 : vector<16xi32>
      %swap3A_438 = arith.constant 4 : i32
      %swap3A_439 = arith.index_cast %swap3A_438 : i32 to index
      %swap3A_440 = arith.constant 16 : index
      %swap3A_441 = tpu.vector_load %arg8[%swap3A_439, %swap3A_440] {strides = array<i32>} : memref<13x128xi32, #tpu.memory_space<vmem>>, vector<1x16xi32>,
      %swap3A_442 = vector.shape_cast %swap3A_441 : vector<1x16xi32> to vector<16xi32>
      %swap3A_443 = vector.shape_cast %add3A_437 : vector<16xi32> to vector<1x16xi32>
      tpu.vector_store %arg8[%swap3A_439, %swap3A_440], %swap3A_443 {strides = array<i32>} : memref<13x128xi32, #tpu.memory_space<vmem>>, vector<1x16xi32>,
      %get3A_444 = arith.constant 128 : index
      %get3A_445 = tpu.vector_load %arg7[%get3A_444] {strides = array<i32>} : memref<208xi32, #tpu.memory_space<vmem>>, vector<16xi32>,
      %get3A_446 = vector.shape_cast %get3A_445 : vector<16xi32> to vector<16xi32>
      %add3A_447 = arith.constant 200000 : i32
      %add3A_448 = vector.broadcast %add3A_447 : i32 to vector<16xi32>
      %add3A_449 = arith.addi %get3A_446, %add3A_448 : vector<16xi32>
      %swap3A_450 = arith.constant 4 : i32
      %swap3A_451 = arith.index_cast %swap3A_450 : i32 to index
      %swap3A_452 = arith.constant 32 : index
      %swap3A_453 = tpu.vector_load %arg8[%swap3A_451, %swap3A_452] {strides = array<i32>} : memref<13x128xi32, #tpu.memory_space<vmem>>, vector<1x16xi32>,
      %swap3A_454 = vector.shape_cast %swap3A_453 : vector<1x16xi32> to vector<16xi32>
      %swap3A_455 = vector.shape_cast %add3A_449 : vector<16xi32> to vector<1x16xi32>
      tpu.vector_store %arg8[%swap3A_451, %swap3A_452], %swap3A_455 {strides = array<i32>} : memref<13x128xi32, #tpu.memory_space<vmem>>, vector<1x16xi32>,
      %get3A_456 = arith.constant 144 : index
      %get3A_457 = tpu.vector_load %arg7[%get3A_456] {strides = array<i32>} : memref<208xi32, #tpu.memory_space<vmem>>, vector<16xi32>,
      %get3A_458 = vector.shape_cast %get3A_457 : vector<16xi32> to vector<16xi32>
      %add3A_459 = arith.constant 200000 : i32
      %add3A_460 = vector.broadcast %add3A_459 : i32 to vector<16xi32>
      %add3A_461 = arith.addi %get3A_458, %add3A_460 : vector<16xi32>
      %swap3A_462 = arith.constant 4 : i32
      %swap3A_463 = arith.index_cast %swap3A_462 : i32 to index
      %swap3A_464 = arith.constant 48 : index
      %swap3A_465 = tpu.vector_load %arg8[%swap3A_463, %swap3A_464] {strides = array<i32>} : memref<13x128xi32, #tpu.memory_space<vmem>>, vector<1x16xi32>,
      %swap3A_466 = vector.shape_cast %swap3A_465 : vector<1x16xi32> to vector<16xi32>
      %swap3A_467 = vector.shape_cast %add3A_461 : vector<16xi32> to vector<1x16xi32>
      tpu.vector_store %arg8[%swap3A_463, %swap3A_464], %swap3A_467 {strides = array<i32>} : memref<13x128xi32, #tpu.memory_space<vmem>>, vector<1x16xi32>,
      %get3A_468 = arith.constant 160 : index
      %get3A_469 = tpu.vector_load %arg7[%get3A_468] {strides = array<i32>} : memref<208xi32, #tpu.memory_space<vmem>>, vector<16xi32>,
      %get3A_470 = vector.shape_cast %get3A_469 : vector<16xi32> to vector<16xi32>
      %add3A_471 = arith.constant 200000 : i32
      %add3A_472 = vector.broadcast %add3A_471 : i32 to vector<16xi32>
      %add3A_473 = arith.addi %get3A_470, %add3A_472 : vector<16xi32>
      %swap3A_474 = arith.constant 4 : i32
      %swap3A_475 = arith.index_cast %swap3A_474 : i32 to index
      %swap3A_476 = arith.constant 64 : index
      %swap3A_477 = tpu.vector_load %arg8[%swap3A_475, %swap3A_476] {strides = array<i32>} : memref<13x128xi32, #tpu.memory_space<vmem>>, vector<1x16xi32>,
      %swap3A_478 = vector.shape_cast %swap3A_477 : vector<1x16xi32> to vector<16xi32>
      %swap3A_479 = vector.shape_cast %add3A_473 : vector<16xi32> to vector<1x16xi32>
      tpu.vector_store %arg8[%swap3A_475, %swap3A_476], %swap3A_479 {strides = array<i32>} : memref<13x128xi32, #tpu.memory_space<vmem>>, vector<1x16xi32>,
      %get3A_480 = arith.constant 176 : index
      %get3A_481 = tpu.vector_load %arg7[%get3A_480] {strides = array<i32>} : memref<208xi32, #tpu.memory_space<vmem>>, vector<16xi32>,
      %get3A_482 = vector.shape_cast %get3A_481 : vector<16xi32> to vector<16xi32>
      %add3A_483 = arith.constant 200000 : i32
      %add3A_484 = vector.broadcast %add3A_483 : i32 to vector<16xi32>
      %add3A_485 = arith.addi %get3A_482, %add3A_484 : vector<16xi32>
      %swap3A_486 = arith.constant 4 : i32
      %swap3A_487 = arith.index_cast %swap3A_486 : i32 to index
      %swap3A_488 = arith.constant 80 : index
      %swap3A_489 = tpu.vector_load %arg8[%swap3A_487, %swap3A_488] {strides = array<i32>} : memref<13x128xi32, #tpu.memory_space<vmem>>, vector<1x16xi32>,
      %swap3A_490 = vector.shape_cast %swap3A_489 : vector<1x16xi32> to vector<16xi32>
      %swap3A_491 = vector.shape_cast %add3A_485 : vector<16xi32> to vector<1x16xi32>
      tpu.vector_store %arg8[%swap3A_487, %swap3A_488], %swap3A_491 {strides = array<i32>} : memref<13x128xi32, #tpu.memory_space<vmem>>, vector<1x16xi32>,
      %get3A_492 = arith.constant 192 : index
      %get3A_493 = tpu.vector_load %arg7[%get3A_492] {strides = array<i32>} : memref<208xi32, #tpu.memory_space<vmem>>, vector<16xi32>,
      %get3A_494 = vector.shape_cast %get3A_493 : vector<16xi32> to vector<16xi32>
      %add3A_495 = arith.constant 200000 : i32
      %add3A_496 = vector.broadcast %add3A_495 : i32 to vector<16xi32>
      %add3A_497 = arith.addi %get3A_494, %add3A_496 : vector<16xi32>
      %swap3A_498 = arith.constant 4 : i32
      %swap3A_499 = arith.index_cast %swap3A_498 : i32 to index
      %swap3A_500 = arith.constant 96 : index
      %swap3A_501 = tpu.vector_load %arg8[%swap3A_499, %swap3A_500] {strides = array<i32>} : memref<13x128xi32, #tpu.memory_space<vmem>>, vector<1x16xi32>,
      %swap3A_502 = vector.shape_cast %swap3A_501 : vector<1x16xi32> to vector<16xi32>
      %swap3A_503 = vector.shape_cast %add3A_497 : vector<16xi32> to vector<1x16xi32>
      tpu.vector_store %arg8[%swap3A_499, %swap3A_500], %swap3A_503 {strides = array<i32>} : memref<13x128xi32, #tpu.memory_space<vmem>>, vector<1x16xi32>,
      %get3A_504 = arith.constant 0 : index
      %get3A_505 = tpu.vector_load %arg7[%get3A_504] {strides = array<i32>} : memref<208xi32, #tpu.memory_space<vmem>>, vector<16xi32>,
      %get3A_506 = vector.shape_cast %get3A_505 : vector<16xi32> to vector<16xi32>
      %add3A_507 = arith.constant 300000 : i32
      %add3A_508 = vector.broadcast %add3A_507 : i32 to vector<16xi32>
      %add3A_509 = arith.addi %get3A_506, %add3A_508 : vector<16xi32>
      %swap3A_510 = arith.constant 4 : i32
      %swap3A_511 = arith.index_cast %swap3A_510 : i32 to index
      %swap3A_512 = arith.constant 112 : index
      %swap3A_513 = tpu.vector_load %arg8[%swap3A_511, %swap3A_512] {strides = array<i32>} : memref<13x128xi32, #tpu.memory_space<vmem>>, vector<1x16xi32>,
      %swap3A_514 = vector.shape_cast %swap3A_513 : vector<1x16xi32> to vector<16xi32>
      %swap3A_515 = vector.shape_cast %add3A_509 : vector<16xi32> to vector<1x16xi32>
      tpu.vector_store %arg8[%swap3A_511, %swap3A_512], %swap3A_515 {strides = array<i32>} : memref<13x128xi32, #tpu.memory_space<vmem>>, vector<1x16xi32>,
      %get3A_516 = arith.constant 16 : index
      %get3A_517 = tpu.vector_load %arg7[%get3A_516] {strides = array<i32>} : memref<208xi32, #tpu.memory_space<vmem>>, vector<16xi32>,
      %get3A_518 = vector.shape_cast %get3A_517 : vector<16xi32> to vector<16xi32>
      %add3A_519 = arith.constant 300000 : i32
      %add3A_520 = vector.broadcast %add3A_519 : i32 to vector<16xi32>
      %add3A_521 = arith.addi %get3A_518, %add3A_520 : vector<16xi32>
      %swap3A_522 = arith.constant 5 : i32
      %swap3A_523 = arith.index_cast %swap3A_522 : i32 to index
      %swap3A_524 = arith.constant 0 : index
      %swap3A_525 = tpu.vector_load %arg8[%swap3A_523, %swap3A_524] {strides = array<i32>} : memref<13x128xi32, #tpu.memory_space<vmem>>, vector<1x16xi32>,
      %swap3A_526 = vector.shape_cast %swap3A_525 : vector<1x16xi32> to vector<16xi32>
      %swap3A_527 = vector.shape_cast %add3A_521 : vector<16xi32> to vector<1x16xi32>
      tpu.vector_store %arg8[%swap3A_523, %swap3A_524], %swap3A_527 {strides = array<i32>} : memref<13x128xi32, #tpu.memory_space<vmem>>, vector<1x16xi32>,
      %get3A_528 = arith.constant 32 : index
      %get3A_529 = tpu.vector_load %arg7[%get3A_528] {strides = array<i32>} : memref<208xi32, #tpu.memory_space<vmem>>, vector<16xi32>,
      %get3A_530 = vector.shape_cast %get3A_529 : vector<16xi32> to vector<16xi32>
      %add3A_531 = arith.constant 300000 : i32
      %add3A_532 = vector.broadcast %add3A_531 : i32 to vector<16xi32>
      %add3A_533 = arith.addi %get3A_530, %add3A_532 : vector<16xi32>
      %swap3A_534 = arith.constant 5 : i32
      %swap3A_535 = arith.index_cast %swap3A_534 : i32 to index
      %swap3A_536 = arith.constant 16 : index
      %swap3A_537 = tpu.vector_load %arg8[%swap3A_535, %swap3A_536] {strides = array<i32>} : memref<13x128xi32, #tpu.memory_space<vmem>>, vector<1x16xi32>,
      %swap3A_538 = vector.shape_cast %swap3A_537 : vector<1x16xi32> to vector<16xi32>
      %swap3A_539 = vector.shape_cast %add3A_533 : vector<16xi32> to vector<1x16xi32>
      tpu.vector_store %arg8[%swap3A_535, %swap3A_536], %swap3A_539 {strides = array<i32>} : memref<13x128xi32, #tpu.memory_space<vmem>>, vector<1x16xi32>,
      %get3A_540 = arith.constant 48 : index
      %get3A_541 = tpu.vector_load %arg7[%get3A_540] {strides = array<i32>} : memref<208xi32, #tpu.memory_space<vmem>>, vector<16xi32>,
      %get3A_542 = vector.shape_cast %get3A_541 : vector<16xi32> to vector<16xi32>
      %add3A_543 = arith.constant 300000 : i32
      %add3A_544 = vector.broadcast %add3A_543 : i32 to vector<16xi32>
      %add3A_545 = arith.addi %get3A_542, %add3A_544 : vector<16xi32>
      %swap3A_546 = arith.constant 5 : i32
      %swap3A_547 = arith.index_cast %swap3A_546 : i32 to index
      %swap3A_548 = arith.constant 32 : index
      %swap3A_549 = tpu.vector_load %arg8[%swap3A_547, %swap3A_548] {strides = array<i32>} : memref<13x128xi32, #tpu.memory_space<vmem>>, vector<1x16xi32>,
      %swap3A_550 = vector.shape_cast %swap3A_549 : vector<1x16xi32> to vector<16xi32>
      %swap3A_551 = vector.shape_cast %add3A_545 : vector<16xi32> to vector<1x16xi32>
      tpu.vector_store %arg8[%swap3A_547, %swap3A_548], %swap3A_551 {strides = array<i32>} : memref<13x128xi32, #tpu.memory_space<vmem>>, vector<1x16xi32>,
      %get3A_552 = arith.constant 64 : index
      %get3A_553 = tpu.vector_load %arg7[%get3A_552] {strides = array<i32>} : memref<208xi32, #tpu.memory_space<vmem>>, vector<16xi32>,
      %get3A_554 = vector.shape_cast %get3A_553 : vector<16xi32> to vector<16xi32>
      %add3A_555 = arith.constant 300000 : i32
      %add3A_556 = vector.broadcast %add3A_555 : i32 to vector<16xi32>
      %add3A_557 = arith.addi %get3A_554, %add3A_556 : vector<16xi32>
      %swap3A_558 = arith.constant 5 : i32
      %swap3A_559 = arith.index_cast %swap3A_558 : i32 to index
      %swap3A_560 = arith.constant 48 : index
      %swap3A_561 = tpu.vector_load %arg8[%swap3A_559, %swap3A_560] {strides = array<i32>} : memref<13x128xi32, #tpu.memory_space<vmem>>, vector<1x16xi32>,
      %swap3A_562 = vector.shape_cast %swap3A_561 : vector<1x16xi32> to vector<16xi32>
      %swap3A_563 = vector.shape_cast %add3A_557 : vector<16xi32> to vector<1x16xi32>
      tpu.vector_store %arg8[%swap3A_559, %swap3A_560], %swap3A_563 {strides = array<i32>} : memref<13x128xi32, #tpu.memory_space<vmem>>, vector<1x16xi32>,
      %get3A_564 = arith.constant 80 : index
      %get3A_565 = tpu.vector_load %arg7[%get3A_564] {strides = array<i32>} : memref<208xi32, #tpu.memory_space<vmem>>, vector<16xi32>,
      %get3A_566 = vector.shape_cast %get3A_565 : vector<16xi32> to vector<16xi32>
      %add3A_567 = arith.constant 300000 : i32
      %add3A_568 = vector.broadcast %add3A_567 : i32 to vector<16xi32>
      %add3A_569 = arith.addi %get3A_566, %add3A_568 : vector<16xi32>
      %swap3A_570 = arith.constant 5 : i32
      %swap3A_571 = arith.index_cast %swap3A_570 : i32 to index
      %swap3A_572 = arith.constant 64 : index
      %swap3A_573 = tpu.vector_load %arg8[%swap3A_571, %swap3A_572] {strides = array<i32>} : memref<13x128xi32, #tpu.memory_space<vmem>>, vector<1x16xi32>,
      %swap3A_574 = vector.shape_cast %swap3A_573 : vector<1x16xi32> to vector<16xi32>
      %swap3A_575 = vector.shape_cast %add3A_569 : vector<16xi32> to vector<1x16xi32>
      tpu.vector_store %arg8[%swap3A_571, %swap3A_572], %swap3A_575 {strides = array<i32>} : memref<13x128xi32, #tpu.memory_space<vmem>>, vector<1x16xi32>,
      %get3A_576 = arith.constant 96 : index
      %get3A_577 = tpu.vector_load %arg7[%get3A_576] {strides = array<i32>} : memref<208xi32, #tpu.memory_space<vmem>>, vector<16xi32>,
      %get3A_578 = vector.shape_cast %get3A_577 : vector<16xi32> to vector<16xi32>
      %add3A_579 = arith.constant 300000 : i32
      %add3A_580 = vector.broadcast %add3A_579 : i32 to vector<16xi32>
      %add3A_581 = arith.addi %get3A_578, %add3A_580 : vector<16xi32>
      %swap3A_582 = arith.constant 5 : i32
      %swap3A_583 = arith.index_cast %swap3A_582 : i32 to index
      %swap3A_584 = arith.constant 80 : index
      %swap3A_585 = tpu.vector_load %arg8[%swap3A_583, %swap3A_584] {strides = array<i32>} : memref<13x128xi32, #tpu.memory_space<vmem>>, vector<1x16xi32>,
      %swap3A_586 = vector.shape_cast %swap3A_585 : vector<1x16xi32> to vector<16xi32>
      %swap3A_587 = vector.shape_cast %add3A_581 : vector<16xi32> to vector<1x16xi32>
      tpu.vector_store %arg8[%swap3A_583, %swap3A_584], %swap3A_587 {strides = array<i32>} : memref<13x128xi32, #tpu.memory_space<vmem>>, vector<1x16xi32>,
      %get3A_588 = arith.constant 112 : index
      %get3A_589 = tpu.vector_load %arg7[%get3A_588] {strides = array<i32>} : memref<208xi32, #tpu.memory_space<vmem>>, vector<16xi32>,
      %get3A_590 = vector.shape_cast %get3A_589 : vector<16xi32> to vector<16xi32>
      %add3A_591 = arith.constant 300000 : i32
      %add3A_592 = vector.broadcast %add3A_591 : i32 to vector<16xi32>
      %add3A_593 = arith.addi %get3A_590, %add3A_592 : vector<16xi32>
      %swap3A_594 = arith.constant 5 : i32
      %swap3A_595 = arith.index_cast %swap3A_594 : i32 to index
      %swap3A_596 = arith.constant 96 : index
      %swap3A_597 = tpu.vector_load %arg8[%swap3A_595, %swap3A_596] {strides = array<i32>} : memref<13x128xi32, #tpu.memory_space<vmem>>, vector<1x16xi32>,
      %swap3A_598 = vector.shape_cast %swap3A_597 : vector<1x16xi32> to vector<16xi32>
      %swap3A_599 = vector.shape_cast %add3A_593 : vector<16xi32> to vector<1x16xi32>
      tpu.vector_store %arg8[%swap3A_595, %swap3A_596], %swap3A_599 {strides = array<i32>} : memref<13x128xi32, #tpu.memory_space<vmem>>, vector<1x16xi32>,
      %get3A_600 = arith.constant 128 : index
      %get3A_601 = tpu.vector_load %arg7[%get3A_600] {strides = array<i32>} : memref<208xi32, #tpu.memory_space<vmem>>, vector<16xi32>,
      %get3A_602 = vector.shape_cast %get3A_601 : vector<16xi32> to vector<16xi32>
      %add3A_603 = arith.constant 300000 : i32
      %add3A_604 = vector.broadcast %add3A_603 : i32 to vector<16xi32>
      %add3A_605 = arith.addi %get3A_602, %add3A_604 : vector<16xi32>
      %swap3A_606 = arith.constant 5 : i32
      %swap3A_607 = arith.index_cast %swap3A_606 : i32 to index
      %swap3A_608 = arith.constant 112 : index
      %swap3A_609 = tpu.vector_load %arg8[%swap3A_607, %swap3A_608] {strides = array<i32>} : memref<13x128xi32, #tpu.memory_space<vmem>>, vector<1x16xi32>,
      %swap3A_610 = vector.shape_cast %swap3A_609 : vector<1x16xi32> to vector<16xi32>
      %swap3A_611 = vector.shape_cast %add3A_605 : vector<16xi32> to vector<1x16xi32>
      tpu.vector_store %arg8[%swap3A_607, %swap3A_608], %swap3A_611 {strides = array<i32>} : memref<13x128xi32, #tpu.memory_space<vmem>>, vector<1x16xi32>,
      %get3A_612 = arith.constant 144 : index
      %get3A_613 = tpu.vector_load %arg7[%get3A_612] {strides = array<i32>} : memref<208xi32, #tpu.memory_space<vmem>>, vector<16xi32>,
      %get3A_614 = vector.shape_cast %get3A_613 : vector<16xi32> to vector<16xi32>
      %add3A_615 = arith.constant 300000 : i32
      %add3A_616 = vector.broadcast %add3A_615 : i32 to vector<16xi32>
      %add3A_617 = arith.addi %get3A_614, %add3A_616 : vector<16xi32>
      %swap3A_618 = arith.constant 6 : i32
      %swap3A_619 = arith.index_cast %swap3A_618 : i32 to index
      %swap3A_620 = arith.constant 0 : index
      %swap3A_621 = tpu.vector_load %arg8[%swap3A_619, %swap3A_620] {strides = array<i32>} : memref<13x128xi32, #tpu.memory_space<vmem>>, vector<1x16xi32>,
      %swap3A_622 = vector.shape_cast %swap3A_621 : vector<1x16xi32> to vector<16xi32>
      %swap3A_623 = vector.shape_cast %add3A_617 : vector<16xi32> to vector<1x16xi32>
      tpu.vector_store %arg8[%swap3A_619, %swap3A_620], %swap3A_623 {strides = array<i32>} : memref<13x128xi32, #tpu.memory_space<vmem>>, vector<1x16xi32>,
      %get3A_624 = arith.constant 160 : index
      %get3A_625 = tpu.vector_load %arg7[%get3A_624] {strides = array<i32>} : memref<208xi32, #tpu.memory_space<vmem>>, vector<16xi32>,
      %get3A_626 = vector.shape_cast %get3A_625 : vector<16xi32> to vector<16xi32>
      %add3A_627 = arith.constant 300000 : i32
      %add3A_628 = vector.broadcast %add3A_627 : i32 to vector<16xi32>
      %add3A_629 = arith.addi %get3A_626, %add3A_628 : vector<16xi32>
      %swap3A_630 = arith.constant 6 : i32
      %swap3A_631 = arith.index_cast %swap3A_630 : i32 to index
      %swap3A_632 = arith.constant 16 : index
      %swap3A_633 = tpu.vector_load %arg8[%swap3A_631, %swap3A_632] {strides = array<i32>} : memref<13x128xi32, #tpu.memory_space<vmem>>, vector<1x16xi32>,
      %swap3A_634 = vector.shape_cast %swap3A_633 : vector<1x16xi32> to vector<16xi32>
      %swap3A_635 = vector.shape_cast %add3A_629 : vector<16xi32> to vector<1x16xi32>
      tpu.vector_store %arg8[%swap3A_631, %swap3A_632], %swap3A_635 {strides = array<i32>} : memref<13x128xi32, #tpu.memory_space<vmem>>, vector<1x16xi32>,
      %get3A_636 = arith.constant 176 : index
      %get3A_637 = tpu.vector_load %arg7[%get3A_636] {strides = array<i32>} : memref<208xi32, #tpu.memory_space<vmem>>, vector<16xi32>,
      %get3A_638 = vector.shape_cast %get3A_637 : vector<16xi32> to vector<16xi32>
      %add3A_639 = arith.constant 300000 : i32
      %add3A_640 = vector.broadcast %add3A_639 : i32 to vector<16xi32>
      %add3A_641 = arith.addi %get3A_638, %add3A_640 : vector<16xi32>
      %swap3A_642 = arith.constant 6 : i32
      %swap3A_643 = arith.index_cast %swap3A_642 : i32 to index
      %swap3A_644 = arith.constant 32 : index
      %swap3A_645 = tpu.vector_load %arg8[%swap3A_643, %swap3A_644] {strides = array<i32>} : memref<13x128xi32, #tpu.memory_space<vmem>>, vector<1x16xi32>,
      %swap3A_646 = vector.shape_cast %swap3A_645 : vector<1x16xi32> to vector<16xi32>
      %swap3A_647 = vector.shape_cast %add3A_641 : vector<16xi32> to vector<1x16xi32>
      tpu.vector_store %arg8[%swap3A_643, %swap3A_644], %swap3A_647 {strides = array<i32>} : memref<13x128xi32, #tpu.memory_space<vmem>>, vector<1x16xi32>,
      %get3A_648 = arith.constant 192 : index
      %get3A_649 = tpu.vector_load %arg7[%get3A_648] {strides = array<i32>} : memref<208xi32, #tpu.memory_space<vmem>>, vector<16xi32>,
      %get3A_650 = vector.shape_cast %get3A_649 : vector<16xi32> to vector<16xi32>
      %add3A_651 = arith.constant 300000 : i32
      %add3A_652 = vector.broadcast %add3A_651 : i32 to vector<16xi32>
      %add3A_653 = arith.addi %get3A_650, %add3A_652 : vector<16xi32>
      %swap3A_654 = arith.constant 6 : i32
      %swap3A_655 = arith.index_cast %swap3A_654 : i32 to index
      %swap3A_656 = arith.constant 48 : index
      %swap3A_657 = tpu.vector_load %arg8[%swap3A_655, %swap3A_656] {strides = array<i32>} : memref<13x128xi32, #tpu.memory_space<vmem>>, vector<1x16xi32>,
      %swap3A_658 = vector.shape_cast %swap3A_657 : vector<1x16xi32> to vector<16xi32>
      %swap3A_659 = vector.shape_cast %add3A_653 : vector<16xi32> to vector<1x16xi32>
      tpu.vector_store %arg8[%swap3A_655, %swap3A_656], %swap3A_659 {strides = array<i32>} : memref<13x128xi32, #tpu.memory_space<vmem>>, vector<1x16xi32>,
      %get3A_660 = arith.constant 0 : index
      %get3A_661 = tpu.vector_load %arg7[%get3A_660] {strides = array<i32>} : memref<208xi32, #tpu.memory_space<vmem>>, vector<16xi32>,
      %get3A_662 = vector.shape_cast %get3A_661 : vector<16xi32> to vector<16xi32>
      %add3A_663 = arith.constant 400000 : i32
      %add3A_664 = vector.broadcast %add3A_663 : i32 to vector<16xi32>
      %add3A_665 = arith.addi %get3A_662, %add3A_664 : vector<16xi32>
      %swap3A_666 = arith.constant 6 : i32
      %swap3A_667 = arith.index_cast %swap3A_666 : i32 to index
      %swap3A_668 = arith.constant 64 : index
      %swap3A_669 = tpu.vector_load %arg8[%swap3A_667, %swap3A_668] {strides = array<i32>} : memref<13x128xi32, #tpu.memory_space<vmem>>, vector<1x16xi32>,
      %swap3A_670 = vector.shape_cast %swap3A_669 : vector<1x16xi32> to vector<16xi32>
      %swap3A_671 = vector.shape_cast %add3A_665 : vector<16xi32> to vector<1x16xi32>
      tpu.vector_store %arg8[%swap3A_667, %swap3A_668], %swap3A_671 {strides = array<i32>} : memref<13x128xi32, #tpu.memory_space<vmem>>, vector<1x16xi32>,
      %get3A_672 = arith.constant 16 : index
      %get3A_673 = tpu.vector_load %arg7[%get3A_672] {strides = array<i32>} : memref<208xi32, #tpu.memory_space<vmem>>, vector<16xi32>,
      %get3A_674 = vector.shape_cast %get3A_673 : vector<16xi32> to vector<16xi32>
      %add3A_675 = arith.constant 400000 : i32
      %add3A_676 = vector.broadcast %add3A_675 : i32 to vector<16xi32>
      %add3A_677 = arith.addi %get3A_674, %add3A_676 : vector<16xi32>
      %swap3A_678 = arith.constant 6 : i32
      %swap3A_679 = arith.index_cast %swap3A_678 : i32 to index
      %swap3A_680 = arith.constant 80 : index
      %swap3A_681 = tpu.vector_load %arg8[%swap3A_679, %swap3A_680] {strides = array<i32>} : memref<13x128xi32, #tpu.memory_space<vmem>>, vector<1x16xi32>,
      %swap3A_682 = vector.shape_cast %swap3A_681 : vector<1x16xi32> to vector<16xi32>
      %swap3A_683 = vector.shape_cast %add3A_677 : vector<16xi32> to vector<1x16xi32>
      tpu.vector_store %arg8[%swap3A_679, %swap3A_680], %swap3A_683 {strides = array<i32>} : memref<13x128xi32, #tpu.memory_space<vmem>>, vector<1x16xi32>,
      %get3A_684 = arith.constant 32 : index
      %get3A_685 = tpu.vector_load %arg7[%get3A_684] {strides = array<i32>} : memref<208xi32, #tpu.memory_space<vmem>>, vector<16xi32>,
      %get3A_686 = vector.shape_cast %get3A_685 : vector<16xi32> to vector<16xi32>
      %add3A_687 = arith.constant 400000 : i32
      %add3A_688 = vector.broadcast %add3A_687 : i32 to vector<16xi32>
      %add3A_689 = arith.addi %get3A_686, %add3A_688 : vector<16xi32>
      %swap3A_690 = arith.constant 6 : i32
      %swap3A_691 = arith.index_cast %swap3A_690 : i32 to index
      %swap3A_692 = arith.constant 96 : index
      %swap3A_693 = tpu.vector_load %arg8[%swap3A_691, %swap3A_692] {strides = array<i32>} : memref<13x128xi32, #tpu.memory_space<vmem>>, vector<1x16xi32>,
      %swap3A_694 = vector.shape_cast %swap3A_693 : vector<1x16xi32> to vector<16xi32>
      %swap3A_695 = vector.shape_cast %add3A_689 : vector<16xi32> to vector<1x16xi32>
      tpu.vector_store %arg8[%swap3A_691, %swap3A_692], %swap3A_695 {strides = array<i32>} : memref<13x128xi32, #tpu.memory_space<vmem>>, vector<1x16xi32>,
      %get3A_696 = arith.constant 48 : index
      %get3A_697 = tpu.vector_load %arg7[%get3A_696] {strides = array<i32>} : memref<208xi32, #tpu.memory_space<vmem>>, vector<16xi32>,
      %get3A_698 = vector.shape_cast %get3A_697 : vector<16xi32> to vector<16xi32>
      %add3A_699 = arith.constant 400000 : i32
      %add3A_700 = vector.broadcast %add3A_699 : i32 to vector<16xi32>
      %add3A_701 = arith.addi %get3A_698, %add3A_700 : vector<16xi32>
      %swap3A_702 = arith.constant 6 : i32
      %swap3A_703 = arith.index_cast %swap3A_702 : i32 to index
      %swap3A_704 = arith.constant 112 : index
      %swap3A_705 = tpu.vector_load %arg8[%swap3A_703, %swap3A_704] {strides = array<i32>} : memref<13x128xi32, #tpu.memory_space<vmem>>, vector<1x16xi32>,
      %swap3A_706 = vector.shape_cast %swap3A_705 : vector<1x16xi32> to vector<16xi32>
      %swap3A_707 = vector.shape_cast %add3A_701 : vector<16xi32> to vector<1x16xi32>
      tpu.vector_store %arg8[%swap3A_703, %swap3A_704], %swap3A_707 {strides = array<i32>} : memref<13x128xi32, #tpu.memory_space<vmem>>, vector<1x16xi32>,
      %get3A_708 = arith.constant 64 : index
      %get3A_709 = tpu.vector_load %arg7[%get3A_708] {strides = array<i32>} : memref<208xi32, #tpu.memory_space<vmem>>, vector<16xi32>,
      %get3A_710 = vector.shape_cast %get3A_709 : vector<16xi32> to vector<16xi32>
      %add3A_711 = arith.constant 400000 : i32
      %add3A_712 = vector.broadcast %add3A_711 : i32 to vector<16xi32>
      %add3A_713 = arith.addi %get3A_710, %add3A_712 : vector<16xi32>
      %swap3A_714 = arith.constant 7 : i32
      %swap3A_715 = arith.index_cast %swap3A_714 : i32 to index
      %swap3A_716 = arith.constant 0 : index
      %swap3A_717 = tpu.vector_load %arg8[%swap3A_715, %swap3A_716] {strides = array<i32>} : memref<13x128xi32, #tpu.memory_space<vmem>>, vector<1x16xi32>,
      %swap3A_718 = vector.shape_cast %swap3A_717 : vector<1x16xi32> to vector<16xi32>
      %swap3A_719 = vector.shape_cast %add3A_713 : vector<16xi32> to vector<1x16xi32>
      tpu.vector_store %arg8[%swap3A_715, %swap3A_716], %swap3A_719 {strides = array<i32>} : memref<13x128xi32, #tpu.memory_space<vmem>>, vector<1x16xi32>,
      %get3A_720 = arith.constant 80 : index
      %get3A_721 = tpu.vector_load %arg7[%get3A_720] {strides = array<i32>} : memref<208xi32, #tpu.memory_space<vmem>>, vector<16xi32>,
      %get3A_722 = vector.shape_cast %get3A_721 : vector<16xi32> to vector<16xi32>
      %add3A_723 = arith.constant 400000 : i32
      %add3A_724 = vector.broadcast %add3A_723 : i32 to vector<16xi32>
      %add3A_725 = arith.addi %get3A_722, %add3A_724 : vector<16xi32>
      %swap3A_726 = arith.constant 7 : i32
      %swap3A_727 = arith.index_cast %swap3A_726 : i32 to index
      %swap3A_728 = arith.constant 16 : index
      %swap3A_729 = tpu.vector_load %arg8[%swap3A_727, %swap3A_728] {strides = array<i32>} : memref<13x128xi32, #tpu.memory_space<vmem>>, vector<1x16xi32>,
      %swap3A_730 = vector.shape_cast %swap3A_729 : vector<1x16xi32> to vector<16xi32>
      %swap3A_731 = vector.shape_cast %add3A_725 : vector<16xi32> to vector<1x16xi32>
      tpu.vector_store %arg8[%swap3A_727, %swap3A_728], %swap3A_731 {strides = array<i32>} : memref<13x128xi32, #tpu.memory_space<vmem>>, vector<1x16xi32>,
      %get3A_732 = arith.constant 96 : index
      %get3A_733 = tpu.vector_load %arg7[%get3A_732] {strides = array<i32>} : memref<208xi32, #tpu.memory_space<vmem>>, vector<16xi32>,
      %get3A_734 = vector.shape_cast %get3A_733 : vector<16xi32> to vector<16xi32>
      %add3A_735 = arith.constant 400000 : i32
      %add3A_736 = vector.broadcast %add3A_735 : i32 to vector<16xi32>
      %add3A_737 = arith.addi %get3A_734, %add3A_736 : vector<16xi32>
      %swap3A_738 = arith.constant 7 : i32
      %swap3A_739 = arith.index_cast %swap3A_738 : i32 to index
      %swap3A_740 = arith.constant 32 : index
      %swap3A_741 = tpu.vector_load %arg8[%swap3A_739, %swap3A_740] {strides = array<i32>} : memref<13x128xi32, #tpu.memory_space<vmem>>, vector<1x16xi32>,
      %swap3A_742 = vector.shape_cast %swap3A_741 : vector<1x16xi32> to vector<16xi32>
      %swap3A_743 = vector.shape_cast %add3A_737 : vector<16xi32> to vector<1x16xi32>
      tpu.vector_store %arg8[%swap3A_739, %swap3A_740], %swap3A_743 {strides = array<i32>} : memref<13x128xi32, #tpu.memory_space<vmem>>, vector<1x16xi32>,
      %get3A_744 = arith.constant 112 : index
      %get3A_745 = tpu.vector_load %arg7[%get3A_744] {strides = array<i32>} : memref<208xi32, #tpu.memory_space<vmem>>, vector<16xi32>,
      %get3A_746 = vector.shape_cast %get3A_745 : vector<16xi32> to vector<16xi32>
      %add3A_747 = arith.constant 400000 : i32
      %add3A_748 = vector.broadcast %add3A_747 : i32 to vector<16xi32>
      %add3A_749 = arith.addi %get3A_746, %add3A_748 : vector<16xi32>
      %swap3A_750 = arith.constant 7 : i32
      %swap3A_751 = arith.index_cast %swap3A_750 : i32 to index
      %swap3A_752 = arith.constant 48 : index
      %swap3A_753 = tpu.vector_load %arg8[%swap3A_751, %swap3A_752] {strides = array<i32>} : memref<13x128xi32, #tpu.memory_space<vmem>>, vector<1x16xi32>,
      %swap3A_754 = vector.shape_cast %swap3A_753 : vector<1x16xi32> to vector<16xi32>
      %swap3A_755 = vector.shape_cast %add3A_749 : vector<16xi32> to vector<1x16xi32>
      tpu.vector_store %arg8[%swap3A_751, %swap3A_752], %swap3A_755 {strides = array<i32>} : memref<13x128xi32, #tpu.memory_space<vmem>>, vector<1x16xi32>,
      %get3A_756 = arith.constant 128 : index
      %get3A_757 = tpu.vector_load %arg7[%get3A_756] {strides = array<i32>} : memref<208xi32, #tpu.memory_space<vmem>>, vector<16xi32>,
      %get3A_758 = vector.shape_cast %get3A_757 : vector<16xi32> to vector<16xi32>
      %add3A_759 = arith.constant 400000 : i32
      %add3A_760 = vector.broadcast %add3A_759 : i32 to vector<16xi32>
      %add3A_761 = arith.addi %get3A_758, %add3A_760 : vector<16xi32>
      %swap3A_762 = arith.constant 7 : i32
      %swap3A_763 = arith.index_cast %swap3A_762 : i32 to index
      %swap3A_764 = arith.constant 64 : index
      %swap3A_765 = tpu.vector_load %arg8[%swap3A_763, %swap3A_764] {strides = array<i32>} : memref<13x128xi32, #tpu.memory_space<vmem>>, vector<1x16xi32>,
      %swap3A_766 = vector.shape_cast %swap3A_765 : vector<1x16xi32> to vector<16xi32>
      %swap3A_767 = vector.shape_cast %add3A_761 : vector<16xi32> to vector<1x16xi32>
      tpu.vector_store %arg8[%swap3A_763, %swap3A_764], %swap3A_767 {strides = array<i32>} : memref<13x128xi32, #tpu.memory_space<vmem>>, vector<1x16xi32>,
      %get3A_768 = arith.constant 144 : index
      %get3A_769 = tpu.vector_load %arg7[%get3A_768] {strides = array<i32>} : memref<208xi32, #tpu.memory_space<vmem>>, vector<16xi32>,
      %get3A_770 = vector.shape_cast %get3A_769 : vector<16xi32> to vector<16xi32>
      %add3A_771 = arith.constant 400000 : i32
      %add3A_772 = vector.broadcast %add3A_771 : i32 to vector<16xi32>
      %add3A_773 = arith.addi %get3A_770, %add3A_772 : vector<16xi32>
      %swap3A_774 = arith.constant 7 : i32
      %swap3A_775 = arith.index_cast %swap3A_774 : i32 to index
      %swap3A_776 = arith.constant 80 : index
      %swap3A_777 = tpu.vector_load %arg8[%swap3A_775, %swap3A_776] {strides = array<i32>} : memref<13x128xi32, #tpu.memory_space<vmem>>, vector<1x16xi32>,
      %swap3A_778 = vector.shape_cast %swap3A_777 : vector<1x16xi32> to vector<16xi32>
      %swap3A_779 = vector.shape_cast %add3A_773 : vector<16xi32> to vector<1x16xi32>
      tpu.vector_store %arg8[%swap3A_775, %swap3A_776], %swap3A_779 {strides = array<i32>} : memref<13x128xi32, #tpu.memory_space<vmem>>, vector<1x16xi32>,
      %get3A_780 = arith.constant 160 : index
      %get3A_781 = tpu.vector_load %arg7[%get3A_780] {strides = array<i32>} : memref<208xi32, #tpu.memory_space<vmem>>, vector<16xi32>,
      %get3A_782 = vector.shape_cast %get3A_781 : vector<16xi32> to vector<16xi32>
      %add3A_783 = arith.constant 400000 : i32
      %add3A_784 = vector.broadcast %add3A_783 : i32 to vector<16xi32>
      %add3A_785 = arith.addi %get3A_782, %add3A_784 : vector<16xi32>
      %swap3A_786 = arith.constant 7 : i32
      %swap3A_787 = arith.index_cast %swap3A_786 : i32 to index
      %swap3A_788 = arith.constant 96 : index
      %swap3A_789 = tpu.vector_load %arg8[%swap3A_787, %swap3A_788] {strides = array<i32>} : memref<13x128xi32, #tpu.memory_space<vmem>>, vector<1x16xi32>,
      %swap3A_790 = vector.shape_cast %swap3A_789 : vector<1x16xi32> to vector<16xi32>
      %swap3A_791 = vector.shape_cast %add3A_785 : vector<16xi32> to vector<1x16xi32>
      tpu.vector_store %arg8[%swap3A_787, %swap3A_788], %swap3A_791 {strides = array<i32>} : memref<13x128xi32, #tpu.memory_space<vmem>>, vector<1x16xi32>,
      %get3A_792 = arith.constant 176 : index
      %get3A_793 = tpu.vector_load %arg7[%get3A_792] {strides = array<i32>} : memref<208xi32, #tpu.memory_space<vmem>>, vector<16xi32>,
      %get3A_794 = vector.shape_cast %get3A_793 : vector<16xi32> to vector<16xi32>
      %add3A_795 = arith.constant 400000 : i32
      %add3A_796 = vector.broadcast %add3A_795 : i32 to vector<16xi32>
      %add3A_797 = arith.addi %get3A_794, %add3A_796 : vector<16xi32>
      %swap3A_798 = arith.constant 7 : i32
      %swap3A_799 = arith.index_cast %swap3A_798 : i32 to index
      %swap3A_800 = arith.constant 112 : index
      %swap3A_801 = tpu.vector_load %arg8[%swap3A_799, %swap3A_800] {strides = array<i32>} : memref<13x128xi32, #tpu.memory_space<vmem>>, vector<1x16xi32>,
      %swap3A_802 = vector.shape_cast %swap3A_801 : vector<1x16xi32> to vector<16xi32>
      %swap3A_803 = vector.shape_cast %add3A_797 : vector<16xi32> to vector<1x16xi32>
      tpu.vector_store %arg8[%swap3A_799, %swap3A_800], %swap3A_803 {strides = array<i32>} : memref<13x128xi32, #tpu.memory_space<vmem>>, vector<1x16xi32>,
      %get3A_804 = arith.constant 192 : index
      %get3A_805 = tpu.vector_load %arg7[%get3A_804] {strides = array<i32>} : memref<208xi32, #tpu.memory_space<vmem>>, vector<16xi32>,
      %get3A_806 = vector.shape_cast %get3A_805 : vector<16xi32> to vector<16xi32>
      %add3A_807 = arith.constant 400000 : i32
      %add3A_808 = vector.broadcast %add3A_807 : i32 to vector<16xi32>
      %add3A_809 = arith.addi %get3A_806, %add3A_808 : vector<16xi32>
      %swap3A_810 = arith.constant 8 : i32
      %swap3A_811 = arith.index_cast %swap3A_810 : i32 to index
      %swap3A_812 = arith.constant 0 : index
      %swap3A_813 = tpu.vector_load %arg8[%swap3A_811, %swap3A_812] {strides = array<i32>} : memref<13x128xi32, #tpu.memory_space<vmem>>, vector<1x16xi32>,
      %swap3A_814 = vector.shape_cast %swap3A_813 : vector<1x16xi32> to vector<16xi32>
      %swap3A_815 = vector.shape_cast %add3A_809 : vector<16xi32> to vector<1x16xi32>
      tpu.vector_store %arg8[%swap3A_811, %swap3A_812], %swap3A_815 {strides = array<i32>} : memref<13x128xi32, #tpu.memory_space<vmem>>, vector<1x16xi32>,
      %get3A_816 = arith.constant 0 : index
      %get3A_817 = tpu.vector_load %arg7[%get3A_816] {strides = array<i32>} : memref<208xi32, #tpu.memory_space<vmem>>, vector<16xi32>,
      %get3A_818 = vector.shape_cast %get3A_817 : vector<16xi32> to vector<16xi32>
      %add3A_819 = arith.constant 500000 : i32
      %add3A_820 = vector.broadcast %add3A_819 : i32 to vector<16xi32>
      %add3A_821 = arith.addi %get3A_818, %add3A_820 : vector<16xi32>
      %swap3A_822 = arith.constant 8 : i32
      %swap3A_823 = arith.index_cast %swap3A_822 : i32 to index
      %swap3A_824 = arith.constant 16 : index
      %swap3A_825 = tpu.vector_load %arg8[%swap3A_823, %swap3A_824] {strides = array<i32>} : memref<13x128xi32, #tpu.memory_space<vmem>>, vector<1x16xi32>,
      %swap3A_826 = vector.shape_cast %swap3A_825 : vector<1x16xi32> to vector<16xi32>
      %swap3A_827 = vector.shape_cast %add3A_821 : vector<16xi32> to vector<1x16xi32>
      tpu.vector_store %arg8[%swap3A_823, %swap3A_824], %swap3A_827 {strides = array<i32>} : memref<13x128xi32, #tpu.memory_space<vmem>>, vector<1x16xi32>,
      %get3A_828 = arith.constant 16 : index
      %get3A_829 = tpu.vector_load %arg7[%get3A_828] {strides = array<i32>} : memref<208xi32, #tpu.memory_space<vmem>>, vector<16xi32>,
      %get3A_830 = vector.shape_cast %get3A_829 : vector<16xi32> to vector<16xi32>
      %add3A_831 = arith.constant 500000 : i32
      %add3A_832 = vector.broadcast %add3A_831 : i32 to vector<16xi32>
      %add3A_833 = arith.addi %get3A_830, %add3A_832 : vector<16xi32>
      %swap3A_834 = arith.constant 8 : i32
      %swap3A_835 = arith.index_cast %swap3A_834 : i32 to index
      %swap3A_836 = arith.constant 32 : index
      %swap3A_837 = tpu.vector_load %arg8[%swap3A_835, %swap3A_836] {strides = array<i32>} : memref<13x128xi32, #tpu.memory_space<vmem>>, vector<1x16xi32>,
      %swap3A_838 = vector.shape_cast %swap3A_837 : vector<1x16xi32> to vector<16xi32>
      %swap3A_839 = vector.shape_cast %add3A_833 : vector<16xi32> to vector<1x16xi32>
      tpu.vector_store %arg8[%swap3A_835, %swap3A_836], %swap3A_839 {strides = array<i32>} : memref<13x128xi32, #tpu.memory_space<vmem>>, vector<1x16xi32>,
      %get3A_840 = arith.constant 32 : index
      %get3A_841 = tpu.vector_load %arg7[%get3A_840] {strides = array<i32>} : memref<208xi32, #tpu.memory_space<vmem>>, vector<16xi32>,
      %get3A_842 = vector.shape_cast %get3A_841 : vector<16xi32> to vector<16xi32>
      %add3A_843 = arith.constant 500000 : i32
      %add3A_844 = vector.broadcast %add3A_843 : i32 to vector<16xi32>
      %add3A_845 = arith.addi %get3A_842, %add3A_844 : vector<16xi32>
      %swap3A_846 = arith.constant 8 : i32
      %swap3A_847 = arith.index_cast %swap3A_846 : i32 to index
      %swap3A_848 = arith.constant 48 : index
      %swap3A_849 = tpu.vector_load %arg8[%swap3A_847, %swap3A_848] {strides = array<i32>} : memref<13x128xi32, #tpu.memory_space<vmem>>, vector<1x16xi32>,
      %swap3A_850 = vector.shape_cast %swap3A_849 : vector<1x16xi32> to vector<16xi32>
      %swap3A_851 = vector.shape_cast %add3A_845 : vector<16xi32> to vector<1x16xi32>
      tpu.vector_store %arg8[%swap3A_847, %swap3A_848], %swap3A_851 {strides = array<i32>} : memref<13x128xi32, #tpu.memory_space<vmem>>, vector<1x16xi32>,
      %get3A_852 = arith.constant 48 : index
      %get3A_853 = tpu.vector_load %arg7[%get3A_852] {strides = array<i32>} : memref<208xi32, #tpu.memory_space<vmem>>, vector<16xi32>,
      %get3A_854 = vector.shape_cast %get3A_853 : vector<16xi32> to vector<16xi32>
      %add3A_855 = arith.constant 500000 : i32
      %add3A_856 = vector.broadcast %add3A_855 : i32 to vector<16xi32>
      %add3A_857 = arith.addi %get3A_854, %add3A_856 : vector<16xi32>
      %swap3A_858 = arith.constant 8 : i32
      %swap3A_859 = arith.index_cast %swap3A_858 : i32 to index
      %swap3A_860 = arith.constant 64 : index
      %swap3A_861 = tpu.vector_load %arg8[%swap3A_859, %swap3A_860] {strides = array<i32>} : memref<13x128xi32, #tpu.memory_space<vmem>>, vector<1x16xi32>,
      %swap3A_862 = vector.shape_cast %swap3A_861 : vector<1x16xi32> to vector<16xi32>
      %swap3A_863 = vector.shape_cast %add3A_857 : vector<16xi32> to vector<1x16xi32>
      tpu.vector_store %arg8[%swap3A_859, %swap3A_860], %swap3A_863 {strides = array<i32>} : memref<13x128xi32, #tpu.memory_space<vmem>>, vector<1x16xi32>,
      %get3A_864 = arith.constant 64 : index
      %get3A_865 = tpu.vector_load %arg7[%get3A_864] {strides = array<i32>} : memref<208xi32, #tpu.memory_space<vmem>>, vector<16xi32>,
      %get3A_866 = vector.shape_cast %get3A_865 : vector<16xi32> to vector<16xi32>
      %add3A_867 = arith.constant 500000 : i32
      %add3A_868 = vector.broadcast %add3A_867 : i32 to vector<16xi32>
      %add3A_869 = arith.addi %get3A_866, %add3A_868 : vector<16xi32>
      %swap3A_870 = arith.constant 8 : i32
      %swap3A_871 = arith.index_cast %swap3A_870 : i32 to index
      %swap3A_872 = arith.constant 80 : index
      %swap3A_873 = tpu.vector_load %arg8[%swap3A_871, %swap3A_872] {strides = array<i32>} : memref<13x128xi32, #tpu.memory_space<vmem>>, vector<1x16xi32>,
      %swap3A_874 = vector.shape_cast %swap3A_873 : vector<1x16xi32> to vector<16xi32>
      %swap3A_875 = vector.shape_cast %add3A_869 : vector<16xi32> to vector<1x16xi32>
      tpu.vector_store %arg8[%swap3A_871, %swap3A_872], %swap3A_875 {strides = array<i32>} : memref<13x128xi32, #tpu.memory_space<vmem>>, vector<1x16xi32>,
      %get3A_876 = arith.constant 80 : index
      %get3A_877 = tpu.vector_load %arg7[%get3A_876] {strides = array<i32>} : memref<208xi32, #tpu.memory_space<vmem>>, vector<16xi32>,
      %get3A_878 = vector.shape_cast %get3A_877 : vector<16xi32> to vector<16xi32>
      %add3A_879 = arith.constant 500000 : i32
      %add3A_880 = vector.broadcast %add3A_879 : i32 to vector<16xi32>
      %add3A_881 = arith.addi %get3A_878, %add3A_880 : vector<16xi32>
      %swap3A_882 = arith.constant 8 : i32
      %swap3A_883 = arith.index_cast %swap3A_882 : i32 to index
      %swap3A_884 = arith.constant 96 : index
      %swap3A_885 = tpu.vector_load %arg8[%swap3A_883, %swap3A_884] {strides = array<i32>} : memref<13x128xi32, #tpu.memory_space<vmem>>, vector<1x16xi32>,
      %swap3A_886 = vector.shape_cast %swap3A_885 : vector<1x16xi32> to vector<16xi32>
      %swap3A_887 = vector.shape_cast %add3A_881 : vector<16xi32> to vector<1x16xi32>
      tpu.vector_store %arg8[%swap3A_883, %swap3A_884], %swap3A_887 {strides = array<i32>} : memref<13x128xi32, #tpu.memory_space<vmem>>, vector<1x16xi32>,
      %get3A_888 = arith.constant 96 : index
      %get3A_889 = tpu.vector_load %arg7[%get3A_888] {strides = array<i32>} : memref<208xi32, #tpu.memory_space<vmem>>, vector<16xi32>,
      %get3A_890 = vector.shape_cast %get3A_889 : vector<16xi32> to vector<16xi32>
      %add3A_891 = arith.constant 500000 : i32
      %add3A_892 = vector.broadcast %add3A_891 : i32 to vector<16xi32>
      %add3A_893 = arith.addi %get3A_890, %add3A_892 : vector<16xi32>
      %swap3A_894 = arith.constant 8 : i32
      %swap3A_895 = arith.index_cast %swap3A_894 : i32 to index
      %swap3A_896 = arith.constant 112 : index
      %swap3A_897 = tpu.vector_load %arg8[%swap3A_895, %swap3A_896] {strides = array<i32>} : memref<13x128xi32, #tpu.memory_space<vmem>>, vector<1x16xi32>,
      %swap3A_898 = vector.shape_cast %swap3A_897 : vector<1x16xi32> to vector<16xi32>
      %swap3A_899 = vector.shape_cast %add3A_893 : vector<16xi32> to vector<1x16xi32>
      tpu.vector_store %arg8[%swap3A_895, %swap3A_896], %swap3A_899 {strides = array<i32>} : memref<13x128xi32, #tpu.memory_space<vmem>>, vector<1x16xi32>,
      %get3A_900 = arith.constant 112 : index
      %get3A_901 = tpu.vector_load %arg7[%get3A_900] {strides = array<i32>} : memref<208xi32, #tpu.memory_space<vmem>>, vector<16xi32>,
      %get3A_902 = vector.shape_cast %get3A_901 : vector<16xi32> to vector<16xi32>
      %add3A_903 = arith.constant 500000 : i32
      %add3A_904 = vector.broadcast %add3A_903 : i32 to vector<16xi32>
      %add3A_905 = arith.addi %get3A_902, %add3A_904 : vector<16xi32>
      %swap3A_906 = arith.constant 9 : i32
      %swap3A_907 = arith.index_cast %swap3A_906 : i32 to index
      %swap3A_908 = arith.constant 0 : index
      %swap3A_909 = tpu.vector_load %arg8[%swap3A_907, %swap3A_908] {strides = array<i32>} : memref<13x128xi32, #tpu.memory_space<vmem>>, vector<1x16xi32>,
      %swap3A_910 = vector.shape_cast %swap3A_909 : vector<1x16xi32> to vector<16xi32>
      %swap3A_911 = vector.shape_cast %add3A_905 : vector<16xi32> to vector<1x16xi32>
      tpu.vector_store %arg8[%swap3A_907, %swap3A_908], %swap3A_911 {strides = array<i32>} : memref<13x128xi32, #tpu.memory_space<vmem>>, vector<1x16xi32>,
      %get3A_912 = arith.constant 128 : index
      %get3A_913 = tpu.vector_load %arg7[%get3A_912] {strides = array<i32>} : memref<208xi32, #tpu.memory_space<vmem>>, vector<16xi32>,
      %get3A_914 = vector.shape_cast %get3A_913 : vector<16xi32> to vector<16xi32>
      %add3A_915 = arith.constant 500000 : i32
      %add3A_916 = vector.broadcast %add3A_915 : i32 to vector<16xi32>
      %add3A_917 = arith.addi %get3A_914, %add3A_916 : vector<16xi32>
      %swap3A_918 = arith.constant 9 : i32
      %swap3A_919 = arith.index_cast %swap3A_918 : i32 to index
      %swap3A_920 = arith.constant 16 : index
      %swap3A_921 = tpu.vector_load %arg8[%swap3A_919, %swap3A_920] {strides = array<i32>} : memref<13x128xi32, #tpu.memory_space<vmem>>, vector<1x16xi32>,
      %swap3A_922 = vector.shape_cast %swap3A_921 : vector<1x16xi32> to vector<16xi32>
      %swap3A_923 = vector.shape_cast %add3A_917 : vector<16xi32> to vector<1x16xi32>
      tpu.vector_store %arg8[%swap3A_919, %swap3A_920], %swap3A_923 {strides = array<i32>} : memref<13x128xi32, #tpu.memory_space<vmem>>, vector<1x16xi32>,
      %get3A_924 = arith.constant 144 : index
      %get3A_925 = tpu.vector_load %arg7[%get3A_924] {strides = array<i32>} : memref<208xi32, #tpu.memory_space<vmem>>, vector<16xi32>,
      %get3A_926 = vector.shape_cast %get3A_925 : vector<16xi32> to vector<16xi32>
      %add3A_927 = arith.constant 500000 : i32
      %add3A_928 = vector.broadcast %add3A_927 : i32 to vector<16xi32>
      %add3A_929 = arith.addi %get3A_926, %add3A_928 : vector<16xi32>
      %swap3A_930 = arith.constant 9 : i32
      %swap3A_931 = arith.index_cast %swap3A_930 : i32 to index
      %swap3A_932 = arith.constant 32 : index
      %swap3A_933 = tpu.vector_load %arg8[%swap3A_931, %swap3A_932] {strides = array<i32>} : memref<13x128xi32, #tpu.memory_space<vmem>>, vector<1x16xi32>,
      %swap3A_934 = vector.shape_cast %swap3A_933 : vector<1x16xi32> to vector<16xi32>
      %swap3A_935 = vector.shape_cast %add3A_929 : vector<16xi32> to vector<1x16xi32>
      tpu.vector_store %arg8[%swap3A_931, %swap3A_932], %swap3A_935 {strides = array<i32>} : memref<13x128xi32, #tpu.memory_space<vmem>>, vector<1x16xi32>,
      %get3A_936 = arith.constant 160 : index
      %get3A_937 = tpu.vector_load %arg7[%get3A_936] {strides = array<i32>} : memref<208xi32, #tpu.memory_space<vmem>>, vector<16xi32>,
      %get3A_938 = vector.shape_cast %get3A_937 : vector<16xi32> to vector<16xi32>
      %add3A_939 = arith.constant 500000 : i32
      %add3A_940 = vector.broadcast %add3A_939 : i32 to vector<16xi32>
      %add3A_941 = arith.addi %get3A_938, %add3A_940 : vector<16xi32>
      %swap3A_942 = arith.constant 9 : i32
      %swap3A_943 = arith.index_cast %swap3A_942 : i32 to index
      %swap3A_944 = arith.constant 48 : index
      %swap3A_945 = tpu.vector_load %arg8[%swap3A_943, %swap3A_944] {strides = array<i32>} : memref<13x128xi32, #tpu.memory_space<vmem>>, vector<1x16xi32>,
      %swap3A_946 = vector.shape_cast %swap3A_945 : vector<1x16xi32> to vector<16xi32>
      %swap3A_947 = vector.shape_cast %add3A_941 : vector<16xi32> to vector<1x16xi32>
      tpu.vector_store %arg8[%swap3A_943, %swap3A_944], %swap3A_947 {strides = array<i32>} : memref<13x128xi32, #tpu.memory_space<vmem>>, vector<1x16xi32>,
      %get3A_948 = arith.constant 176 : index
      %get3A_949 = tpu.vector_load %arg7[%get3A_948] {strides = array<i32>} : memref<208xi32, #tpu.memory_space<vmem>>, vector<16xi32>,
      %get3A_950 = vector.shape_cast %get3A_949 : vector<16xi32> to vector<16xi32>
      %add3A_951 = arith.constant 500000 : i32
      %add3A_952 = vector.broadcast %add3A_951 : i32 to vector<16xi32>
      %add3A_953 = arith.addi %get3A_950, %add3A_952 : vector<16xi32>
      %swap3A_954 = arith.constant 9 : i32
      %swap3A_955 = arith.index_cast %swap3A_954 : i32 to index
      %swap3A_956 = arith.constant 64 : index
      %swap3A_957 = tpu.vector_load %arg8[%swap3A_955, %swap3A_956] {strides = array<i32>} : memref<13x128xi32, #tpu.memory_space<vmem>>, vector<1x16xi32>,
      %swap3A_958 = vector.shape_cast %swap3A_957 : vector<1x16xi32> to vector<16xi32>
      %swap3A_959 = vector.shape_cast %add3A_953 : vector<16xi32> to vector<1x16xi32>
      tpu.vector_store %arg8[%swap3A_955, %swap3A_956], %swap3A_959 {strides = array<i32>} : memref<13x128xi32, #tpu.memory_space<vmem>>, vector<1x16xi32>,
      %get3A_960 = arith.constant 192 : index
      %get3A_961 = tpu.vector_load %arg7[%get3A_960] {strides = array<i32>} : memref<208xi32, #tpu.memory_space<vmem>>, vector<16xi32>,
      %get3A_962 = vector.shape_cast %get3A_961 : vector<16xi32> to vector<16xi32>
      %add3A_963 = arith.constant 500000 : i32
      %add3A_964 = vector.broadcast %add3A_963 : i32 to vector<16xi32>
      %add3A_965 = arith.addi %get3A_962, %add3A_964 : vector<16xi32>
      %swap3A_966 = arith.constant 9 : i32
      %swap3A_967 = arith.index_cast %swap3A_966 : i32 to index
      %swap3A_968 = arith.constant 80 : index
      %swap3A_969 = tpu.vector_load %arg8[%swap3A_967, %swap3A_968] {strides = array<i32>} : memref<13x128xi32, #tpu.memory_space<vmem>>, vector<1x16xi32>,
      %swap3A_970 = vector.shape_cast %swap3A_969 : vector<1x16xi32> to vector<16xi32>
      %swap3A_971 = vector.shape_cast %add3A_965 : vector<16xi32> to vector<1x16xi32>
      tpu.vector_store %arg8[%swap3A_967, %swap3A_968], %swap3A_971 {strides = array<i32>} : memref<13x128xi32, #tpu.memory_space<vmem>>, vector<1x16xi32>,
      %get3A_972 = arith.constant 0 : index
      %get3A_973 = tpu.vector_load %arg7[%get3A_972] {strides = array<i32>} : memref<208xi32, #tpu.memory_space<vmem>>, vector<16xi32>,
      %get3A_974 = vector.shape_cast %get3A_973 : vector<16xi32> to vector<16xi32>
      %add3A_975 = arith.constant 600000 : i32
      %add3A_976 = vector.broadcast %add3A_975 : i32 to vector<16xi32>
      %add3A_977 = arith.addi %get3A_974, %add3A_976 : vector<16xi32>
      %swap3A_978 = arith.constant 9 : i32
      %swap3A_979 = arith.index_cast %swap3A_978 : i32 to index
      %swap3A_980 = arith.constant 96 : index
      %swap3A_981 = tpu.vector_load %arg8[%swap3A_979, %swap3A_980] {strides = array<i32>} : memref<13x128xi32, #tpu.memory_space<vmem>>, vector<1x16xi32>,
      %swap3A_982 = vector.shape_cast %swap3A_981 : vector<1x16xi32> to vector<16xi32>
      %swap3A_983 = vector.shape_cast %add3A_977 : vector<16xi32> to vector<1x16xi32>
      tpu.vector_store %arg8[%swap3A_979, %swap3A_980], %swap3A_983 {strides = array<i32>} : memref<13x128xi32, #tpu.memory_space<vmem>>, vector<1x16xi32>,
      %get3A_984 = arith.constant 16 : index
      %get3A_985 = tpu.vector_load %arg7[%get3A_984] {strides = array<i32>} : memref<208xi32, #tpu.memory_space<vmem>>, vector<16xi32>,
      %get3A_986 = vector.shape_cast %get3A_985 : vector<16xi32> to vector<16xi32>
      %add3A_987 = arith.constant 600000 : i32
      %add3A_988 = vector.broadcast %add3A_987 : i32 to vector<16xi32>
      %add3A_989 = arith.addi %get3A_986, %add3A_988 : vector<16xi32>
      %swap3A_990 = arith.constant 9 : i32
      %swap3A_991 = arith.index_cast %swap3A_990 : i32 to index
      %swap3A_992 = arith.constant 112 : index
      %swap3A_993 = tpu.vector_load %arg8[%swap3A_991, %swap3A_992] {strides = array<i32>} : memref<13x128xi32, #tpu.memory_space<vmem>>, vector<1x16xi32>,
      %swap3A_994 = vector.shape_cast %swap3A_993 : vector<1x16xi32> to vector<16xi32>
      %swap3A_995 = vector.shape_cast %add3A_989 : vector<16xi32> to vector<1x16xi32>
      tpu.vector_store %arg8[%swap3A_991, %swap3A_992], %swap3A_995 {strides = array<i32>} : memref<13x128xi32, #tpu.memory_space<vmem>>, vector<1x16xi32>,
      %get3A_996 = arith.constant 32 : index
      %get3A_997 = tpu.vector_load %arg7[%get3A_996] {strides = array<i32>} : memref<208xi32, #tpu.memory_space<vmem>>, vector<16xi32>,
      %get3A_998 = vector.shape_cast %get3A_997 : vector<16xi32> to vector<16xi32>
      %add3A_999 = arith.constant 600000 : i32
      %add3A_1000 = vector.broadcast %add3A_999 : i32 to vector<16xi32>
      %add3A_1001 = arith.addi %get3A_998, %add3A_1000 : vector<16xi32>
      %swap3A_1002 = arith.constant 10 : i32
      %swap3A_1003 = arith.index_cast %swap3A_1002 : i32 to index
      %swap3A_1004 = arith.constant 0 : index
      %swap3A_1005 = tpu.vector_load %arg8[%swap3A_1003, %swap3A_1004] {strides = array<i32>} : memref<13x128xi32, #tpu.memory_space<vmem>>, vector<1x16xi32>,
      %swap3A_1006 = vector.shape_cast %swap3A_1005 : vector<1x16xi32> to vector<16xi32>
      %swap3A_1007 = vector.shape_cast %add3A_1001 : vector<16xi32> to vector<1x16xi32>
      tpu.vector_store %arg8[%swap3A_1003, %swap3A_1004], %swap3A_1007 {strides = array<i32>} : memref<13x128xi32, #tpu.memory_space<vmem>>, vector<1x16xi32>,
      %get3A_1008 = arith.constant 48 : index
      %get3A_1009 = tpu.vector_load %arg7[%get3A_1008] {strides = array<i32>} : memref<208xi32, #tpu.memory_space<vmem>>, vector<16xi32>,
      %get3A_1010 = vector.shape_cast %get3A_1009 : vector<16xi32> to vector<16xi32>
      %add3A_1011 = arith.constant 600000 : i32
      %add3A_1012 = vector.broadcast %add3A_1011 : i32 to vector<16xi32>
      %add3A_1013 = arith.addi %get3A_1010, %add3A_1012 : vector<16xi32>
      %swap3A_1014 = arith.constant 10 : i32
      %swap3A_1015 = arith.index_cast %swap3A_1014 : i32 to index
      %swap3A_1016 = arith.constant 16 : index
      %swap3A_1017 = tpu.vector_load %arg8[%swap3A_1015, %swap3A_1016] {strides = array<i32>} : memref<13x128xi32, #tpu.memory_space<vmem>>, vector<1x16xi32>,
      %swap3A_1018 = vector.shape_cast %swap3A_1017 : vector<1x16xi32> to vector<16xi32>
      %swap3A_1019 = vector.shape_cast %add3A_1013 : vector<16xi32> to vector<1x16xi32>
      tpu.vector_store %arg8[%swap3A_1015, %swap3A_1016], %swap3A_1019 {strides = array<i32>} : memref<13x128xi32, #tpu.memory_space<vmem>>, vector<1x16xi32>,
      %get3A_1020 = arith.constant 64 : index
      %get3A_1021 = tpu.vector_load %arg7[%get3A_1020] {strides = array<i32>} : memref<208xi32, #tpu.memory_space<vmem>>, vector<16xi32>,
      %get3A_1022 = vector.shape_cast %get3A_1021 : vector<16xi32> to vector<16xi32>
      %add3A_1023 = arith.constant 600000 : i32
      %add3A_1024 = vector.broadcast %add3A_1023 : i32 to vector<16xi32>
      %add3A_1025 = arith.addi %get3A_1022, %add3A_1024 : vector<16xi32>
      %swap3A_1026 = arith.constant 10 : i32
      %swap3A_1027 = arith.index_cast %swap3A_1026 : i32 to index
      %swap3A_1028 = arith.constant 32 : index
      %swap3A_1029 = tpu.vector_load %arg8[%swap3A_1027, %swap3A_1028] {strides = array<i32>} : memref<13x128xi32, #tpu.memory_space<vmem>>, vector<1x16xi32>,
      %swap3A_1030 = vector.shape_cast %swap3A_1029 : vector<1x16xi32> to vector<16xi32>
      %swap3A_1031 = vector.shape_cast %add3A_1025 : vector<16xi32> to vector<1x16xi32>
      tpu.vector_store %arg8[%swap3A_1027, %swap3A_1028], %swap3A_1031 {strides = array<i32>} : memref<13x128xi32, #tpu.memory_space<vmem>>, vector<1x16xi32>,
      %get3A_1032 = arith.constant 80 : index
      %get3A_1033 = tpu.vector_load %arg7[%get3A_1032] {strides = array<i32>} : memref<208xi32, #tpu.memory_space<vmem>>, vector<16xi32>,
      %get3A_1034 = vector.shape_cast %get3A_1033 : vector<16xi32> to vector<16xi32>
      %add3A_1035 = arith.constant 600000 : i32
      %add3A_1036 = vector.broadcast %add3A_1035 : i32 to vector<16xi32>
      %add3A_1037 = arith.addi %get3A_1034, %add3A_1036 : vector<16xi32>
      %swap3A_1038 = arith.constant 10 : i32
      %swap3A_1039 = arith.index_cast %swap3A_1038 : i32 to index
      %swap3A_1040 = arith.constant 48 : index
      %swap3A_1041 = tpu.vector_load %arg8[%swap3A_1039, %swap3A_1040] {strides = array<i32>} : memref<13x128xi32, #tpu.memory_space<vmem>>, vector<1x16xi32>,
      %swap3A_1042 = vector.shape_cast %swap3A_1041 : vector<1x16xi32> to vector<16xi32>
      %swap3A_1043 = vector.shape_cast %add3A_1037 : vector<16xi32> to vector<1x16xi32>
      tpu.vector_store %arg8[%swap3A_1039, %swap3A_1040], %swap3A_1043 {strides = array<i32>} : memref<13x128xi32, #tpu.memory_space<vmem>>, vector<1x16xi32>,
      %get3A_1044 = arith.constant 96 : index
      %get3A_1045 = tpu.vector_load %arg7[%get3A_1044] {strides = array<i32>} : memref<208xi32, #tpu.memory_space<vmem>>, vector<16xi32>,
      %get3A_1046 = vector.shape_cast %get3A_1045 : vector<16xi32> to vector<16xi32>
      %add3A_1047 = arith.constant 600000 : i32
      %add3A_1048 = vector.broadcast %add3A_1047 : i32 to vector<16xi32>
      %add3A_1049 = arith.addi %get3A_1046, %add3A_1048 : vector<16xi32>
      %swap3A_1050 = arith.constant 10 : i32
      %swap3A_1051 = arith.index_cast %swap3A_1050 : i32 to index
      %swap3A_1052 = arith.constant 64 : index
      %swap3A_1053 = tpu.vector_load %arg8[%swap3A_1051, %swap3A_1052] {strides = array<i32>} : memref<13x128xi32, #tpu.memory_space<vmem>>, vector<1x16xi32>,
      %swap3A_1054 = vector.shape_cast %swap3A_1053 : vector<1x16xi32> to vector<16xi32>
      %swap3A_1055 = vector.shape_cast %add3A_1049 : vector<16xi32> to vector<1x16xi32>
      tpu.vector_store %arg8[%swap3A_1051, %swap3A_1052], %swap3A_1055 {strides = array<i32>} : memref<13x128xi32, #tpu.memory_space<vmem>>, vector<1x16xi32>,
      %get3A_1056 = arith.constant 112 : index
      %get3A_1057 = tpu.vector_load %arg7[%get3A_1056] {strides = array<i32>} : memref<208xi32, #tpu.memory_space<vmem>>, vector<16xi32>,
      %get3A_1058 = vector.shape_cast %get3A_1057 : vector<16xi32> to vector<16xi32>
      %add3A_1059 = arith.constant 600000 : i32
      %add3A_1060 = vector.broadcast %add3A_1059 : i32 to vector<16xi32>
      %add3A_1061 = arith.addi %get3A_1058, %add3A_1060 : vector<16xi32>
      %swap3A_1062 = arith.constant 10 : i32
      %swap3A_1063 = arith.index_cast %swap3A_1062 : i32 to index
      %swap3A_1064 = arith.constant 80 : index
      %swap3A_1065 = tpu.vector_load %arg8[%swap3A_1063, %swap3A_1064] {strides = array<i32>} : memref<13x128xi32, #tpu.memory_space<vmem>>, vector<1x16xi32>,
      %swap3A_1066 = vector.shape_cast %swap3A_1065 : vector<1x16xi32> to vector<16xi32>
      %swap3A_1067 = vector.shape_cast %add3A_1061 : vector<16xi32> to vector<1x16xi32>
      tpu.vector_store %arg8[%swap3A_1063, %swap3A_1064], %swap3A_1067 {strides = array<i32>} : memref<13x128xi32, #tpu.memory_space<vmem>>, vector<1x16xi32>,
      %get3A_1068 = arith.constant 128 : index
      %get3A_1069 = tpu.vector_load %arg7[%get3A_1068] {strides = array<i32>} : memref<208xi32, #tpu.memory_space<vmem>>, vector<16xi32>,
      %get3A_1070 = vector.shape_cast %get3A_1069 : vector<16xi32> to vector<16xi32>
      %add3A_1071 = arith.constant 600000 : i32
      %add3A_1072 = vector.broadcast %add3A_1071 : i32 to vector<16xi32>
      %add3A_1073 = arith.addi %get3A_1070, %add3A_1072 : vector<16xi32>
      %swap3A_1074 = arith.constant 10 : i32
      %swap3A_1075 = arith.index_cast %swap3A_1074 : i32 to index
      %swap3A_1076 = arith.constant 96 : index
      %swap3A_1077 = tpu.vector_load %arg8[%swap3A_1075, %swap3A_1076] {strides = array<i32>} : memref<13x128xi32, #tpu.memory_space<vmem>>, vector<1x16xi32>,
      %swap3A_1078 = vector.shape_cast %swap3A_1077 : vector<1x16xi32> to vector<16xi32>
      %swap3A_1079 = vector.shape_cast %add3A_1073 : vector<16xi32> to vector<1x16xi32>
      tpu.vector_store %arg8[%swap3A_1075, %swap3A_1076], %swap3A_1079 {strides = array<i32>} : memref<13x128xi32, #tpu.memory_space<vmem>>, vector<1x16xi32>,
      %get3A_1080 = arith.constant 144 : index
      %get3A_1081 = tpu.vector_load %arg7[%get3A_1080] {strides = array<i32>} : memref<208xi32, #tpu.memory_space<vmem>>, vector<16xi32>,
      %get3A_1082 = vector.shape_cast %get3A_1081 : vector<16xi32> to vector<16xi32>
      %add3A_1083 = arith.constant 600000 : i32
      %add3A_1084 = vector.broadcast %add3A_1083 : i32 to vector<16xi32>
      %add3A_1085 = arith.addi %get3A_1082, %add3A_1084 : vector<16xi32>
      %swap3A_1086 = arith.constant 10 : i32
      %swap3A_1087 = arith.index_cast %swap3A_1086 : i32 to index
      %swap3A_1088 = arith.constant 112 : index
      %swap3A_1089 = tpu.vector_load %arg8[%swap3A_1087, %swap3A_1088] {strides = array<i32>} : memref<13x128xi32, #tpu.memory_space<vmem>>, vector<1x16xi32>,
      %swap3A_1090 = vector.shape_cast %swap3A_1089 : vector<1x16xi32> to vector<16xi32>
      %swap3A_1091 = vector.shape_cast %add3A_1085 : vector<16xi32> to vector<1x16xi32>
      tpu.vector_store %arg8[%swap3A_1087, %swap3A_1088], %swap3A_1091 {strides = array<i32>} : memref<13x128xi32, #tpu.memory_space<vmem>>, vector<1x16xi32>,
      %get3A_1092 = arith.constant 160 : index
      %get3A_1093 = tpu.vector_load %arg7[%get3A_1092] {strides = array<i32>} : memref<208xi32, #tpu.memory_space<vmem>>, vector<16xi32>,
      %get3A_1094 = vector.shape_cast %get3A_1093 : vector<16xi32> to vector<16xi32>
      %add3A_1095 = arith.constant 600000 : i32
      %add3A_1096 = vector.broadcast %add3A_1095 : i32 to vector<16xi32>
      %add3A_1097 = arith.addi %get3A_1094, %add3A_1096 : vector<16xi32>
      %swap3A_1098 = arith.constant 11 : i32
      %swap3A_1099 = arith.index_cast %swap3A_1098 : i32 to index
      %swap3A_1100 = arith.constant 0 : index
      %swap3A_1101 = tpu.vector_load %arg8[%swap3A_1099, %swap3A_1100] {strides = array<i32>} : memref<13x128xi32, #tpu.memory_space<vmem>>, vector<1x16xi32>,
      %swap3A_1102 = vector.shape_cast %swap3A_1101 : vector<1x16xi32> to vector<16xi32>
      %swap3A_1103 = vector.shape_cast %add3A_1097 : vector<16xi32> to vector<1x16xi32>
      tpu.vector_store %arg8[%swap3A_1099, %swap3A_1100], %swap3A_1103 {strides = array<i32>} : memref<13x128xi32, #tpu.memory_space<vmem>>, vector<1x16xi32>,
      %get3A_1104 = arith.constant 176 : index
      %get3A_1105 = tpu.vector_load %arg7[%get3A_1104] {strides = array<i32>} : memref<208xi32, #tpu.memory_space<vmem>>, vector<16xi32>,
      %get3A_1106 = vector.shape_cast %get3A_1105 : vector<16xi32> to vector<16xi32>
      %add3A_1107 = arith.constant 600000 : i32
      %add3A_1108 = vector.broadcast %add3A_1107 : i32 to vector<16xi32>
      %add3A_1109 = arith.addi %get3A_1106, %add3A_1108 : vector<16xi32>
      %swap3A_1110 = arith.constant 11 : i32
      %swap3A_1111 = arith.index_cast %swap3A_1110 : i32 to index
      %swap3A_1112 = arith.constant 16 : index
      %swap3A_1113 = tpu.vector_load %arg8[%swap3A_1111, %swap3A_1112] {strides = array<i32>} : memref<13x128xi32, #tpu.memory_space<vmem>>, vector<1x16xi32>,
      %swap3A_1114 = vector.shape_cast %swap3A_1113 : vector<1x16xi32> to vector<16xi32>
      %swap3A_1115 = vector.shape_cast %add3A_1109 : vector<16xi32> to vector<1x16xi32>
      tpu.vector_store %arg8[%swap3A_1111, %swap3A_1112], %swap3A_1115 {strides = array<i32>} : memref<13x128xi32, #tpu.memory_space<vmem>>, vector<1x16xi32>,
      %get3A_1116 = arith.constant 192 : index
      %get3A_1117 = tpu.vector_load %arg7[%get3A_1116] {strides = array<i32>} : memref<208xi32, #tpu.memory_space<vmem>>, vector<16xi32>,
      %get3A_1118 = vector.shape_cast %get3A_1117 : vector<16xi32> to vector<16xi32>
      %add3A_1119 = arith.constant 600000 : i32
      %add3A_1120 = vector.broadcast %add3A_1119 : i32 to vector<16xi32>
      %add3A_1121 = arith.addi %get3A_1118, %add3A_1120 : vector<16xi32>
      %swap3A_1122 = arith.constant 11 : i32
      %swap3A_1123 = arith.index_cast %swap3A_1122 : i32 to index
      %swap3A_1124 = arith.constant 32 : index
      %swap3A_1125 = tpu.vector_load %arg8[%swap3A_1123, %swap3A_1124] {strides = array<i32>} : memref<13x128xi32, #tpu.memory_space<vmem>>, vector<1x16xi32>,
      %swap3A_1126 = vector.shape_cast %swap3A_1125 : vector<1x16xi32> to vector<16xi32>
      %swap3A_1127 = vector.shape_cast %add3A_1121 : vector<16xi32> to vector<1x16xi32>
      tpu.vector_store %arg8[%swap3A_1123, %swap3A_1124], %swap3A_1127 {strides = array<i32>} : memref<13x128xi32, #tpu.memory_space<vmem>>, vector<1x16xi32>,
      %get3A_1128 = arith.constant 0 : index
      %get3A_1129 = tpu.vector_load %arg7[%get3A_1128] {strides = array<i32>} : memref<208xi32, #tpu.memory_space<vmem>>, vector<16xi32>,
      %get3A_1130 = vector.shape_cast %get3A_1129 : vector<16xi32> to vector<16xi32>
      %add3A_1131 = arith.constant 700000 : i32
      %add3A_1132 = vector.broadcast %add3A_1131 : i32 to vector<16xi32>
      %add3A_1133 = arith.addi %get3A_1130, %add3A_1132 : vector<16xi32>
      %swap3A_1134 = arith.constant 11 : i32
      %swap3A_1135 = arith.index_cast %swap3A_1134 : i32 to index
      %swap3A_1136 = arith.constant 48 : index
      %swap3A_1137 = tpu.vector_load %arg8[%swap3A_1135, %swap3A_1136] {strides = array<i32>} : memref<13x128xi32, #tpu.memory_space<vmem>>, vector<1x16xi32>,
      %swap3A_1138 = vector.shape_cast %swap3A_1137 : vector<1x16xi32> to vector<16xi32>
      %swap3A_1139 = vector.shape_cast %add3A_1133 : vector<16xi32> to vector<1x16xi32>
      tpu.vector_store %arg8[%swap3A_1135, %swap3A_1136], %swap3A_1139 {strides = array<i32>} : memref<13x128xi32, #tpu.memory_space<vmem>>, vector<1x16xi32>,
      %get3A_1140 = arith.constant 16 : index
      %get3A_1141 = tpu.vector_load %arg7[%get3A_1140] {strides = array<i32>} : memref<208xi32, #tpu.memory_space<vmem>>, vector<16xi32>,
      %get3A_1142 = vector.shape_cast %get3A_1141 : vector<16xi32> to vector<16xi32>
      %add3A_1143 = arith.constant 700000 : i32
      %add3A_1144 = vector.broadcast %add3A_1143 : i32 to vector<16xi32>
      %add3A_1145 = arith.addi %get3A_1142, %add3A_1144 : vector<16xi32>
      %swap3A_1146 = arith.constant 11 : i32
      %swap3A_1147 = arith.index_cast %swap3A_1146 : i32 to index
      %swap3A_1148 = arith.constant 64 : index
      %swap3A_1149 = tpu.vector_load %arg8[%swap3A_1147, %swap3A_1148] {strides = array<i32>} : memref<13x128xi32, #tpu.memory_space<vmem>>, vector<1x16xi32>,
      %swap3A_1150 = vector.shape_cast %swap3A_1149 : vector<1x16xi32> to vector<16xi32>
      %swap3A_1151 = vector.shape_cast %add3A_1145 : vector<16xi32> to vector<1x16xi32>
      tpu.vector_store %arg8[%swap3A_1147, %swap3A_1148], %swap3A_1151 {strides = array<i32>} : memref<13x128xi32, #tpu.memory_space<vmem>>, vector<1x16xi32>,
      %get3A_1152 = arith.constant 32 : index
      %get3A_1153 = tpu.vector_load %arg7[%get3A_1152] {strides = array<i32>} : memref<208xi32, #tpu.memory_space<vmem>>, vector<16xi32>,
      %get3A_1154 = vector.shape_cast %get3A_1153 : vector<16xi32> to vector<16xi32>
      %add3A_1155 = arith.constant 700000 : i32
      %add3A_1156 = vector.broadcast %add3A_1155 : i32 to vector<16xi32>
      %add3A_1157 = arith.addi %get3A_1154, %add3A_1156 : vector<16xi32>
      %swap3A_1158 = arith.constant 11 : i32
      %swap3A_1159 = arith.index_cast %swap3A_1158 : i32 to index
      %swap3A_1160 = arith.constant 80 : index
      %swap3A_1161 = tpu.vector_load %arg8[%swap3A_1159, %swap3A_1160] {strides = array<i32>} : memref<13x128xi32, #tpu.memory_space<vmem>>, vector<1x16xi32>,
      %swap3A_1162 = vector.shape_cast %swap3A_1161 : vector<1x16xi32> to vector<16xi32>
      %swap3A_1163 = vector.shape_cast %add3A_1157 : vector<16xi32> to vector<1x16xi32>
      tpu.vector_store %arg8[%swap3A_1159, %swap3A_1160], %swap3A_1163 {strides = array<i32>} : memref<13x128xi32, #tpu.memory_space<vmem>>, vector<1x16xi32>,
      %get3A_1164 = arith.constant 48 : index
      %get3A_1165 = tpu.vector_load %arg7[%get3A_1164] {strides = array<i32>} : memref<208xi32, #tpu.memory_space<vmem>>, vector<16xi32>,
      %get3A_1166 = vector.shape_cast %get3A_1165 : vector<16xi32> to vector<16xi32>
      %add3A_1167 = arith.constant 700000 : i32
      %add3A_1168 = vector.broadcast %add3A_1167 : i32 to vector<16xi32>
      %add3A_1169 = arith.addi %get3A_1166, %add3A_1168 : vector<16xi32>
      %swap3A_1170 = arith.constant 11 : i32
      %swap3A_1171 = arith.index_cast %swap3A_1170 : i32 to index
      %swap3A_1172 = arith.constant 96 : index
      %swap3A_1173 = tpu.vector_load %arg8[%swap3A_1171, %swap3A_1172] {strides = array<i32>} : memref<13x128xi32, #tpu.memory_space<vmem>>, vector<1x16xi32>,
      %swap3A_1174 = vector.shape_cast %swap3A_1173 : vector<1x16xi32> to vector<16xi32>
      %swap3A_1175 = vector.shape_cast %add3A_1169 : vector<16xi32> to vector<1x16xi32>
      tpu.vector_store %arg8[%swap3A_1171, %swap3A_1172], %swap3A_1175 {strides = array<i32>} : memref<13x128xi32, #tpu.memory_space<vmem>>, vector<1x16xi32>,
      %get3A_1176 = arith.constant 64 : index
      %get3A_1177 = tpu.vector_load %arg7[%get3A_1176] {strides = array<i32>} : memref<208xi32, #tpu.memory_space<vmem>>, vector<16xi32>,
      %get3A_1178 = vector.shape_cast %get3A_1177 : vector<16xi32> to vector<16xi32>
      %add3A_1179 = arith.constant 700000 : i32
      %add3A_1180 = vector.broadcast %add3A_1179 : i32 to vector<16xi32>
      %add3A_1181 = arith.addi %get3A_1178, %add3A_1180 : vector<16xi32>
      %swap3A_1182 = arith.constant 11 : i32
      %swap3A_1183 = arith.index_cast %swap3A_1182 : i32 to index
      %swap3A_1184 = arith.constant 112 : index
      %swap3A_1185 = tpu.vector_load %arg8[%swap3A_1183, %swap3A_1184] {strides = array<i32>} : memref<13x128xi32, #tpu.memory_space<vmem>>, vector<1x16xi32>,
      %swap3A_1186 = vector.shape_cast %swap3A_1185 : vector<1x16xi32> to vector<16xi32>
      %swap3A_1187 = vector.shape_cast %add3A_1181 : vector<16xi32> to vector<1x16xi32>
      tpu.vector_store %arg8[%swap3A_1183, %swap3A_1184], %swap3A_1187 {strides = array<i32>} : memref<13x128xi32, #tpu.memory_space<vmem>>, vector<1x16xi32>,
      %get3A_1188 = arith.constant 80 : index
      %get3A_1189 = tpu.vector_load %arg7[%get3A_1188] {strides = array<i32>} : memref<208xi32, #tpu.memory_space<vmem>>, vector<16xi32>,
      %get3A_1190 = vector.shape_cast %get3A_1189 : vector<16xi32> to vector<16xi32>
      %add3A_1191 = arith.constant 700000 : i32
      %add3A_1192 = vector.broadcast %add3A_1191 : i32 to vector<16xi32>
      %add3A_1193 = arith.addi %get3A_1190, %add3A_1192 : vector<16xi32>
      %swap3A_1194 = arith.constant 12 : i32
      %swap3A_1195 = arith.index_cast %swap3A_1194 : i32 to index
      %swap3A_1196 = arith.constant 0 : index
      %swap3A_1197 = tpu.vector_load %arg8[%swap3A_1195, %swap3A_1196] {strides = array<i32>} : memref<13x128xi32, #tpu.memory_space<vmem>>, vector<1x16xi32>,
      %swap3A_1198 = vector.shape_cast %swap3A_1197 : vector<1x16xi32> to vector<16xi32>
      %swap3A_1199 = vector.shape_cast %add3A_1193 : vector<16xi32> to vector<1x16xi32>
      tpu.vector_store %arg8[%swap3A_1195, %swap3A_1196], %swap3A_1199 {strides = array<i32>} : memref<13x128xi32, #tpu.memory_space<vmem>>, vector<1x16xi32>,
      %get3A_1200 = arith.constant 96 : index
      %get3A_1201 = tpu.vector_load %arg7[%get3A_1200] {strides = array<i32>} : memref<208xi32, #tpu.memory_space<vmem>>, vector<16xi32>,
      %get3A_1202 = vector.shape_cast %get3A_1201 : vector<16xi32> to vector<16xi32>
      %add3A_1203 = arith.constant 700000 : i32
      %add3A_1204 = vector.broadcast %add3A_1203 : i32 to vector<16xi32>
      %add3A_1205 = arith.addi %get3A_1202, %add3A_1204 : vector<16xi32>
      %swap3A_1206 = arith.constant 12 : i32
      %swap3A_1207 = arith.index_cast %swap3A_1206 : i32 to index
      %swap3A_1208 = arith.constant 16 : index
      %swap3A_1209 = tpu.vector_load %arg8[%swap3A_1207, %swap3A_1208] {strides = array<i32>} : memref<13x128xi32, #tpu.memory_space<vmem>>, vector<1x16xi32>,
      %swap3A_1210 = vector.shape_cast %swap3A_1209 : vector<1x16xi32> to vector<16xi32>
      %swap3A_1211 = vector.shape_cast %add3A_1205 : vector<16xi32> to vector<1x16xi32>
      tpu.vector_store %arg8[%swap3A_1207, %swap3A_1208], %swap3A_1211 {strides = array<i32>} : memref<13x128xi32, #tpu.memory_space<vmem>>, vector<1x16xi32>,
      %get3A_1212 = arith.constant 112 : index
      %get3A_1213 = tpu.vector_load %arg7[%get3A_1212] {strides = array<i32>} : memref<208xi32, #tpu.memory_space<vmem>>, vector<16xi32>,
      %get3A_1214 = vector.shape_cast %get3A_1213 : vector<16xi32> to vector<16xi32>
      %add3A_1215 = arith.constant 700000 : i32
      %add3A_1216 = vector.broadcast %add3A_1215 : i32 to vector<16xi32>
      %add3A_1217 = arith.addi %get3A_1214, %add3A_1216 : vector<16xi32>
      %swap3A_1218 = arith.constant 12 : i32
      %swap3A_1219 = arith.index_cast %swap3A_1218 : i32 to index
      %swap3A_1220 = arith.constant 32 : index
      %swap3A_1221 = tpu.vector_load %arg8[%swap3A_1219, %swap3A_1220] {strides = array<i32>} : memref<13x128xi32, #tpu.memory_space<vmem>>, vector<1x16xi32>,
      %swap3A_1222 = vector.shape_cast %swap3A_1221 : vector<1x16xi32> to vector<16xi32>
      %swap3A_1223 = vector.shape_cast %add3A_1217 : vector<16xi32> to vector<1x16xi32>
      tpu.vector_store %arg8[%swap3A_1219, %swap3A_1220], %swap3A_1223 {strides = array<i32>} : memref<13x128xi32, #tpu.memory_space<vmem>>, vector<1x16xi32>,
      %get3A_1224 = arith.constant 128 : index
      %get3A_1225 = tpu.vector_load %arg7[%get3A_1224] {strides = array<i32>} : memref<208xi32, #tpu.memory_space<vmem>>, vector<16xi32>,
      %get3A_1226 = vector.shape_cast %get3A_1225 : vector<16xi32> to vector<16xi32>
      %add3A_1227 = arith.constant 700000 : i32
      %add3A_1228 = vector.broadcast %add3A_1227 : i32 to vector<16xi32>
      %add3A_1229 = arith.addi %get3A_1226, %add3A_1228 : vector<16xi32>
      %swap3A_1230 = arith.constant 12 : i32
      %swap3A_1231 = arith.index_cast %swap3A_1230 : i32 to index
      %swap3A_1232 = arith.constant 48 : index
      %swap3A_1233 = tpu.vector_load %arg8[%swap3A_1231, %swap3A_1232] {strides = array<i32>} : memref<13x128xi32, #tpu.memory_space<vmem>>, vector<1x16xi32>,
      %swap3A_1234 = vector.shape_cast %swap3A_1233 : vector<1x16xi32> to vector<16xi32>
      %swap3A_1235 = vector.shape_cast %add3A_1229 : vector<16xi32> to vector<1x16xi32>
      tpu.vector_store %arg8[%swap3A_1231, %swap3A_1232], %swap3A_1235 {strides = array<i32>} : memref<13x128xi32, #tpu.memory_space<vmem>>, vector<1x16xi32>,
      %get3A_1236 = arith.constant 144 : index
      %get3A_1237 = tpu.vector_load %arg7[%get3A_1236] {strides = array<i32>} : memref<208xi32, #tpu.memory_space<vmem>>, vector<16xi32>,
      %get3A_1238 = vector.shape_cast %get3A_1237 : vector<16xi32> to vector<16xi32>
      %add3A_1239 = arith.constant 700000 : i32
      %add3A_1240 = vector.broadcast %add3A_1239 : i32 to vector<16xi32>
      %add3A_1241 = arith.addi %get3A_1238, %add3A_1240 : vector<16xi32>
      %swap3A_1242 = arith.constant 12 : i32
      %swap3A_1243 = arith.index_cast %swap3A_1242 : i32 to index
      %swap3A_1244 = arith.constant 64 : index
      %swap3A_1245 = tpu.vector_load %arg8[%swap3A_1243, %swap3A_1244] {strides = array<i32>} : memref<13x128xi32, #tpu.memory_space<vmem>>, vector<1x16xi32>,
      %swap3A_1246 = vector.shape_cast %swap3A_1245 : vector<1x16xi32> to vector<16xi32>
      %swap3A_1247 = vector.shape_cast %add3A_1241 : vector<16xi32> to vector<1x16xi32>
      tpu.vector_store %arg8[%swap3A_1243, %swap3A_1244], %swap3A_1247 {strides = array<i32>} : memref<13x128xi32, #tpu.memory_space<vmem>>, vector<1x16xi32>,
      %get3A_1248 = arith.constant 160 : index
      %get3A_1249 = tpu.vector_load %arg7[%get3A_1248] {strides = array<i32>} : memref<208xi32, #tpu.memory_space<vmem>>, vector<16xi32>,
      %get3A_1250 = vector.shape_cast %get3A_1249 : vector<16xi32> to vector<16xi32>
      %add3A_1251 = arith.constant 700000 : i32
      %add3A_1252 = vector.broadcast %add3A_1251 : i32 to vector<16xi32>
      %add3A_1253 = arith.addi %get3A_1250, %add3A_1252 : vector<16xi32>
      %swap3A_1254 = arith.constant 12 : i32
      %swap3A_1255 = arith.index_cast %swap3A_1254 : i32 to index
      %swap3A_1256 = arith.constant 80 : index
      %swap3A_1257 = tpu.vector_load %arg8[%swap3A_1255, %swap3A_1256] {strides = array<i32>} : memref<13x128xi32, #tpu.memory_space<vmem>>, vector<1x16xi32>,
      %swap3A_1258 = vector.shape_cast %swap3A_1257 : vector<1x16xi32> to vector<16xi32>
      %swap3A_1259 = vector.shape_cast %add3A_1253 : vector<16xi32> to vector<1x16xi32>
      tpu.vector_store %arg8[%swap3A_1255, %swap3A_1256], %swap3A_1259 {strides = array<i32>} : memref<13x128xi32, #tpu.memory_space<vmem>>, vector<1x16xi32>,
      %get3A_1260 = arith.constant 176 : index
      %get3A_1261 = tpu.vector_load %arg7[%get3A_1260] {strides = array<i32>} : memref<208xi32, #tpu.memory_space<vmem>>, vector<16xi32>,
      %get3A_1262 = vector.shape_cast %get3A_1261 : vector<16xi32> to vector<16xi32>
      %add3A_1263 = arith.constant 700000 : i32
      %add3A_1264 = vector.broadcast %add3A_1263 : i32 to vector<16xi32>
      %add3A_1265 = arith.addi %get3A_1262, %add3A_1264 : vector<16xi32>
      %swap3A_1266 = arith.constant 12 : i32
      %swap3A_1267 = arith.index_cast %swap3A_1266 : i32 to index
      %swap3A_1268 = arith.constant 96 : index
      %swap3A_1269 = tpu.vector_load %arg8[%swap3A_1267, %swap3A_1268] {strides = array<i32>} : memref<13x128xi32, #tpu.memory_space<vmem>>, vector<1x16xi32>,
      %swap3A_1270 = vector.shape_cast %swap3A_1269 : vector<1x16xi32> to vector<16xi32>
      %swap3A_1271 = vector.shape_cast %add3A_1265 : vector<16xi32> to vector<1x16xi32>
      tpu.vector_store %arg8[%swap3A_1267, %swap3A_1268], %swap3A_1271 {strides = array<i32>} : memref<13x128xi32, #tpu.memory_space<vmem>>, vector<1x16xi32>,
      %get3A_1272 = arith.constant 192 : index
      %get3A_1273 = tpu.vector_load %arg7[%get3A_1272] {strides = array<i32>} : memref<208xi32, #tpu.memory_space<vmem>>, vector<16xi32>,
      %get3A_1274 = vector.shape_cast %get3A_1273 : vector<16xi32> to vector<16xi32>
      %add3A_1275 = arith.constant 700000 : i32
      %add3A_1276 = vector.broadcast %add3A_1275 : i32 to vector<16xi32>
      %add3A_1277 = arith.addi %get3A_1274, %add3A_1276 : vector<16xi32>
      %swap3A_1278 = arith.constant 12 : i32
      %swap3A_1279 = arith.index_cast %swap3A_1278 : i32 to index
      %swap3A_1280 = arith.constant 112 : index
      %swap3A_1281 = tpu.vector_load %arg8[%swap3A_1279, %swap3A_1280] {strides = array<i32>} : memref<13x128xi32, #tpu.memory_space<vmem>>, vector<1x16xi32>,
      %swap3A_1282 = vector.shape_cast %swap3A_1281 : vector<1x16xi32> to vector<16xi32>
      %swap3A_1283 = vector.shape_cast %add3A_1277 : vector<16xi32> to vector<1x16xi32>
      tpu.vector_store %arg8[%swap3A_1279, %swap3A_1280], %swap3A_1283 {strides = array<i32>} : memref<13x128xi32, #tpu.memory_space<vmem>>, vector<1x16xi32>,
      %scan3A_1284 = arith.constant 0 : i32
      %scan3A_1285 = arith.constant 0 : i32
      %scan3A_1286 = arith.constant 13 : i32
      %scan3A_1287 = arith.addi %scan3A_1285, %scan3A_1286 : i32
      %scan3A_1288 = arith.constant 1 : i32
      scf.for %scan3A_1296 = %scan3A_1285 to %scan3A_1287 step %scan3A_1288  : i32 {
        %mul3A_1297 = arith.constant 128 : i32
        %mul3A_1298 = arith.muli %scan3A_1296, %mul3A_1297 : i32
        %dma_start3A = arith.constant 0 : i32
        %dma_start3A_1299 = tpu.memref_slice %arg11[%mul3A_1298, %dma_start3A] : memref<1664x16xf32, #tpu.memory_space<vmem>> -> memref<128x16xf32, #tpu.memory_space<vmem>>
        %dma_start3A_1300 = arith.constant 0 : i32
        %dma_start3A_1301 = tpu.memref_slice %arg8[%scan3A_1296, %dma_start3A_1300] : memref<13x128xi32, #tpu.memory_space<vmem>> -> memref<1x128xi32, #tpu.memory_space<vmem>>
        %dma_start3A_1302 = tpu.memref_squeeze %dma_start3A_1301 : memref<1x128xi32, #tpu.memory_space<vmem>> -> memref<128xi32, #tpu.memory_space<vmem>>
        %dma_start3A_1303 = arith.constant 0 : i32
        %dma_start3A_1304 = arith.constant 0 : i32
        %dma_start3A_1305 = tpu.memref_slice %arg2[%dma_start3A_1303, %dma_start3A_1304] : memref<800000x16xf32, #tpu.memory_space<hbm>> -> memref<800000x16xf32, #tpu.memory_space<hbm>>
        tpu.enqueue_indirect_dma source(%dma_start3A_1305 : memref<800000x16xf32, #tpu.memory_space<hbm>>) target(%dma_start3A_1299 : memref<128x16xf32, #tpu.memory_space<vmem>>) offsets(%dma_start3A_1302 : memref<128xi32, #tpu.memory_space<vmem>>) semaphore(%arg13 : memref<!tpu.dma_semaphore, #tpu.memory_space<semaphore_mem>>)
        %dma_wait3A = arith.constant 0 : i32
        %dma_wait3A_1306 = tpu.memref_slice %arg11[%mul3A_1298, %dma_wait3A] : memref<1664x16xf32, #tpu.memory_space<vmem>> -> memref<128x16xf32, #tpu.memory_space<vmem>>
        %dma_wait3A_1307 = arith.constant 0 : i32
        %dma_wait3A_1308 = tpu.memref_slice %arg8[%scan3A_1296, %dma_wait3A_1307] : memref<13x128xi32, #tpu.memory_space<vmem>> -> memref<1x128xi32, #tpu.memory_space<vmem>>
        %dma_wait3A_1309 = tpu.memref_squeeze %dma_wait3A_1308 : memref<1x128xi32, #tpu.memory_space<vmem>> -> memref<128xi32, #tpu.memory_space<vmem>>
        %dma_wait3A_1310 = arith.constant 0 : i32
        %dma_wait3A_1311 = arith.constant 0 : i32
        %dma_wait3A_1312 = tpu.memref_slice %arg2[%dma_wait3A_1310, %dma_wait3A_1311] : memref<800000x16xf32, #tpu.memory_space<hbm>> -> memref<800000x16xf32, #tpu.memory_space<hbm>>
        tpu.wait_indirect_dma semaphore(%arg13 : memref<!tpu.dma_semaphore, #tpu.memory_space<semaphore_mem>>) src(%dma_wait3A_1312 : memref<800000x16xf32, #tpu.memory_space<hbm>>) dst(%dma_wait3A_1306 : memref<128x16xf32, #tpu.memory_space<vmem>>)
        %dma_start3A_1313 = arith.constant 0 : i32
        %dma_start3A_1314 = tpu.memref_slice %arg11[%mul3A_1298, %dma_start3A_1313] : memref<1664x16xf32, #tpu.memory_space<vmem>> -> memref<128x16xf32, #tpu.memory_space<vmem>>
        %dma_start3A_1315 = arith.constant 0 : i32
        %dma_start3A_1316 = tpu.memref_slice %arg9[%scan3A_1296, %dma_start3A_1315] : memref<13x128xi32, #tpu.memory_space<vmem>> -> memref<1x128xi32, #tpu.memory_space<vmem>>
        %dma_start3A_1317 = tpu.memref_squeeze %dma_start3A_1316 : memref<1x128xi32, #tpu.memory_space<vmem>> -> memref<128xi32, #tpu.memory_space<vmem>>
        %dma_start3A_1318 = arith.constant 0 : i32
        %dma_start3A_1319 = arith.constant 0 : i32
        %dma_start3A_1320 = tpu.memref_slice %arg6[%dma_start3A_1318, %dma_start3A_1319] : memref<1703936x16xf32, #tpu.memory_space<hbm>> -> memref<1703936x16xf32, #tpu.memory_space<hbm>>
        tpu.enqueue_indirect_dma source(%dma_start3A_1314 : memref<128x16xf32, #tpu.memory_space<vmem>>) target(%dma_start3A_1320 : memref<1703936x16xf32, #tpu.memory_space<hbm>>) offsets(%dma_start3A_1317 : memref<128xi32, #tpu.memory_space<vmem>>) semaphore(%arg13 : memref<!tpu.dma_semaphore, #tpu.memory_space<semaphore_mem>>)
        %dma_wait3A_1321 = arith.constant 0 : i32
        %dma_wait3A_1322 = tpu.memref_slice %arg11[%mul3A_1298, %dma_wait3A_1321] : memref<1664x16xf32, #tpu.memory_space<vmem>> -> memref<128x16xf32, #tpu.memory_space<vmem>>
        %dma_wait3A_1323 = arith.constant 0 : i32
        %dma_wait3A_1324 = tpu.memref_slice %arg9[%scan3A_1296, %dma_wait3A_1323] : memref<13x128xi32, #tpu.memory_space<vmem>> -> memref<1x128xi32, #tpu.memory_space<vmem>>
        %dma_wait3A_1325 = tpu.memref_squeeze %dma_wait3A_1324 : memref<1x128xi32, #tpu.memory_space<vmem>> -> memref<128xi32, #tpu.memory_space<vmem>>
        %dma_wait3A_1326 = arith.constant 0 : i32
        %dma_wait3A_1327 = arith.constant 0 : i32
        %dma_wait3A_1328 = tpu.memref_slice %arg6[%dma_wait3A_1326, %dma_wait3A_1327] : memref<1703936x16xf32, #tpu.memory_space<hbm>> -> memref<1703936x16xf32, #tpu.memory_space<hbm>>
        tpu.wait_indirect_dma semaphore(%arg13 : memref<!tpu.dma_semaphore, #tpu.memory_space<semaphore_mem>>) src(%dma_wait3A_1322 : memref<128x16xf32, #tpu.memory_space<vmem>>) dst(%dma_wait3A_1328 : memref<1703936x16xf32, #tpu.memory_space<hbm>>)
        %dma_start3A_1329 = arith.constant 0 : i32
        %dma_start3A_1330 = tpu.memref_slice %arg12[%mul3A_1298, %dma_start3A_1329] : memref<1664x16xf32, #tpu.memory_space<vmem>> -> memref<128x16xf32, #tpu.memory_space<vmem>>
        %dma_start3A_1331 = arith.constant 0 : i32
        %dma_start3A_1332 = tpu.memref_slice %arg10[%scan3A_1296, %dma_start3A_1331] : memref<13x128xi32, #tpu.memory_space<vmem>> -> memref<1x128xi32, #tpu.memory_space<vmem>>
        %dma_start3A_1333 = tpu.memref_squeeze %dma_start3A_1332 : memref<1x128xi32, #tpu.memory_space<vmem>> -> memref<128xi32, #tpu.memory_space<vmem>>
        %dma_start3A_1334 = arith.constant 0 : i32
        %dma_start3A_1335 = arith.constant 0 : i32
        %dma_start3A_1336 = tpu.memref_slice %arg6[%dma_start3A_1334, %dma_start3A_1335] : memref<1703936x16xf32, #tpu.memory_space<hbm>> -> memref<1703936x16xf32, #tpu.memory_space<hbm>>
        tpu.enqueue_indirect_dma source(%dma_start3A_1330 : memref<128x16xf32, #tpu.memory_space<vmem>>) target(%dma_start3A_1336 : memref<1703936x16xf32, #tpu.memory_space<hbm>>) offsets(%dma_start3A_1333 : memref<128xi32, #tpu.memory_space<vmem>>) semaphore(%arg13 : memref<!tpu.dma_semaphore, #tpu.memory_space<semaphore_mem>>)
        %dma_wait3A_1337 = arith.constant 0 : i32
        %dma_wait3A_1338 = tpu.memref_slice %arg12[%mul3A_1298, %dma_wait3A_1337] : memref<1664x16xf32, #tpu.memory_space<vmem>> -> memref<128x16xf32, #tpu.memory_space<vmem>>
        %dma_wait3A_1339 = arith.constant 0 : i32
        %dma_wait3A_1340 = tpu.memref_slice %arg10[%scan3A_1296, %dma_wait3A_1339] : memref<13x128xi32, #tpu.memory_space<vmem>> -> memref<1x128xi32, #tpu.memory_space<vmem>>
        %dma_wait3A_1341 = tpu.memref_squeeze %dma_wait3A_1340 : memref<1x128xi32, #tpu.memory_space<vmem>> -> memref<128xi32, #tpu.memory_space<vmem>>
        %dma_wait3A_1342 = arith.constant 0 : i32
        %dma_wait3A_1343 = arith.constant 0 : i32
        %dma_wait3A_1344 = tpu.memref_slice %arg6[%dma_wait3A_1342, %dma_wait3A_1343] : memref<1703936x16xf32, #tpu.memory_space<hbm>> -> memref<1703936x16xf32, #tpu.memory_space<hbm>>
        tpu.wait_indirect_dma semaphore(%arg13 : memref<!tpu.dma_semaphore, #tpu.memory_space<semaphore_mem>>) src(%dma_wait3A_1338 : memref<128x16xf32, #tpu.memory_space<vmem>>) dst(%dma_wait3A_1344 : memref<1703936x16xf32, #tpu.memory_space<hbm>>)
      }
      %scan3A_1289 = arith.constant 13 : i32
      %scan3A_1290 = arith.constant 0 : i32
      %scan3A_1291 = arith.constant 0 : i32
      %scan3A_1292 = arith.constant 13 : i32
      %scan3A_1293 = arith.addi %scan3A_1291, %scan3A_1292 : i32
      %scan3A_1294 = arith.constant 1 : i32
      scf.for %scan3A_1296 = %scan3A_1291 to %scan3A_1293 step %scan3A_1294  : i32 {
        %get3A_1297 = arith.index_cast %scan3A_1296 : i32 to index
        %get3A_1298 = arith.constant 0 : index
        %get3A_1299 = tpu.vector_load %arg9[%get3A_1297, %get3A_1298] {strides = array<i32>} : memref<13x128xi32, #tpu.memory_space<vmem>>, vector<1x16xi32>,
        %get3A_1300 = vector.shape_cast %get3A_1299 : vector<1x16xi32> to vector<16xi32>
        %add3A_1301 = arith.constant 3328 : i32
        %add3A_1302 = vector.broadcast %add3A_1301 : i32 to vector<16xi32>
        %add3A_1303 = arith.addi %get3A_1300, %add3A_1302 : vector<16xi32>
        %swap3A_1304 = arith.index_cast %scan3A_1296 : i32 to index
        %swap3A_1305 = arith.constant 0 : index
        %swap3A_1306 = tpu.vector_load %arg9[%swap3A_1304, %swap3A_1305] {strides = array<i32>} : memref<13x128xi32, #tpu.memory_space<vmem>>, vector<1x16xi32>,
        %swap3A_1307 = vector.shape_cast %swap3A_1306 : vector<1x16xi32> to vector<16xi32>
        %swap3A_1308 = vector.shape_cast %add3A_1303 : vector<16xi32> to vector<1x16xi32>
        tpu.vector_store %arg9[%swap3A_1304, %swap3A_1305], %swap3A_1308 {strides = array<i32>} : memref<13x128xi32, #tpu.memory_space<vmem>>, vector<1x16xi32>,
        %get3A_1309 = arith.index_cast %scan3A_1296 : i32 to index
        %get3A_1310 = arith.constant 0 : index
        %get3A_1311 = tpu.vector_load %arg10[%get3A_1309, %get3A_1310] {strides = array<i32>} : memref<13x128xi32, #tpu.memory_space<vmem>>, vector<1x16xi32>,
        %get3A_1312 = vector.shape_cast %get3A_1311 : vector<1x16xi32> to vector<16xi32>
        %add3A_1313 = arith.constant 3328 : i32
        %add3A_1314 = vector.broadcast %add3A_1313 : i32 to vector<16xi32>
        %add3A_1315 = arith.addi %get3A_1312, %add3A_1314 : vector<16xi32>
        %swap3A_1316 = arith.index_cast %scan3A_1296 : i32 to index
        %swap3A_1317 = arith.constant 0 : index
        %swap3A_1318 = tpu.vector_load %arg10[%swap3A_1316, %swap3A_1317] {strides = array<i32>} : memref<13x128xi32, #tpu.memory_space<vmem>>, vector<1x16xi32>,
        %swap3A_1319 = vector.shape_cast %swap3A_1318 : vector<1x16xi32> to vector<16xi32>
        %swap3A_1320 = vector.shape_cast %add3A_1315 : vector<16xi32> to vector<1x16xi32>
        tpu.vector_store %arg10[%swap3A_1316, %swap3A_1317], %swap3A_1320 {strides = array<i32>} : memref<13x128xi32, #tpu.memory_space<vmem>>, vector<1x16xi32>,
        %get3A_1321 = arith.index_cast %scan3A_1296 : i32 to index
        %get3A_1322 = arith.constant 16 : index
        %get3A_1323 = tpu.vector_load %arg9[%get3A_1321, %get3A_1322] {strides = array<i32>} : memref<13x128xi32, #tpu.memory_space<vmem>>, vector<1x16xi32>,
        %get3A_1324 = vector.shape_cast %get3A_1323 : vector<1x16xi32> to vector<16xi32>
        %add3A_1325 = arith.constant 3328 : i32
        %add3A_1326 = vector.broadcast %add3A_1325 : i32 to vector<16xi32>
        %add3A_1327 = arith.addi %get3A_1324, %add3A_1326 : vector<16xi32>
        %swap3A_1328 = arith.index_cast %scan3A_1296 : i32 to index
        %swap3A_1329 = arith.constant 16 : index
        %swap3A_1330 = tpu.vector_load %arg9[%swap3A_1328, %swap3A_1329] {strides = array<i32>} : memref<13x128xi32, #tpu.memory_space<vmem>>, vector<1x16xi32>,
        %swap3A_1331 = vector.shape_cast %swap3A_1330 : vector<1x16xi32> to vector<16xi32>
        %swap3A_1332 = vector.shape_cast %add3A_1327 : vector<16xi32> to vector<1x16xi32>
        tpu.vector_store %arg9[%swap3A_1328, %swap3A_1329], %swap3A_1332 {strides = array<i32>} : memref<13x128xi32, #tpu.memory_space<vmem>>, vector<1x16xi32>,
        %get3A_1333 = arith.index_cast %scan3A_1296 : i32 to index
        %get3A_1334 = arith.constant 16 : index
        %get3A_1335 = tpu.vector_load %arg10[%get3A_1333, %get3A_1334] {strides = array<i32>} : memref<13x128xi32, #tpu.memory_space<vmem>>, vector<1x16xi32>,
        %get3A_1336 = vector.shape_cast %get3A_1335 : vector<1x16xi32> to vector<16xi32>
        %add3A_1337 = arith.constant 3328 : i32
        %add3A_1338 = vector.broadcast %add3A_1337 : i32 to vector<16xi32>
        %add3A_1339 = arith.addi %get3A_1336, %add3A_1338 : vector<16xi32>
        %swap3A_1340 = arith.index_cast %scan3A_1296 : i32 to index
        %swap3A_1341 = arith.constant 16 : index
        %swap3A_1342 = tpu.vector_load %arg10[%swap3A_1340, %swap3A_1341] {strides = array<i32>} : memref<13x128xi32, #tpu.memory_space<vmem>>, vector<1x16xi32>,
        %swap3A_1343 = vector.shape_cast %swap3A_1342 : vector<1x16xi32> to vector<16xi32>
        %swap3A_1344 = vector.shape_cast %add3A_1339 : vector<16xi32> to vector<1x16xi32>
        tpu.vector_store %arg10[%swap3A_1340, %swap3A_1341], %swap3A_1344 {strides = array<i32>} : memref<13x128xi32, #tpu.memory_space<vmem>>, vector<1x16xi32>,
        %get3A_1345 = arith.index_cast %scan3A_1296 : i32 to index
        %get3A_1346 = arith.constant 32 : index
        %get3A_1347 = tpu.vector_load %arg9[%get3A_1345, %get3A_1346] {strides = array<i32>} : memref<13x128xi32, #tpu.memory_space<vmem>>, vector<1x16xi32>,
        %get3A_1348 = vector.shape_cast %get3A_1347 : vector<1x16xi32> to vector<16xi32>
        %add3A_1349 = arith.constant 3328 : i32
        %add3A_1350 = vector.broadcast %add3A_1349 : i32 to vector<16xi32>
        %add3A_1351 = arith.addi %get3A_1348, %add3A_1350 : vector<16xi32>
        %swap3A_1352 = arith.index_cast %scan3A_1296 : i32 to index
        %swap3A_1353 = arith.constant 32 : index
        %swap3A_1354 = tpu.vector_load %arg9[%swap3A_1352, %swap3A_1353] {strides = array<i32>} : memref<13x128xi32, #tpu.memory_space<vmem>>, vector<1x16xi32>,
        %swap3A_1355 = vector.shape_cast %swap3A_1354 : vector<1x16xi32> to vector<16xi32>
        %swap3A_1356 = vector.shape_cast %add3A_1351 : vector<16xi32> to vector<1x16xi32>
        tpu.vector_store %arg9[%swap3A_1352, %swap3A_1353], %swap3A_1356 {strides = array<i32>} : memref<13x128xi32, #tpu.memory_space<vmem>>, vector<1x16xi32>,
        %get3A_1357 = arith.index_cast %scan3A_1296 : i32 to index
        %get3A_1358 = arith.constant 32 : index
        %get3A_1359 = tpu.vector_load %arg10[%get3A_1357, %get3A_1358] {strides = array<i32>} : memref<13x128xi32, #tpu.memory_space<vmem>>, vector<1x16xi32>,
        %get3A_1360 = vector.shape_cast %get3A_1359 : vector<1x16xi32> to vector<16xi32>
        %add3A_1361 = arith.constant 3328 : i32
        %add3A_1362 = vector.broadcast %add3A_1361 : i32 to vector<16xi32>
        %add3A_1363 = arith.addi %get3A_1360, %add3A_1362 : vector<16xi32>
        %swap3A_1364 = arith.index_cast %scan3A_1296 : i32 to index
        %swap3A_1365 = arith.constant 32 : index
        %swap3A_1366 = tpu.vector_load %arg10[%swap3A_1364, %swap3A_1365] {strides = array<i32>} : memref<13x128xi32, #tpu.memory_space<vmem>>, vector<1x16xi32>,
        %swap3A_1367 = vector.shape_cast %swap3A_1366 : vector<1x16xi32> to vector<16xi32>
        %swap3A_1368 = vector.shape_cast %add3A_1363 : vector<16xi32> to vector<1x16xi32>
        tpu.vector_store %arg10[%swap3A_1364, %swap3A_1365], %swap3A_1368 {strides = array<i32>} : memref<13x128xi32, #tpu.memory_space<vmem>>, vector<1x16xi32>,
        %get3A_1369 = arith.index_cast %scan3A_1296 : i32 to index
        %get3A_1370 = arith.constant 48 : index
        %get3A_1371 = tpu.vector_load %arg9[%get3A_1369, %get3A_1370] {strides = array<i32>} : memref<13x128xi32, #tpu.memory_space<vmem>>, vector<1x16xi32>,
        %get3A_1372 = vector.shape_cast %get3A_1371 : vector<1x16xi32> to vector<16xi32>
        %add3A_1373 = arith.constant 3328 : i32
        %add3A_1374 = vector.broadcast %add3A_1373 : i32 to vector<16xi32>
        %add3A_1375 = arith.addi %get3A_1372, %add3A_1374 : vector<16xi32>
        %swap3A_1376 = arith.index_cast %scan3A_1296 : i32 to index
        %swap3A_1377 = arith.constant 48 : index
        %swap3A_1378 = tpu.vector_load %arg9[%swap3A_1376, %swap3A_1377] {strides = array<i32>} : memref<13x128xi32, #tpu.memory_space<vmem>>, vector<1x16xi32>,
        %swap3A_1379 = vector.shape_cast %swap3A_1378 : vector<1x16xi32> to vector<16xi32>
        %swap3A_1380 = vector.shape_cast %add3A_1375 : vector<16xi32> to vector<1x16xi32>
        tpu.vector_store %arg9[%swap3A_1376, %swap3A_1377], %swap3A_1380 {strides = array<i32>} : memref<13x128xi32, #tpu.memory_space<vmem>>, vector<1x16xi32>,
        %get3A_1381 = arith.index_cast %scan3A_1296 : i32 to index
        %get3A_1382 = arith.constant 48 : index
        %get3A_1383 = tpu.vector_load %arg10[%get3A_1381, %get3A_1382] {strides = array<i32>} : memref<13x128xi32, #tpu.memory_space<vmem>>, vector<1x16xi32>,
        %get3A_1384 = vector.shape_cast %get3A_1383 : vector<1x16xi32> to vector<16xi32>
        %add3A_1385 = arith.constant 3328 : i32
        %add3A_1386 = vector.broadcast %add3A_1385 : i32 to vector<16xi32>
        %add3A_1387 = arith.addi %get3A_1384, %add3A_1386 : vector<16xi32>
        %swap3A_1388 = arith.index_cast %scan3A_1296 : i32 to index
        %swap3A_1389 = arith.constant 48 : index
        %swap3A_1390 = tpu.vector_load %arg10[%swap3A_1388, %swap3A_1389] {strides = array<i32>} : memref<13x128xi32, #tpu.memory_space<vmem>>, vector<1x16xi32>,
        %swap3A_1391 = vector.shape_cast %swap3A_1390 : vector<1x16xi32> to vector<16xi32>
        %swap3A_1392 = vector.shape_cast %add3A_1387 : vector<16xi32> to vector<1x16xi32>
        tpu.vector_store %arg10[%swap3A_1388, %swap3A_1389], %swap3A_1392 {strides = array<i32>} : memref<13x128xi32, #tpu.memory_space<vmem>>, vector<1x16xi32>,
        %get3A_1393 = arith.index_cast %scan3A_1296 : i32 to index
        %get3A_1394 = arith.constant 64 : index
        %get3A_1395 = tpu.vector_load %arg9[%get3A_1393, %get3A_1394] {strides = array<i32>} : memref<13x128xi32, #tpu.memory_space<vmem>>, vector<1x16xi32>,
        %get3A_1396 = vector.shape_cast %get3A_1395 : vector<1x16xi32> to vector<16xi32>
        %add3A_1397 = arith.constant 3328 : i32
        %add3A_1398 = vector.broadcast %add3A_1397 : i32 to vector<16xi32>
        %add3A_1399 = arith.addi %get3A_1396, %add3A_1398 : vector<16xi32>
        %swap3A_1400 = arith.index_cast %scan3A_1296 : i32 to index
        %swap3A_1401 = arith.constant 64 : index
        %swap3A_1402 = tpu.vector_load %arg9[%swap3A_1400, %swap3A_1401] {strides = array<i32>} : memref<13x128xi32, #tpu.memory_space<vmem>>, vector<1x16xi32>,
        %swap3A_1403 = vector.shape_cast %swap3A_1402 : vector<1x16xi32> to vector<16xi32>
        %swap3A_1404 = vector.shape_cast %add3A_1399 : vector<16xi32> to vector<1x16xi32>
        tpu.vector_store %arg9[%swap3A_1400, %swap3A_1401], %swap3A_1404 {strides = array<i32>} : memref<13x128xi32, #tpu.memory_space<vmem>>, vector<1x16xi32>,
        %get3A_1405 = arith.index_cast %scan3A_1296 : i32 to index
        %get3A_1406 = arith.constant 64 : index
        %get3A_1407 = tpu.vector_load %arg10[%get3A_1405, %get3A_1406] {strides = array<i32>} : memref<13x128xi32, #tpu.memory_space<vmem>>, vector<1x16xi32>,
        %get3A_1408 = vector.shape_cast %get3A_1407 : vector<1x16xi32> to vector<16xi32>
        %add3A_1409 = arith.constant 3328 : i32
        %add3A_1410 = vector.broadcast %add3A_1409 : i32 to vector<16xi32>
        %add3A_1411 = arith.addi %get3A_1408, %add3A_1410 : vector<16xi32>
        %swap3A_1412 = arith.index_cast %scan3A_1296 : i32 to index
        %swap3A_1413 = arith.constant 64 : index
        %swap3A_1414 = tpu.vector_load %arg10[%swap3A_1412, %swap3A_1413] {strides = array<i32>} : memref<13x128xi32, #tpu.memory_space<vmem>>, vector<1x16xi32>,
        %swap3A_1415 = vector.shape_cast %swap3A_1414 : vector<1x16xi32> to vector<16xi32>
        %swap3A_1416 = vector.shape_cast %add3A_1411 : vector<16xi32> to vector<1x16xi32>
        tpu.vector_store %arg10[%swap3A_1412, %swap3A_1413], %swap3A_1416 {strides = array<i32>} : memref<13x128xi32, #tpu.memory_space<vmem>>, vector<1x16xi32>,
        %get3A_1417 = arith.index_cast %scan3A_1296 : i32 to index
        %get3A_1418 = arith.constant 80 : index
        %get3A_1419 = tpu.vector_load %arg9[%get3A_1417, %get3A_1418] {strides = array<i32>} : memref<13x128xi32, #tpu.memory_space<vmem>>, vector<1x16xi32>,
        %get3A_1420 = vector.shape_cast %get3A_1419 : vector<1x16xi32> to vector<16xi32>
        %add3A_1421 = arith.constant 3328 : i32
        %add3A_1422 = vector.broadcast %add3A_1421 : i32 to vector<16xi32>
        %add3A_1423 = arith.addi %get3A_1420, %add3A_1422 : vector<16xi32>
        %swap3A_1424 = arith.index_cast %scan3A_1296 : i32 to index
        %swap3A_1425 = arith.constant 80 : index
        %swap3A_1426 = tpu.vector_load %arg9[%swap3A_1424, %swap3A_1425] {strides = array<i32>} : memref<13x128xi32, #tpu.memory_space<vmem>>, vector<1x16xi32>,
        %swap3A_1427 = vector.shape_cast %swap3A_1426 : vector<1x16xi32> to vector<16xi32>
        %swap3A_1428 = vector.shape_cast %add3A_1423 : vector<16xi32> to vector<1x16xi32>
        tpu.vector_store %arg9[%swap3A_1424, %swap3A_1425], %swap3A_1428 {strides = array<i32>} : memref<13x128xi32, #tpu.memory_space<vmem>>, vector<1x16xi32>,
        %get3A_1429 = arith.index_cast %scan3A_1296 : i32 to index
        %get3A_1430 = arith.constant 80 : index
        %get3A_1431 = tpu.vector_load %arg10[%get3A_1429, %get3A_1430] {strides = array<i32>} : memref<13x128xi32, #tpu.memory_space<vmem>>, vector<1x16xi32>,
        %get3A_1432 = vector.shape_cast %get3A_1431 : vector<1x16xi32> to vector<16xi32>
        %add3A_1433 = arith.constant 3328 : i32
        %add3A_1434 = vector.broadcast %add3A_1433 : i32 to vector<16xi32>
        %add3A_1435 = arith.addi %get3A_1432, %add3A_1434 : vector<16xi32>
        %swap3A_1436 = arith.index_cast %scan3A_1296 : i32 to index
        %swap3A_1437 = arith.constant 80 : index
        %swap3A_1438 = tpu.vector_load %arg10[%swap3A_1436, %swap3A_1437] {strides = array<i32>} : memref<13x128xi32, #tpu.memory_space<vmem>>, vector<1x16xi32>,
        %swap3A_1439 = vector.shape_cast %swap3A_1438 : vector<1x16xi32> to vector<16xi32>
        %swap3A_1440 = vector.shape_cast %add3A_1435 : vector<16xi32> to vector<1x16xi32>
        tpu.vector_store %arg10[%swap3A_1436, %swap3A_1437], %swap3A_1440 {strides = array<i32>} : memref<13x128xi32, #tpu.memory_space<vmem>>, vector<1x16xi32>,
        %get3A_1441 = arith.index_cast %scan3A_1296 : i32 to index
        %get3A_1442 = arith.constant 96 : index
        %get3A_1443 = tpu.vector_load %arg9[%get3A_1441, %get3A_1442] {strides = array<i32>} : memref<13x128xi32, #tpu.memory_space<vmem>>, vector<1x16xi32>,
        %get3A_1444 = vector.shape_cast %get3A_1443 : vector<1x16xi32> to vector<16xi32>
        %add3A_1445 = arith.constant 3328 : i32
        %add3A_1446 = vector.broadcast %add3A_1445 : i32 to vector<16xi32>
        %add3A_1447 = arith.addi %get3A_1444, %add3A_1446 : vector<16xi32>
        %swap3A_1448 = arith.index_cast %scan3A_1296 : i32 to index
        %swap3A_1449 = arith.constant 96 : index
        %swap3A_1450 = tpu.vector_load %arg9[%swap3A_1448, %swap3A_1449] {strides = array<i32>} : memref<13x128xi32, #tpu.memory_space<vmem>>, vector<1x16xi32>,
        %swap3A_1451 = vector.shape_cast %swap3A_1450 : vector<1x16xi32> to vector<16xi32>
        %swap3A_1452 = vector.shape_cast %add3A_1447 : vector<16xi32> to vector<1x16xi32>
        tpu.vector_store %arg9[%swap3A_1448, %swap3A_1449], %swap3A_1452 {strides = array<i32>} : memref<13x128xi32, #tpu.memory_space<vmem>>, vector<1x16xi32>,
        %get3A_1453 = arith.index_cast %scan3A_1296 : i32 to index
        %get3A_1454 = arith.constant 96 : index
        %get3A_1455 = tpu.vector_load %arg10[%get3A_1453, %get3A_1454] {strides = array<i32>} : memref<13x128xi32, #tpu.memory_space<vmem>>, vector<1x16xi32>,
        %get3A_1456 = vector.shape_cast %get3A_1455 : vector<1x16xi32> to vector<16xi32>
        %add3A_1457 = arith.constant 3328 : i32
        %add3A_1458 = vector.broadcast %add3A_1457 : i32 to vector<16xi32>
        %add3A_1459 = arith.addi %get3A_1456, %add3A_1458 : vector<16xi32>
        %swap3A_1460 = arith.index_cast %scan3A_1296 : i32 to index
        %swap3A_1461 = arith.constant 96 : index
        %swap3A_1462 = tpu.vector_load %arg10[%swap3A_1460, %swap3A_1461] {strides = array<i32>} : memref<13x128xi32, #tpu.memory_space<vmem>>, vector<1x16xi32>,
        %swap3A_1463 = vector.shape_cast %swap3A_1462 : vector<1x16xi32> to vector<16xi32>
        %swap3A_1464 = vector.shape_cast %add3A_1459 : vector<16xi32> to vector<1x16xi32>
        tpu.vector_store %arg10[%swap3A_1460, %swap3A_1461], %swap3A_1464 {strides = array<i32>} : memref<13x128xi32, #tpu.memory_space<vmem>>, vector<1x16xi32>,
        %get3A_1465 = arith.index_cast %scan3A_1296 : i32 to index
        %get3A_1466 = arith.constant 112 : index
        %get3A_1467 = tpu.vector_load %arg9[%get3A_1465, %get3A_1466] {strides = array<i32>} : memref<13x128xi32, #tpu.memory_space<vmem>>, vector<1x16xi32>,
        %get3A_1468 = vector.shape_cast %get3A_1467 : vector<1x16xi32> to vector<16xi32>
        %add3A_1469 = arith.constant 3328 : i32
        %add3A_1470 = vector.broadcast %add3A_1469 : i32 to vector<16xi32>
        %add3A_1471 = arith.addi %get3A_1468, %add3A_1470 : vector<16xi32>
        %swap3A_1472 = arith.index_cast %scan3A_1296 : i32 to index
        %swap3A_1473 = arith.constant 112 : index
        %swap3A_1474 = tpu.vector_load %arg9[%swap3A_1472, %swap3A_1473] {strides = array<i32>} : memref<13x128xi32, #tpu.memory_space<vmem>>, vector<1x16xi32>,
        %swap3A_1475 = vector.shape_cast %swap3A_1474 : vector<1x16xi32> to vector<16xi32>
        %swap3A_1476 = vector.shape_cast %add3A_1471 : vector<16xi32> to vector<1x16xi32>
        tpu.vector_store %arg9[%swap3A_1472, %swap3A_1473], %swap3A_1476 {strides = array<i32>} : memref<13x128xi32, #tpu.memory_space<vmem>>, vector<1x16xi32>,
        %get3A_1477 = arith.index_cast %scan3A_1296 : i32 to index
        %get3A_1478 = arith.constant 112 : index
        %get3A_1479 = tpu.vector_load %arg10[%get3A_1477, %get3A_1478] {strides = array<i32>} : memref<13x128xi32, #tpu.memory_space<vmem>>, vector<1x16xi32>,
        %get3A_1480 = vector.shape_cast %get3A_1479 : vector<1x16xi32> to vector<16xi32>
        %add3A_1481 = arith.constant 3328 : i32
        %add3A_1482 = vector.broadcast %add3A_1481 : i32 to vector<16xi32>
        %add3A_1483 = arith.addi %get3A_1480, %add3A_1482 : vector<16xi32>
        %swap3A_1484 = arith.index_cast %scan3A_1296 : i32 to index
        %swap3A_1485 = arith.constant 112 : index
        %swap3A_1486 = tpu.vector_load %arg10[%swap3A_1484, %swap3A_1485] {strides = array<i32>} : memref<13x128xi32, #tpu.memory_space<vmem>>, vector<1x16xi32>,
        %swap3A_1487 = vector.shape_cast %swap3A_1486 : vector<1x16xi32> to vector<16xi32>
        %swap3A_1488 = vector.shape_cast %add3A_1483 : vector<16xi32> to vector<1x16xi32>
        tpu.vector_store %arg10[%swap3A_1484, %swap3A_1485], %swap3A_1488 {strides = array<i32>} : memref<13x128xi32, #tpu.memory_space<vmem>>, vector<1x16xi32>,
      }
      %scan3A_1295 = arith.constant 13 : i32
    }
    %scan3A_15 = arith.constant 16 : i32
    return
  }
}

</mosaic_0001>

<sc_bundles>
// kernel: kernel.3.cloned.1.call-start
scs
__scs_entry_jumppad:
0x0: {  	(pc) =	sbr.rel $0x88, $3  }
0x1: {  	(tag) =	ssettag $0x0;
	lr =	simm.s32 $0x1  }
0x2: {  	[smem:$0x3F9E] =	sst lr;
	_ =	strace $0xD0000000  }
0x3: {  	_ = 	snop  }
0x4: {  	_ = 	snop  }
0x5: {  	_ = 	snop  }
0x6: {  	_ = 	snop  }
0x7: {  	_ = 	snop  }
__scs_overlays_trampoline_lowered:
0x8: {  	[smem:$0x3FAD] =	sst s0  }
0x9: {  	[smem:$0x3FAE] =	sst s1  }
0xa: {  	[smem:$0x3FAF] =	sst s2  }
0xb: {  	[smem:$0x3FB0] =	sst s3  }
0xc: {  	[smem:$0x3FB1] =	sst s4  }
0xd: {  	[smem:$0x3FB2] =	sst s5  }
0xe: {  	[smem:$0x3FB3] =	sst s6  }
0xf: {  	[smem:$0x3FB4] =	sst s7  }
0x10: {  	[smem:$0x3FB5] =	sst s8  }
0x11: {  	[smem:$0x3FB6] =	sst s9;
	s0 =	simm.s32 @!p0 $0x0  }
0x12: {  	s1 =	sld [smem:$0x3F9C];
	s0 =	simm.s32 @p0 $0x1  }
0x13: {  	[smem:$0x3FB7] =	sst s0;
	s0 =	simm.s32 @!p1 $0x0  }
0x14: {  	s2 =	sld [smem:$0x3F9B];
	s0 =	simm.s32 @p1 $0x1  }
0x15: {  	[smem:$0x3FB8] =	sst s0;
	s0 =	simm.s32 @!p2 $0x0  }
0x16: {  	s3 =	sld [smem:$0x3FDB];
	s0 =	simm.s32 @p2 $0x1  }
0x17: {  	s4 =	simm.s32 $0x1BF5;
	[smem:$0x3FBA] =	sst s0  }
0x18: {  	s0 =	sld [smem:$0x3F9D];
	_ =	swait.ge [sflag:s4], $0x0  }
0x19: {  	s7 =	sld [smem:$0x3F9E]  }
0x1a: {  	s8 =	sadd.s32 $0xFFFFE003, lr  }
0x1b: {  	s9 =	sadd.s32 $0xFFFFFEF7, lr;
	s5 =	simm.s32 $0xFFFFFFFF;
	p2 =	slt.u32 s8, $0xFFFFF086  }
0x1c: {  	p1 =	slt.u32 s9, $0xF7A;
	s5 =	simm.s32 @!p2 $0x0  }
0x1d: {  	s5 =	simm.s32 @p1 $0x1;
	p0 =	seq.s32 s7, s2  }
0x1e: {  	s7 =	smul.u32 @!p0 $0xF7A, s2;
	p2 =	seq.s32 @!p0 s5, $0x0  }
0x1f: {  	s9 =	smul.u32 $0xF7A, s1;
	s8 =	simm.s32 @!p0 $0x1BF5;
	p2 =	por !p2, p0  }
0x20: {  	[sflag:s8] =	ssyncset.s32 @!p0 $0xFFFFF086;
	s6 =	sadd.s32 @!p0 s3, s7;
	s7 =	simm.s32 @!p0 $0x108  }
0x21: {  	s3 =	sadd.s32 s3, s9;
	s6 =	sadd.s32 @!p0 $0x88, s6;
	s7 =	simm.s32 @p2 $0x1082  }
0x22: {  	[simem:s7], [sflag:s8] =	dma.local @!p0 [hbm:s6], $0xF7A  }
0x23: {  	s9 =	sor.u32 $0xD0000000, s2;
	s6 =	simm.s32 $0x108;
	_ =	swait.ge @!p0 [sflag:s8], $0x0  }
0x24: {  	s3 =	sadd.s32 $0x88, s3;
	s6 =	simm.s32 @!p1 $0x1082;
	[sflag:s4] =	ssyncset.s32 $0xFFFFF086  }
0x25: {  	[simem:s6], [sflag:s4] =	dma.local [hbm:s3], $0xF7A  }
0x26: {  	[smem:$0x3F9E] =	sst s1;
	(tag) =	ssettag s2;
	_ =	strace s9  }
0x27: {  	s1 =	sld [smem:$0x3FAE]  }
0x28: {  	s2 =	sld [smem:$0x3FAF]  }
0x29: {  	s4 =	sld [smem:$0x3FB1]  }
0x2a: {  	p0 =	seq.s32 s5, $0x0;
	s5 =	sld [smem:$0x3FB2]  }
0x2b: {  	s6 =	sld [smem:$0x3FB3]  }
0x2c: {  	s7 =	sld [smem:$0x3FB4]  }
0x2d: {  	s3 =	simm.s32 $0x108;
	s8 =	sld [smem:$0x3FB5]  }
0x2e: {  	s3 =	simm.s32 @!p0 $0x1082;
	s9 =	sld [smem:$0x3FB6]  }
0x2f: {  	lr =	sadd.s32 s0, s3;
	s0 =	sld [smem:$0x3FAD]  }
0x30: {  	s3 =	sld [smem:$0x3FB0]  }
0x31: {  	[smem:$0x3FB9] =	sst s10  }
0x32: {  	s10 =	sld [smem:$0x3FB7];
	_ =	sdelay $0x3  }
0x33: {  	p0 =	seq.s32 s10, $0x1;
	s10 =	sld [smem:$0x3FB9];
	_ =	sdelay $0x3  }
0x34: {  	[smem:$0x3FB9] =	sst s10  }
0x35: {  	s10 =	sld [smem:$0x3FB8];
	_ =	sdelay $0x3  }
0x36: {  	p1 =	seq.s32 s10, $0x1;
	s10 =	sld [smem:$0x3FB9];
	_ =	sdelay $0x3  }
0x37: {  	[smem:$0x3FB9] =	sst s10  }
0x38: {  	s10 =	sld [smem:$0x3FBA]  }
0x39: {  	_ = 	snop;
	(pc) =	sbr.ind lr, $3  }
0x3a: {  	_ = 	snop  }
0x3b: {  	_ = 	snop  }
0x3c: {  	p2 =	seq.s32 s10, $0x1;
	s10 =	sld [smem:$0x3FB9]  }
0x3d: {  	_ =	shalt  }
0x3e: {  	_ =	shalt  }
0x3f: {  	_ =	shalt  }
0x40: {  	_ =	shalt  }
0x41: {  	_ =	shalt  }
0x42: {  	_ =	shalt  }
0x43: {  	_ =	shalt  }
0x44: {  	_ =	shalt  }
0x45: {  	_ =	shalt  }
0x46: {  	_ =	shalt  }
0x47: {  	_ =	shalt  }
0x48: {  	_ =	shalt  }
0x49: {  	_ =	shalt  }
0x4a: {  	_ =	shalt  }
0x4b: {  	_ =	shalt  }
0x4c: {  	_ =	shalt  }
0x4d: {  	_ =	shalt  }
0x4e: {  	_ =	shalt  }
0x4f: {  	_ =	shalt  }
0x50: {  	_ =	shalt  }
0x51: {  	_ =	shalt  }
0x52: {  	_ =	shalt  }
0x53: {  	_ =	shalt  }
0x54: {  	_ =	shalt  }
0x55: {  	_ =	shalt  }
0x56: {  	_ =	shalt  }
0x57: {  	_ =	shalt  }
0x58: {  	_ =	shalt  }
0x59: {  	_ =	shalt  }
0x5a: {  	_ =	shalt  }
0x5b: {  	_ =	shalt  }
0x5c: {  	_ =	shalt  }
0x5d: {  	_ =	shalt  }
0x5e: {  	_ =	shalt  }
0x5f: {  	_ =	shalt  }
0x60: {  	_ =	shalt  }
0x61: {  	_ =	shalt  }
0x62: {  	_ =	shalt  }
0x63: {  	_ =	shalt  }
0x64: {  	_ =	shalt  }
0x65: {  	_ =	shalt  }
0x66: {  	_ =	shalt  }
0x67: {  	_ =	shalt  }
0x68: {  	_ =	shalt  }
0x69: {  	_ =	shalt  }
0x6a: {  	_ =	shalt  }
0x6b: {  	_ =	shalt  }
0x6c: {  	_ =	shalt  }
0x6d: {  	_ =	shalt  }
0x6e: {  	_ =	shalt  }
0x6f: {  	_ =	shalt  }
0x70: {  	_ =	shalt  }
0x71: {  	_ =	shalt  }
0x72: {  	_ =	shalt  }
0x73: {  	_ =	shalt  }
0x74: {  	_ =	shalt  }
0x75: {  	_ =	shalt  }
0x76: {  	_ =	shalt  }
0x77: {  	_ =	shalt  }
0x78: {  	_ =	shalt  }
0x79: {  	_ =	shalt  }
0x7a: {  	_ =	shalt  }
0x7b: {  	_ =	shalt  }
0x7c: {  	_ =	shalt  }
0x7d: {  	_ =	shalt  }
0x7e: {  	_ =	shalt  }
0x7f: {  	_ =	shalt  }
0x80: {  	_ =	shalt  }
0x81: {  	_ =	shalt  }
0x82: {  	_ =	shalt  }
0x83: {  	_ =	shalt  }
0x84: {  	_ =	shalt  }
0x85: {  	_ =	shalt  }
0x86: {  	_ =	shalt  }
0x87: {  	_ =	shalt  }
.Lfunc_end0:
.L_simem_size_0:
called_computation.1_lowered:
.L_overlay_start_0:
0x88: {  	s2 =	sld [smem:$0x3FD9]  }
0x89: {  	s3 =	sld [smem:$0x3FFE];
	_ =	sdelay $0x1  }
0x8a: {  	s1 =	srdreg.scid  }
0x8b: {  	s0 =	sand.u32 $0x1, s1  }
0x8c: {  	s17 =	sshll.u32 s0, $0xA;
	s2 =	sadd.s32 s3, s2  }
0x8d: {  	s2 =	sadd.s32 s2, s17  }
0x8e: {  	[smem:$0x3FC5] =	sst s2  }
0x8f: {  	_ = 	snop  }
0x90: {  	s2 =	sld [smem:$0x3FD0];
	(tm) =	ssettm $0x1  }
0x91: {  	s18 =	sld [smem:$0x3FFB];
	_ =	sdelay $0x3  }
0x92: {  	_ =	strace s18  }
0x93: {  	s3 =	sld [smem:$0x3FFC];
	_ =	sdelay $0x3  }
0x94: {  	_ =	strace s3  }
0x95: {  	s3 =	sld [smem:$0x3FFD];
	_ =	sdelay $0x3  }
0x96: {  	_ =	strace s3  }
0x97: {  	_ =	strace $0x8FFFFFFF  }
0x98: {  	s19 =	sld [smem:$0x3FDB];
	_ =	sdelay $0x1  }
0x99: {  	s4 =	simm.s32 $_scs_section_size  }
0x9a: {  	s5 =	simm.s32 $_size__tile_overlayer_lowered;
	s6 =	simm.s32 $_tile_overlayer_lowered  }
0x9b: {  	s22 =	simm.s32 $0x1BFF;
	s21 =	sshll.u32 s6, $0x1;
	s3 =	sadd.s32 s4, s19  }
0x9c: {  	s7 =	simm.s32 $0x0;
	s20 =	sshll.u32 s5, $0x1;
	s5 =	sadd.s32 s21, s3  }
0x9d: {  	[timem:s7], [sflag:s22] =	dma.local [hbm:s5], s20  }
0x9e: {  	_ =	swait.ge [sflag:s22], s20  }
0x9f: {  	s4 =	ssub.s32 $0x0, s20;
	[sflag:s22] =	ssyncset.done $0x0  }
0xa0: {  	[sflag:s22] =	ssyncadd.s32 s4;
	_ =	sdelay $0x1  }
0xa1: {  	s23 =	simm.s32 $0x1B8B  }
0xa2: {  	_ =	swait.ge [sflag:s23], $0x1  }
0xa3: {  	[sflag:s23] =	ssyncset.done $0x0  }
0xa4: {  	s25 =	simm.s32 $0x1B8E;
	s24 =	sld [smem:$0x3FFE];
	[sflag:s23] =	ssyncadd.s32 $0xFFFFFFFF  }
0xa5: {  	s26 =	simm.s32 $execute0_lowered;
	[smem:$0x3FD2] =	sst s25  }
0xa6: {  	s5 =	sshll.u32 s26, $0x1;
	_ =	strace $0x80000046;
	[dreg:$0x1] =	wrdreg $0xFFFFFFFF  }
0xa7: {  	s28 =	simm.s32 $_size_execute0_lowered;
	s3 =	sadd.s32 s3, s5;
	[dreg:$0x0] =	wrdreg $0x0  }
0xa8: {  	s5 =	sshll.u32 s28, $0x1;
	[dreg:$0x2] =	wrdreg s3  }
0xa9: {  	[dreg:$0x3] =	wrdreg s5  }
0xaa: {  	[dreg:$0x4] =	wrdreg $0xC0  }
0xab: {  	_ =	task [dreg:s7], $0x5FFFF  }
0xac: {  	[dreg:$0x1] =	wrdreg $0xFFFFFFFF  }
0xad: {  	[dreg:$0x0] =	wrdreg $0x60  }
0xae: {  	[dreg:$0x2] =	wrdreg s24  }
0xaf: {  	[dreg:$0x3] =	wrdreg s2  }
0xb0: {  	[dreg:$0x4] =	wrdreg $0x9  }
0xb1: {  	_ =	task.clear_ibuf [dreg:s7], $0x5FFFF;
	_ =	strace $0x90000046  }
0xb2: {  	s29 =	simm.s32 $0x9;
	_ =	strace $0x80000048  }
0xb3: {  	_ =	swait.ge [sflag:s29], $0x1  }
0xb4: {  	[sflag:s29] =	ssyncadd.s32 $0xFFFFFFFF  }
0xb5: {  	_ =	strace $0x90000048  }
0xb6: {  	_ =	sfence  }
0xb7: {  	s30 =	sld [smem:$0x0];
	_ =	sdelay $0x2  }
0xb8: {  	s31 =	sshll.u32 s1, $0xD;
	s1 =	sshrl.u32 s1, $0x2  }
0xb9: {  	s3 =	sand.u32 $0x4000, s31;
	s1 =	sadd.s32 s1, s30  }
0xba: {  	s0 =	sor.u32 s3, s0;
	s1 =	sshll.u32 s1, $0x11  }
0xbb: {  	s0 =	sor.u32 s1, s0  }
0xbc: {  	s0 =	sadd.s32 $0x8F2B, s0  }
0xbd: {  	[sflag:s0] =	ssyncadd.remote.s32 $0x1  }
0xbe: {  	_ =	sfence.sel $0xFFFF  }
0xbf: {  	[dreg:$0x0] =	wrdreg $0xFFFFFFFF;
	(pc) =	sbr.abs _section_cstart, $3  }
0xc0: {  	[dreg:$0x1] =	wrdreg $0xFFFFFFFF  }
0xc1: {  	_ =	task.clear_ibuf [dreg:s7], $0x2FFFF;
	_ =	strace $0x9FFFFFFF  }
0xc2: {  	(tm) =	ssettm $0x7FFFFFFF  }
0xc3: {  	_ =	shalt  }
tec
execute0_lowered:
.L_overlay_start_1:
0x0: {  	(tag) =	ssettag $0x1  }
0x1: {  	s7 =	rddreg [dreg:$0x0]  }
0x2: {  	s1 =	rddreg [dreg:$0x1]  }
0x3: {  	s0 =	rddreg [dreg:$0x2]  }
0x4: {  	s2 =	simm.s32 $0x0;
	s3 =	srdreg.scid;
	s12 =	simm.s32 $0x8950  }
0x5: {  	s13 =	simm.s32 $0x9650;
	s14 =	simm.s32 $0xA350;
	s15 =	simm.s32 $0xB050  }
0x6: {  	s17 =	simm.s32 $0xCA50;
	s18 =	simm.s32 $0xD750;
	s19 =	simm.s32 $0x80  }
0x7: {  	s20 =	simm.s32 $0x1;
	s8 =	sand.u32 $0x1, s3;
	s3 =	stileid.u32  }
0x8: {  	s21 =	simm.s32 $0x0;
	[smem:$0x7FF] =	sst s2;
	s11 =	sshll.u32 s3, $0x1  }
0x9: {  	s4 =	sadd.s32 $0xC6CE00, s7;
	s5 =	sadd.s32 $0xA00, s7;
	s31 =	sor.u32 s8, s11  }
0xa: {  	s6 =	sadd.s32 $0x3E00, s7;
	s9 =	ssub.s32 $0x2, s8;
	s16 =	smul.u32 $0xD000, s31  }
0xb: {  	s7 =	sadd.s32 $0x37E00, s7;
	_ =	strace $0x80000047;
	s10 =	sshrl.u32 s9, $0x1  }
0xc: {  	s11 =	simm.s32 $0x2;
	s9 =	ssub.s32 s9, s10;
	s8 =	sshll.u32 s31, $0x7;
	v0 =	vmov s16  }
0xd: {  	s10 =	simm.s32 $0x750;
	s9 =	smax.u32 s9, $0x1;
	s16 =	simm.s32 $0xBD50;
	v1 =	vor.u32 $0x1, v0  }
.LBB2_1:
0xe: {  	[tilespmem:s10], [sflag:$0x2] =	stream.linear.gather [hbm4b:s7+s2], $0x680, $0x38;
	[tilespmem:$0xE450] =	vst v63  }
0xf: {  	_ =	swait.ge [sflag:s11], $0x680  }
0x10: {  	[sflag:s11] =	ssyncset.done $0x0  }
0x11: {  	s23 =	simm.s32 $0x0;
	[sflag:s11] =	ssyncadd.s32 $0xFFFFF980  }
0x12: {  	v2 =	vld [tilespmem:s23+$0x750]  }
0x13: {  	v5 =	vld [tilespmem:s23+$0x760]  }
0x14: {  	v7 =	vld [tilespmem:s23+$0x770]  }
0x15: {  	v6 =	vld [tilespmem:s23+$0x780]  }
0x16: {  	v3 =	vld [tilespmem:s23+$0x790]  }
0x17: {  	v4 =	vld [tilespmem:s23+$0x7A0];
	v8 =	vadd.s32 v0, v2  }
0x18: {  	s22 =	simm.s32 $0x200;
	v2 =	vadd.s32 v1, v2;
	v9 =	vadd.s32 v0, v5;
	v5 =	vadd.s32 v1, v5;
	[tilespmem:s23+$0x750] =	vst v8;
	v8 =	vld [tilespmem:s23+$0x7B0]  }
.LBB2_2:
0x19: {  	p0 =	sne.s32 s22, $0x1800;
	[tilespmem:s23+$0x760] =	vst v9;
	v9 =	vadd.s32 v0, v7;
	v7 =	vadd.s32 v1, v7;
	v10 =	vld [tilespmem:s23+$0x7C0]  }
0x1a: {  	[tilespmem:s23+$0x770] =	vst v9;
	v9 =	vadd.s32 v0, v6;
	v6 =	vadd.s32 v1, v6  }
0x1b: {  	[tilespmem:s23+$0x780] =	vst v9;
	v9 =	vadd.s32 v0, v3;
	v3 =	vadd.s32 v1, v3  }
0x1c: {  	[tilespmem:s23+$0x790] =	vst v9;
	v9 =	vadd.s32 v0, v4;
	v4 =	vadd.s32 v1, v4  }
0x1d: {  	[tilespmem:s23+$0x7A0] =	vst v9;
	v9 =	vadd.s32 v0, v8;
	v8 =	vadd.s32 v1, v8  }
0x1e: {  	[tilespmem:s23+$0x7B0] =	vst v9;
	v9 =	vadd.s32 v0, v10;
	v10 =	vadd.s32 v1, v10  }
0x1f: {  	[tilespmem:s23+$0x7C0] =	vst v9  }
0x20: {  	[tilespmem:s23+$0xDD0] =	vst v2  }
0x21: {  	s24 =	sshra.s32 s22, $0x2;
	[tilespmem:s23+$0xDE0] =	vst v5  }
0x22: {  	v2 =	vld [tilespmem:s24+$0x750];
	[tilespmem:s23+$0xDF0] =	vst v7  }
0x23: {  	v5 =	vld [tilespmem:s24+$0x760];
	[tilespmem:s23+$0xE00] =	vst v6  }
.Ltmp0:
0x24: {  	v7 =	vld [tilespmem:s24+$0x770];
	[tilespmem:s23+$0xE10] =	vst v3;
	(pc) =	sbr.rel @p0 .LBB2_2-.Ltmp0, $4  }
0x25: {  	v6 =	vld [tilespmem:s24+$0x780];
	[tilespmem:s23+$0xE20] =	vst v4  }
0x26: {  	v3 =	vld [tilespmem:s24+$0x790];
	[tilespmem:s23+$0xE30] =	vst v8  }
0x27: {  	v8 =	vadd.s32 v0, v2;
	v2 =	vadd.s32 v1, v2;
	v4 =	vld [tilespmem:s24+$0x7A0];
	[tilespmem:s23+$0xE40] =	vst v10;
	s23 =	smov.u32 s24  }
0x28: {  	s22 =	sadd.s32 $0x200, s22;
	[tilespmem:s23+$0x750] =	vst v8;
	v9 =	vadd.s32 v0, v5;
	v5 =	vadd.s32 v1, v5;
	v8 =	vld [tilespmem:s23+$0x7B0]  }
0x29: {  	[tilespmem:s23+$0x760] =	vst v9  }
0x2a: {  	[tilespmem:s23+$0xDD0] =	vst v2  }
0x2b: {  	v57 =	vadd.s32 v0, v7;
	[tilespmem:s23+$0xDE0] =	vst v5  }
0x2c: {  	v2 =	vadd.s32 v1, v7;
	[tilespmem:s23+$0x770] =	vst v57  }
0x2d: {  	v58 =	vadd.s32 v0, v6;
	[tilespmem:s23+$0xDF0] =	vst v2  }
0x2e: {  	v63 =	vadd.s32 v1, v6;
	[tilespmem:s23+$0x780] =	vst v58  }
0x2f: {  	v59 =	vadd.s32 v0, v3;
	[tilespmem:s23+$0xE00] =	vst v63  }
0x30: {  	v10 =	vld [tilespmem:s23+$0x7C0];
	v2 =	vadd.s32 v1, v3;
	[tilespmem:s23+$0x790] =	vst v59  }
0x31: {  	v60 =	vadd.s32 v0, v4;
	[tilespmem:s23+$0xE10] =	vst v2  }
0x32: {  	v3 =	vadd.s32 v1, v4;
	[tilespmem:s23+$0x7A0] =	vst v60  }
0x33: {  	v61 =	vadd.s32 v0, v8;
	[tilespmem:s23+$0xE20] =	vst v3  }
0x34: {  	v2 =	vadd.s32 v1, v8;
	[tilespmem:s23+$0x7B0] =	vst v61  }
0x35: {  	v62 =	vadd.s32 v0, v10;
	[tilespmem:s23+$0xE30] =	vst v2  }
0x36: {  	v3 =	vadd.s32 v1, v10;
	[tilespmem:s23+$0x7C0] =	vst v62  }
0x37: {  	s22 =	simm.s32 $0x0;
	[tilespmem:s23+$0xE40] =	vst v3;
	s23 =	simm.s32 $0x0  }
.LBB2_4:
0x38: {  	s24 =	sshll.u32 s23, $0x3  }
0x39: {  	s24 =	sadd.s32 s8, s24  }
0x3a: {  	s25 =	smul.u32 $0x1A, s24;
	_ =	sdelay $0x1  }
0x3b: {  	s25 =	sshrl.u32 s25, $0x3  }
0x3c: {  	s25 =	sadd.s32 s5, s25  }
0x3d: {  	[tilespmem:s22], [sflag:$0x2] =	stream.linear.gather [hbm4b:s25+s22], $0xD0, $0x38;
	[tilespmem:$0xE450] =	vst v63  }
0x3e: {  	s24 =	smul.u32 $0x34, s24;
	_ =	swait.ge [sflag:s11], $0xD0  }
0x3f: {  	[sflag:s11] =	ssyncset.done $0x0  }
0x40: {  	s26 =	sadd.s32 s6, s24;
	s24 =	simm.s32 $0x7C50;
	[sflag:s11] =	ssyncadd.s32 $0xFFFFFF30  }
0x41: {  	[tilespmem:s24], [sflag:$0x2] =	stream.linear.gather [hbm4b:s26+s22], $0xD00, $0x38;
	[tilespmem:$0xE450] =	vst v63  }
0x42: {  	_ =	swait.ge [sflag:s11], $0xD00  }
0x43: {  	[sflag:s11] =	ssyncset.done $0x0  }
0x44: {  	[sflag:s11] =	ssyncadd.s32 $0xFFFFF300  }
0x45: {  	[tilespmem:s12], [sflag:$0x2] =	stream.linear.gather [hbm4b:s26+s22], $0xD00, $0x38;
	[tilespmem:$0xE450] =	vst v63  }
0x46: {  	_ =	swait.ge [sflag:s11], $0xD00  }
0x47: {  	[sflag:s11] =	ssyncset.done $0x0  }
0x48: {  	[sflag:s11] =	ssyncadd.s32 $0xFFFFF300  }
0x49: {  	[tilespmem:s13], [sflag:$0x2] =	stream.linear.gather [hbm4b:s26+s22], $0xD00, $0x38;
	[tilespmem:$0xE450] =	vst v63  }
0x4a: {  	_ =	swait.ge [sflag:s11], $0xD00  }
0x4b: {  	[sflag:s11] =	ssyncset.done $0x0  }
0x4c: {  	[sflag:s11] =	ssyncadd.s32 $0xFFFFF300  }
0x4d: {  	[tilespmem:s14], [sflag:$0x2] =	stream.linear.gather [hbm4b:s26+s22], $0xD00, $0x38;
	[tilespmem:$0xE450] =	vst v63  }
0x4e: {  	_ =	swait.ge [sflag:s11], $0xD00  }
0x4f: {  	[sflag:s11] =	ssyncset.done $0x0  }
0x50: {  	[sflag:s11] =	ssyncadd.s32 $0xFFFFF300  }
0x51: {  	[tilespmem:s15], [sflag:$0x2] =	stream.linear.gather [hbm4b:s26+s22], $0xD00, $0x38;
	[tilespmem:$0xE450] =	vst v63  }
0x52: {  	_ =	swait.ge [sflag:s11], $0xD00  }
0x53: {  	[sflag:s11] =	ssyncset.done $0x0  }
0x54: {  	[sflag:s11] =	ssyncadd.s32 $0xFFFFF300  }
0x55: {  	[tilespmem:s16], [sflag:$0x2] =	stream.linear.gather [hbm4b:s26+s22], $0xD00, $0x38;
	[tilespmem:$0xE450] =	vst v63  }
0x56: {  	_ =	swait.ge [sflag:s11], $0xD00  }
0x57: {  	[sflag:s11] =	ssyncset.done $0x0  }
0x58: {  	[sflag:s11] =	ssyncadd.s32 $0xFFFFF300  }
0x59: {  	[tilespmem:s17], [sflag:$0x2] =	stream.linear.gather [hbm4b:s26+s22], $0xD00, $0x38;
	[tilespmem:$0xE450] =	vst v63  }
0x5a: {  	_ =	swait.ge [sflag:s11], $0xD00  }
0x5b: {  	[sflag:s11] =	ssyncset.done $0x0  }
0x5c: {  	[sflag:s11] =	ssyncadd.s32 $0xFFFFF300  }
0x5d: {  	[tilespmem:s18], [sflag:$0x2] =	stream.linear.gather [hbm4b:s26+s22], $0xD00, $0x38;
	[tilespmem:$0xE450] =	vst v63  }
0x5e: {  	_ =	swait.ge [sflag:s11], $0xD00  }
0x5f: {  	[sflag:s11] =	ssyncset.done $0x0  }
0x60: {  	[sflag:s11] =	ssyncadd.s32 $0xFFFFF300  }
0x61: {  	v2 =	vld [tilespmem:$0x0]  }
0x62: {  	v3 =	vld [tilespmem:$0x10]  }
0x63: {  	v4 =	vld [tilespmem:$0x20]  }
0x64: {  	v5 =	vld [tilespmem:$0x30]  }
0x65: {  	v6 =	vld [tilespmem:$0x40]  }
0x66: {  	v7 =	vld [tilespmem:$0x50]  }
0x67: {  	v43 =	vld [tilespmem:$0x80];
	[tilespmem:$0xD0] =	vst v2  }
0x68: {  	v2 =	vld [tilespmem:$0x60];
	[tilespmem:$0xE0] =	vst v3  }
0x69: {  	v3 =	vld [tilespmem:$0x70];
	[tilespmem:$0xF0] =	vst v4  }
0x6a: {  	v44 =	vld [tilespmem:$0x90];
	[tilespmem:$0x100] =	vst v5  }
0x6b: {  	v45 =	vld [tilespmem:$0xA0];
	[tilespmem:$0x110] =	vst v6  }
0x6c: {  	v46 =	vld [tilespmem:$0xB0];
	[tilespmem:$0x120] =	vst v7  }
0x6d: {  	[tilespmem:$0x130] =	vst v2;
	v2 =	vld [tilespmem:$0xC0]  }
0x6e: {  	[tilespmem:$0x140] =	vst v3;
	v3 =	vld [tilespmem:$0x0]  }
0x6f: {  	v47 =	vld [tilespmem:$0x10];
	[tilespmem:$0x150] =	vst v43  }
0x70: {  	v48 =	vld [tilespmem:$0x20];
	[tilespmem:$0x160] =	vst v44  }
0x71: {  	v49 =	vld [tilespmem:$0x30];
	[tilespmem:$0x170] =	vst v45  }
0x72: {  	v50 =	vld [tilespmem:$0x40];
	[tilespmem:$0x180] =	vst v46  }
0x73: {  	[tilespmem:$0x190] =	vst v2;
	v2 =	vadd.s32 $0x186A0, v3;
	v3 =	vld [tilespmem:$0x50]  }
0x74: {  	v51 =	vld [tilespmem:$0x60];
	[tilespmem:$0x1A0] =	vst v2;
	v2 =	vadd.s32 $0x186A0, v47  }
0x75: {  	v52 =	vld [tilespmem:$0x70];
	[tilespmem:$0x1B0] =	vst v2;
	v2 =	vadd.s32 $0x186A0, v48  }
0x76: {  	v53 =	vld [tilespmem:$0x80];
	[tilespmem:$0x1C0] =	vst v2;
	v2 =	vadd.s32 $0x186A0, v49  }
0x77: {  	v54 =	vld [tilespmem:$0x90];
	[tilespmem:$0x1D0] =	vst v2;
	v2 =	vadd.s32 $0x186A0, v50  }
0x78: {  	[tilespmem:$0x1E0] =	vst v2;
	v2 =	vadd.s32 $0x186A0, v3;
	v3 =	vld [tilespmem:$0xA0]  }
0x79: {  	v55 =	vld [tilespmem:$0xB0];
	[tilespmem:$0x1F0] =	vst v2;
	v2 =	vadd.s32 $0x186A0, v51  }
0x7a: {  	v56 =	vld [tilespmem:$0xC0];
	[tilespmem:$0x200] =	vst v2;
	v2 =	vadd.s32 $0x186A0, v52  }
0x7b: {  	v57 =	vld [tilespmem:$0x0];
	[tilespmem:$0x210] =	vst v2;
	v2 =	vadd.s32 $0x186A0, v53  }
0x7c: {  	v58 =	vld [tilespmem:$0x10];
	[tilespmem:$0x220] =	vst v2;
	v2 =	vadd.s32 $0x186A0, v54  }
0x7d: {  	[tilespmem:$0x230] =	vst v2;
	v2 =	vadd.s32 $0x186A0, v3;
	v3 =	vld [tilespmem:$0x20]  }
0x7e: {  	v59 =	vld [tilespmem:$0x30];
	[tilespmem:$0x240] =	vst v2;
	v2 =	vadd.s32 $0x186A0, v55  }
0x7f: {  	v60 =	vld [tilespmem:$0x40];
	[tilespmem:$0x250] =	vst v2;
	v2 =	vadd.s32 $0x186A0, v56  }
0x80: {  	v61 =	vld [tilespmem:$0x50];
	[tilespmem:$0x260] =	vst v2;
	v2 =	vadd.s32 $0x30D40, v57  }
0x81: {  	v62 =	vld [tilespmem:$0x60];
	[tilespmem:$0x270] =	vst v2;
	v2 =	vadd.s32 $0x30D40, v58  }
0x82: {  	[tilespmem:$0x280] =	vst v2;
	v2 =	vadd.s32 $0x30D40, v3;
	v3 =	vld [tilespmem:$0x70]  }
0x83: {  	v63 =	vld [tilespmem:$0x80];
	[tilespmem:$0x290] =	vst v2;
	v2 =	vadd.s32 $0x30D40, v59  }
0x84: {  	v9 =	vld [tilespmem:$0x90];
	[tilespmem:$0x2A0] =	vst v2;
	v2 =	vadd.s32 $0x30D40, v60  }
0x85: {  	v10 =	vld [tilespmem:$0xA0];
	[tilespmem:$0x2B0] =	vst v2;
	v2 =	vadd.s32 $0x30D40, v61  }
0x86: {  	v11 =	vld [tilespmem:$0xB0];
	[tilespmem:$0x2C0] =	vst v2;
	v2 =	vadd.s32 $0x30D40, v62  }
0x87: {  	[tilespmem:$0x2D0] =	vst v2;
	v2 =	vadd.s32 $0x30D40, v3;
	v3 =	vld [tilespmem:$0xC0]  }
0x88: {  	v12 =	vld [tilespmem:$0x0];
	[tilespmem:$0x2E0] =	vst v2;
	v2 =	vadd.s32 $0x30D40, v63  }
0x89: {  	v13 =	vld [tilespmem:$0x10];
	[tilespmem:$0x2F0] =	vst v2;
	v2 =	vadd.s32 $0x30D40, v9  }
0x8a: {  	v14 =	vld [tilespmem:$0x20];
	[tilespmem:$0x300] =	vst v2;
	v2 =	vadd.s32 $0x30D40, v10  }
0x8b: {  	v15 =	vld [tilespmem:$0x30];
	[tilespmem:$0x310] =	vst v2;
	v2 =	vadd.s32 $0x30D40, v11  }
0x8c: {  	[tilespmem:$0x320] =	vst v2;
	v2 =	vadd.s32 $0x30D40, v3;
	v3 =	vld [tilespmem:$0x40]  }
0x8d: {  	v16 =	vld [tilespmem:$0x50];
	[tilespmem:$0x330] =	vst v2;
	v2 =	vadd.s32 $0x493E0, v12  }
0x8e: {  	v17 =	vld [tilespmem:$0x60];
	[tilespmem:$0x340] =	vst v2;
	v2 =	vadd.s32 $0x493E0, v13  }
0x8f: {  	v18 =	vld [tilespmem:$0x70];
	[tilespmem:$0x350] =	vst v2;
	v2 =	vadd.s32 $0x493E0, v14  }
0x90: {  	v19 =	vld [tilespmem:$0x80];
	[tilespmem:$0x360] =	vst v2;
	v2 =	vadd.s32 $0x493E0, v15  }
0x91: {  	[tilespmem:$0x370] =	vst v2;
	v2 =	vadd.s32 $0x493E0, v3;
	v3 =	vld [tilespmem:$0x90]  }
0x92: {  	v20 =	vld [tilespmem:$0xA0];
	[tilespmem:$0x380] =	vst v2;
	v2 =	vadd.s32 $0x493E0, v16  }
0x93: {  	v21 =	vld [tilespmem:$0xB0];
	[tilespmem:$0x390] =	vst v2;
	v2 =	vadd.s32 $0x493E0, v17  }
0x94: {  	v22 =	vld [tilespmem:$0xC0];
	[tilespmem:$0x3A0] =	vst v2;
	v2 =	vadd.s32 $0x493E0, v18  }
0x95: {  	v23 =	vld [tilespmem:$0x0];
	[tilespmem:$0x3B0] =	vst v2;
	v2 =	vadd.s32 $0x493E0, v19  }
0x96: {  	[tilespmem:$0x3C0] =	vst v2;
	v2 =	vadd.s32 $0x493E0, v3;
	v3 =	vld [tilespmem:$0x10]  }
0x97: {  	v24 =	vld [tilespmem:$0x20];
	[tilespmem:$0x3D0] =	vst v2;
	v2 =	vadd.s32 $0x493E0, v20  }
0x98: {  	v25 =	vld [tilespmem:$0x30];
	[tilespmem:$0x3E0] =	vst v2;
	v2 =	vadd.s32 $0x493E0, v21  }
0x99: {  	v26 =	vld [tilespmem:$0x40];
	[tilespmem:$0x3F0] =	vst v2;
	v2 =	vadd.s32 $0x493E0, v22  }
0x9a: {  	v27 =	vld [tilespmem:$0x50];
	[tilespmem:$0x400] =	vst v2;
	v2 =	vadd.s32 $0x61A80, v23  }
0x9b: {  	[tilespmem:$0x410] =	vst v2;
	v2 =	vadd.s32 $0x61A80, v3;
	v3 =	vld [tilespmem:$0x60]  }
0x9c: {  	v28 =	vld [tilespmem:$0x70];
	[tilespmem:$0x420] =	vst v2;
	v2 =	vadd.s32 $0x61A80, v24  }
0x9d: {  	v29 =	vld [tilespmem:$0x80];
	[tilespmem:$0x430] =	vst v2;
	v2 =	vadd.s32 $0x61A80, v25  }
0x9e: {  	v30 =	vld [tilespmem:$0x90];
	[tilespmem:$0x440] =	vst v2;
	v2 =	vadd.s32 $0x61A80, v26  }
0x9f: {  	v31 =	vld [tilespmem:$0xA0];
	[tilespmem:$0x450] =	vst v2;
	v2 =	vadd.s32 $0x61A80, v27  }
0xa0: {  	[tilespmem:$0x460] =	vst v2;
	v2 =	vadd.s32 $0x61A80, v3;
	v3 =	vld [tilespmem:$0xB0]  }
0xa1: {  	v32 =	vld [tilespmem:$0xC0];
	[tilespmem:$0x470] =	vst v2;
	v2 =	vadd.s32 $0x61A80, v28  }
0xa2: {  	v33 =	vld [tilespmem:$0x0];
	[tilespmem:$0x480] =	vst v2;
	v2 =	vadd.s32 $0x61A80, v29  }
0xa3: {  	v34 =	vld [tilespmem:$0x10];
	[tilespmem:$0x490] =	vst v2;
	v2 =	vadd.s32 $0x61A80, v30  }
0xa4: {  	v35 =	vld [tilespmem:$0x20];
	[tilespmem:$0x4A0] =	vst v2;
	v2 =	vadd.s32 $0x61A80, v31  }
0xa5: {  	[tilespmem:$0x4B0] =	vst v2;
	v2 =	vadd.s32 $0x61A80, v3;
	v3 =	vld [tilespmem:$0x30]  }
0xa6: {  	v36 =	vld [tilespmem:$0x40];
	[tilespmem:$0x4C0] =	vst v2;
	v2 =	vadd.s32 $0x61A80, v32  }
0xa7: {  	v37 =	vld [tilespmem:$0x50];
	[tilespmem:$0x4D0] =	vst v2;
	v2 =	vadd.s32 $0x7A120, v33  }
0xa8: {  	v38 =	vld [tilespmem:$0x60];
	[tilespmem:$0x4E0] =	vst v2;
	v2 =	vadd.s32 $0x7A120, v34  }
0xa9: {  	v39 =	vld [tilespmem:$0x70];
	[tilespmem:$0x4F0] =	vst v2;
	v2 =	vadd.s32 $0x7A120, v35  }
0xaa: {  	[tilespmem:$0x500] =	vst v2;
	v2 =	vadd.s32 $0x7A120, v3;
	v3 =	vld [tilespmem:$0x80]  }
0xab: {  	v40 =	vld [tilespmem:$0x90];
	[tilespmem:$0x510] =	vst v2;
	v2 =	vadd.s32 $0x7A120, v36  }
0xac: {  	v41 =	vld [tilespmem:$0xA0];
	[tilespmem:$0x520] =	vst v2;
	v2 =	vadd.s32 $0x7A120, v37  }
0xad: {  	v42 =	vld [tilespmem:$0xB0];
	[tilespmem:$0x530] =	vst v2;
	v2 =	vadd.s32 $0x7A120, v38  }
0xae: {  	v43 =	vld [tilespmem:$0xC0];
	[tilespmem:$0x540] =	vst v2;
	v2 =	vadd.s32 $0x7A120, v39  }
0xaf: {  	[tilespmem:$0x550] =	vst v2;
	v2 =	vadd.s32 $0x7A120, v3;
	v3 =	vld [tilespmem:$0x0]  }
0xb0: {  	v44 =	vld [tilespmem:$0x10];
	[tilespmem:$0x560] =	vst v2;
	v2 =	vadd.s32 $0x7A120, v40  }
0xb1: {  	v45 =	vld [tilespmem:$0x20];
	[tilespmem:$0x570] =	vst v2;
	v2 =	vadd.s32 $0x7A120, v41  }
0xb2: {  	v46 =	vld [tilespmem:$0x30];
	[tilespmem:$0x580] =	vst v2;
	v2 =	vadd.s32 $0x7A120, v42  }
0xb3: {  	v47 =	vld [tilespmem:$0x40];
	[tilespmem:$0x590] =	vst v2;
	v2 =	vadd.s32 $0x7A120, v43  }
0xb4: {  	[tilespmem:$0x5A0] =	vst v2;
	v2 =	vadd.s32 $0x927C0, v3;
	v3 =	vld [tilespmem:$0x50]  }
0xb5: {  	v48 =	vld [tilespmem:$0x60];
	[tilespmem:$0x5B0] =	vst v2;
	v2 =	vadd.s32 $0x927C0, v44  }
0xb6: {  	v49 =	vld [tilespmem:$0x70];
	[tilespmem:$0x5C0] =	vst v2;
	v2 =	vadd.s32 $0x927C0, v45  }
0xb7: {  	v50 =	vld [tilespmem:$0x80];
	[tilespmem:$0x5D0] =	vst v2;
	v2 =	vadd.s32 $0x927C0, v46  }
0xb8: {  	v51 =	vld [tilespmem:$0x90];
	[tilespmem:$0x5E0] =	vst v2;
	v2 =	vadd.s32 $0x927C0, v47  }
0xb9: {  	[tilespmem:$0x5F0] =	vst v2;
	v2 =	vadd.s32 $0x927C0, v3;
	v3 =	vld [tilespmem:$0xA0]  }
0xba: {  	v52 =	vld [tilespmem:$0xB0];
	[tilespmem:$0x600] =	vst v2;
	v2 =	vadd.s32 $0x927C0, v48  }
0xbb: {  	v53 =	vld [tilespmem:$0xC0];
	[tilespmem:$0x610] =	vst v2;
	v2 =	vadd.s32 $0x927C0, v49  }
0xbc: {  	v54 =	vld [tilespmem:$0x0];
	[tilespmem:$0x620] =	vst v2;
	v2 =	vadd.s32 $0x927C0, v50  }
0xbd: {  	v55 =	vld [tilespmem:$0x10];
	[tilespmem:$0x630] =	vst v2;
	v2 =	vadd.s32 $0x927C0, v51  }
0xbe: {  	[tilespmem:$0x640] =	vst v2;
	v2 =	vadd.s32 $0x927C0, v3;
	v3 =	vld [tilespmem:$0x20]  }
0xbf: {  	v56 =	vld [tilespmem:$0x30];
	[tilespmem:$0x650] =	vst v2;
	v2 =	vadd.s32 $0x927C0, v52  }
0xc0: {  	v57 =	vld [tilespmem:$0x40];
	[tilespmem:$0x660] =	vst v2;
	v2 =	vadd.s32 $0x927C0, v53  }
0xc1: {  	v58 =	vld [tilespmem:$0x50];
	[tilespmem:$0x670] =	vst v2;
	v2 =	vadd.s32 $0xAAE60, v54  }
0xc2: {  	v59 =	vld [tilespmem:$0x60];
	[tilespmem:$0x680] =	vst v2;
	v2 =	vadd.s32 $0xAAE60, v55  }
0xc3: {  	[tilespmem:$0x690] =	vst v2;
	v2 =	vadd.s32 $0xAAE60, v3;
	v3 =	vld [tilespmem:$0x70]  }
0xc4: {  	v60 =	vld [tilespmem:$0x80];
	[tilespmem:$0x6A0] =	vst v2;
	v2 =	vadd.s32 $0xAAE60, v56  }
0xc5: {  	v61 =	vld [tilespmem:$0x90];
	[tilespmem:$0x6B0] =	vst v2;
	v2 =	vadd.s32 $0xAAE60, v57  }
0xc6: {  	v62 =	vld [tilespmem:$0xA0];
	[tilespmem:$0x6C0] =	vst v2;
	v2 =	vadd.s32 $0xAAE60, v58  }
0xc7: {  	v63 =	vld [tilespmem:$0xB0];
	[tilespmem:$0x6D0] =	vst v2;
	v2 =	vadd.s32 $0xAAE60, v59  }
0xc8: {  	[tilespmem:$0x6E0] =	vst v2;
	v2 =	vadd.s32 $0xAAE60, v3;
	v3 =	vld [tilespmem:$0xC0]  }
0xc9: {  	[tilespmem:$0x6F0] =	vst v2;
	v2 =	vadd.s32 $0xAAE60, v60  }
0xca: {  	[tilespmem:$0x700] =	vst v2;
	v2 =	vadd.s32 $0xAAE60, v61  }
0xcb: {  	[tilespmem:$0x710] =	vst v2;
	v2 =	vadd.s32 $0xAAE60, v62  }
0xcc: {  	[tilespmem:$0x720] =	vst v2;
	v2 =	vadd.s32 $0xAAE60, v63  }
0xcd: {  	[tilespmem:$0x730] =	vst v2;
	v2 =	vadd.s32 $0xAAE60, v3  }
0xce: {  	s29 =	simm.s32 $0x1450;
	s26 =	simm.s32 $0xD0;
	[tilespmem:$0x740] =	vst v2  }
0xcf: {  	[tilespmem:s29], [sflag:$0x1] =	stream.indirect.gather [hbm4b:s4+s19], $0x10, s26, s19, $0xb8;
	[tilespmem:$0xE450] =	vst v63  }
0xd0: {  	_ =	swait.ge [sflag:s20], $0x800  }
0xd1: {  	[sflag:s20] =	ssyncset.done $0x0  }
0xd2: {  	s30 =	simm.s32 $0x750;
	[sflag:s20] =	ssyncadd.s32 $0xFFFFF800  }
0xd3: {  	[hbm4b:s1+s19] =	stream.indirect.scatter [tilespmem:s29], [sflag:$0x1], $0x10, s30, s19, $0xb8;
	[tilespmem:$0xE450] =	vst v63  }
0xd4: {  	_ =	swait.ge [sflag:s20], $0x800  }
0xd5: {  	[sflag:s20] =	ssyncset.done $0x0  }
0xd6: {  	s31 =	simm.s32 $0xDD0;
	[sflag:s20] =	ssyncadd.s32 $0xFFFFF800  }
0xd7: {  	[hbm4b:s1+s19] =	stream.indirect.scatter [tilespmem:s24], [sflag:$0x1], $0x10, s31, s19, $0xb8;
	[tilespmem:$0xE450] =	vst v63  }
0xd8: {  	s28 =	simm.s32 $0x400;
	s25 =	simm.s32 $0x1C50;
	_ =	swait.ge [sflag:s20], $0x800  }
0xd9: {  	s26 =	simm.s32 $0x80;
	s24 =	simm.s32 $0x8450;
	[sflag:s20] =	ssyncset.done $0x0  }
.LBB2_5:
0xda: {  	s29 =	sadd.s32 $0xD0, s26  }
0xdb: {  	[sflag:s20] =	ssyncadd.s32 $0xFFFFF800;
	s30 =	smov.u32 s28;
	s31 =	sadd.s32 $0x200, s28  }
0xdc: {  	[tilespmem:s25], [sflag:$0x1] =	stream.indirect.gather [hbm4b:s4+s19], $0x10, s29, s19, $0xb8;
	[tilespmem:$0xE450] =	vst v63  }
0xdd: {  	p0 =	sne.s32 s28, $0x1800;
	_ =	swait.ge [sflag:s20], $0x800  }
0xde: {  	[sflag:s20] =	ssyncset.done $0x0  }
0xdf: {  	s28 =	sadd.s32 $0x750, s26;
	[sflag:s20] =	ssyncadd.s32 $0xFFFFF800  }
0xe0: {  	[hbm4b:s1+s19] =	stream.indirect.scatter [tilespmem:s25], [sflag:$0x1], $0x10, s28, s19, $0xb8;
	[tilespmem:$0xE450] =	vst v63  }
0xe1: {  	_ =	swait.ge [sflag:s20], $0x800  }
.Ltmp1:
0xe2: {  	[sflag:s20] =	ssyncset.done $0x0;
	(pc) =	sbr.rel @p0 .LBB2_5-.Ltmp1, $4  }
0xe3: {  	s26 =	sadd.s32 $0xDD0, s26;
	[sflag:s20] =	ssyncadd.s32 $0xFFFFF800  }
0xe4: {  	[hbm4b:s1+s19] =	stream.indirect.scatter [tilespmem:s24], [sflag:$0x1], $0x10, s26, s19, $0xb8;
	[tilespmem:$0xE450] =	vst v63  }
0xe5: {  	s25 =	sadd.s32 $0x800, s25;
	s28 =	smov.u32 s31;
	_ =	swait.ge [sflag:s20], $0x800  }
0xe6: {  	s26 =	sshra.s32 s30, $0x2;
	s24 =	sadd.s32 $0x800, s24;
	[sflag:s20] =	ssyncset.done $0x0  }
0xe7: {  	s28 =	sadd.s32 $0xD0, s26;
	[sflag:s20] =	ssyncadd.s32 $0xFFFFF800  }
0xe8: {  	[tilespmem:s25], [sflag:$0x1] =	stream.indirect.gather [hbm4b:s4+s19], $0x10, s28, s19, $0xb8;
	[tilespmem:$0xE450] =	vst v63  }
0xe9: {  	_ =	swait.ge [sflag:s20], $0x800  }
0xea: {  	[sflag:s20] =	ssyncset.done $0x0  }
0xeb: {  	s30 =	sadd.s32 $0x750, s26;
	[sflag:s20] =	ssyncadd.s32 $0xFFFFF800  }
0xec: {  	[hbm4b:s1+s19] =	stream.indirect.scatter [tilespmem:s25], [sflag:$0x1], $0x10, s30, s19, $0xb8;
	[tilespmem:$0xE450] =	vst v63  }
0xed: {  	_ =	swait.ge [sflag:s20], $0x800  }
0xee: {  	[sflag:s20] =	ssyncset.done $0x0  }
0xef: {  	s31 =	sadd.s32 $0xDD0, s26;
	[sflag:s20] =	ssyncadd.s32 $0xFFFFF800  }
0xf0: {  	[hbm4b:s1+s19] =	stream.indirect.scatter [tilespmem:s24], [sflag:$0x1], $0x10, s31, s19, $0xb8;
	[tilespmem:$0xE450] =	vst v63  }
0xf1: {  	_ =	swait.ge [sflag:s20], $0x800  }
0xf2: {  	[sflag:s20] =	ssyncset.done $0x0  }
0xf3: {  	s24 =	simm.s32 $0x0;
	[sflag:s20] =	ssyncadd.s32 $0xFFFFF800  }
0xf4: {  	v2 =	vld [tilespmem:s24+$0x750]  }
0xf5: {  	v3 =	vld [tilespmem:s24+$0xDD0]  }
0xf6: {  	v4 =	vld [tilespmem:s24+$0x760]  }
0xf7: {  	v5 =	vld [tilespmem:s24+$0xDE0]  }
0xf8: {  	v6 =	vld [tilespmem:s24+$0x770]  }
0xf9: {  	v7 =	vld [tilespmem:s24+$0xDF0];
	v2 =	vadd.s32 $0xD00, v2  }
0xfa: {  	v8 =	vld [tilespmem:s24+$0x780];
	[tilespmem:s24+$0x750] =	vst v2;
	v2 =	vadd.s32 $0xD00, v3  }
0xfb: {  	[tilespmem:s24+$0xDD0] =	vst v2;
	v2 =	vadd.s32 $0xD00, v4;
	v4 =	vld [tilespmem:s24+$0xE00]  }
0xfc: {  	[tilespmem:s24+$0x760] =	vst v2;
	v2 =	vadd.s32 $0xD00, v5;
	v5 =	vld [tilespmem:s24+$0x790]  }
0xfd: {  	[tilespmem:s24+$0xDE0] =	vst v2;
	v2 =	vadd.s32 $0xD00, v6;
	v6 =	vld [tilespmem:s24+$0xE10]  }
0xfe: {  	v3 =	vld [tilespmem:s24+$0x7A0];
	[tilespmem:s24+$0x770] =	vst v2;
	v2 =	vadd.s32 $0xD00, v7  }
0xff: {  	v7 =	vadd.s32 $0xD00, v8;
	[tilespmem:s24+$0xDF0] =	vst v2;
	v2 =	vld [tilespmem:s24+$0xE20]  }
0x100: {  	[tilespmem:s24+$0x780] =	vst v7;
	v7 =	vadd.s32 $0xD00, v4;
	v4 =	vld [tilespmem:s24+$0x7B0]  }
0x101: {  	[tilespmem:s24+$0xE00] =	vst v7;
	v7 =	vadd.s32 $0xD00, v5;
	v5 =	vld [tilespmem:s24+$0xE30]  }
0x102: {  	s25 =	simm.s32 $0x200;
	[tilespmem:s24+$0x790] =	vst v7;
	v7 =	vadd.s32 $0xD00, v6;
	v6 =	vld [tilespmem:s24+$0x7C0]  }
.LBB2_7:
0x103: {  	s26 =	sshra.s32 s25, $0x2;
	p0 =	sne.s32 s25, $0x1800;
	[tilespmem:s24+$0xE10] =	vst v7;
	v3 =	vadd.s32 $0xD00, v3;
	v7 =	vld [tilespmem:s24+$0xE40]  }
0x104: {  	v8 =	vld [tilespmem:s26+$0x750];
	[tilespmem:s24+$0x7A0] =	vst v3;
	v2 =	vadd.s32 $0xD00, v2  }
0x105: {  	v3 =	vld [tilespmem:s26+$0xDD0];
	[tilespmem:s24+$0xE20] =	vst v2;
	v2 =	vadd.s32 $0xD00, v4  }
0x106: {  	v4 =	vld [tilespmem:s26+$0x760];
	[tilespmem:s24+$0x7B0] =	vst v2;
	v2 =	vadd.s32 $0xD00, v5  }
0x107: {  	v5 =	vld [tilespmem:s26+$0xDE0];
	[tilespmem:s24+$0xE30] =	vst v2;
	v2 =	vadd.s32 $0xD00, v6  }
0x108: {  	v6 =	vld [tilespmem:s26+$0x770];
	[tilespmem:s24+$0x7C0] =	vst v2;
	v2 =	vadd.s32 $0xD00, v7  }
0x109: {  	v7 =	vadd.s32 $0xD00, v8;
	v8 =	vld [tilespmem:s26+$0xDF0];
	[tilespmem:s24+$0xE40] =	vst v2;
	s24 =	smov.u32 s26  }
0x10a: {  	[tilespmem:s24+$0x750] =	vst v7;
	v2 =	vadd.s32 $0xD00, v3;
	v7 =	vld [tilespmem:s24+$0x780]  }
0x10b: {  	[tilespmem:s24+$0xDD0] =	vst v2;
	v2 =	vadd.s32 $0xD00, v4;
	v4 =	vld [tilespmem:s24+$0xE00]  }
0x10c: {  	[tilespmem:s24+$0x760] =	vst v2;
	v2 =	vadd.s32 $0xD00, v5;
	v5 =	vld [tilespmem:s24+$0x790]  }
0x10d: {  	[tilespmem:s24+$0xDE0] =	vst v2;
	v2 =	vadd.s32 $0xD00, v6;
	v6 =	vld [tilespmem:s24+$0xE10]  }
.Ltmp2:
0x10e: {  	[tilespmem:s24+$0x770] =	vst v2;
	v2 =	vadd.s32 $0xD00, v8;
	v3 =	vld [tilespmem:s24+$0x7A0];
	(pc) =	sbr.rel @p0 .LBB2_7-.Ltmp2, $4  }
0x10f: {  	[tilespmem:s24+$0xDF0] =	vst v2;
	v7 =	vadd.s32 $0xD00, v7;
	v2 =	vld [tilespmem:s24+$0xE20]  }
0x110: {  	[tilespmem:s24+$0x780] =	vst v7;
	v7 =	vadd.s32 $0xD00, v4;
	v4 =	vld [tilespmem:s24+$0x7B0]  }
0x111: {  	[tilespmem:s24+$0xE00] =	vst v7;
	v7 =	vadd.s32 $0xD00, v5;
	v5 =	vld [tilespmem:s24+$0xE30]  }
0x112: {  	s25 =	sadd.s32 $0x200, s25;
	[tilespmem:s24+$0x790] =	vst v7;
	v7 =	vadd.s32 $0xD00, v6;
	v6 =	vld [tilespmem:s24+$0x7C0]  }
0x113: {  	[tilespmem:s24+$0xE10] =	vst v7;
	v3 =	vadd.s32 $0xD00, v3;
	v63 =	vld [tilespmem:s24+$0xE40];
	s23 =	sadd.s32 $0x1, s23  }
0x114: {  	[tilespmem:s24+$0x7A0] =	vst v3;
	v2 =	vadd.s32 $0xD00, v2;
	p0 =	sne.s32 s23, $0x10  }
.Ltmp3:
0x115: {  	[tilespmem:s24+$0xE20] =	vst v2;
	v2 =	vadd.s32 $0xD00, v4;
	(pc) =	sbr.rel @p0 .LBB2_4-.Ltmp3, $4  }
0x116: {  	[tilespmem:s24+$0x7B0] =	vst v2;
	v2 =	vadd.s32 $0xD00, v5  }
0x117: {  	[tilespmem:s24+$0xE30] =	vst v2;
	v2 =	vadd.s32 $0xD00, v6  }
0x118: {  	[tilespmem:s24+$0x7C0] =	vst v2;
	v2 =	vadd.s32 $0xD00, v63  }
0x119: {  	[tilespmem:s24+$0xE40] =	vst v2  }
0x11a: {  	s21 =	sadd.s32 $0x1, s21  }
0x11b: {  	p0 =	sne.s32 s21, s9  }
.Ltmp4:
0x11c: {  	_ = 	snop;
	(pc) =	sbr.rel @p0 .LBB2_1-.Ltmp4, $1  }
0x11d: {  	_ =	sdelay $0x3  }
0x11e: {  	_ =	sfence.sel $0x180000  }
0x11f: {  	[bflag:$0x0] =	sbarrier.arrive $0xFFFF  }
0x120: {  	p0 =	sne.s32 s3, $0x0;
	_ =	strace $0x90000047  }
0x121: {  	s0 =	sadd.s32 @!p0 $0x100000, s0;
	[bflag:$0x2] =	sbarrier.arrive $0xFFFF  }
0x122: {  	[sflag:s0] =	ssyncadd.tile.s32 @!p0 $0x1;
	_ =	shalt  }
.Lfunc_end2:
_tile_overlayer_lowered:
.L_overlay_start_2:
0x123: {  	(tag) =	ssettag $0x2  }
0x124: {  	s0 =	rddreg [dreg:$0x0];
	s2 =	stileid.u32  }
0x125: {  	s1 =	rddreg [dreg:$0x1];
	p0 =	sne.s32 s2, $0x0  }
0x126: {  	s3 =	rddreg [dreg:$0x2];
	[bflag:$0x3] =	sbarrier.arrive $0xFFFF;
	s2 =	simm.s32 @!p0 $0x1C02  }
0x127: {  	[timem:s3], [sflag:s2] =	dma.local @!p0 [hbm:s0], s1  }
0x128: {  	s0 =	simm.s32 @!p0 $0x2  }
0x129: {  	_ =	swait.ge @!p0 [sflag:s0], s1  }
0x12a: {  	s1 =	ssub.s32 @!p0 $0x0, s1;
	[sflag:s0] =	ssyncset.done @!p0 $0x0  }
0x12b: {  	[sflag:s0] =	ssyncadd.s32 @!p0 s1  }
0x12c: {  	[bflag:$0x3] =	sbarrier.arrive $0xFFFF  }
0x12d: {  	_ =	shalt  }

// kernel: sparse-core-data-format-call.cloned.1.call-start
scs
called_computation_lowered:
.L_overlay_start_0:
0x0: {  	s2 =	sld [smem:$0x3FD9]  }
0x1: {  	s3 =	sld [smem:$0x3FFE];
	_ =	sdelay $0x1  }
0x2: {  	s1 =	srdreg.scid  }
0x3: {  	s0 =	sand.u32 $0x1, s1  }
0x4: {  	s18 =	sshll.u32 s0, $0xA;
	s2 =	sadd.s32 s3, s2  }
0x5: {  	s2 =	sadd.s32 s2, s18  }
0x6: {  	[smem:$0x3FC5] =	sst s2  }
0x7: {  	_ = 	snop  }
0x8: {  	s2 =	sld [smem:$0x3FD0];
	(tm) =	ssettm $0x1  }
0x9: {  	s19 =	sld [smem:$0x3FFB];
	_ =	sdelay $0x3  }
0xa: {  	_ =	strace s19  }
0xb: {  	s3 =	sld [smem:$0x3FFC];
	_ =	sdelay $0x3  }
0xc: {  	_ =	strace s3  }
0xd: {  	s3 =	sld [smem:$0x3FFD];
	_ =	sdelay $0x3  }
0xe: {  	_ =	strace s3  }
0xf: {  	_ =	strace $0x8FFFFFFF  }
0x10: {  	s20 =	sld [smem:$0x3FDB];
	_ =	sdelay $0x1  }
0x11: {  	s4 =	simm.s32 $_scs_section_size  }
0x12: {  	s5 =	simm.s32 $_size__tile_overlayer_lowered;
	s6 =	simm.s32 $_tile_overlayer_lowered  }
0x13: {  	s23 =	simm.s32 $0x1BFF;
	s22 =	sshll.u32 s6, $0x1;
	s3 =	sadd.s32 s4, s20  }
0x14: {  	s7 =	simm.s32 $0x0;
	s21 =	sshll.u32 s5, $0x1;
	s5 =	sadd.s32 s22, s3  }
0x15: {  	[timem:s7], [sflag:s23] =	dma.local [hbm:s5], s21  }
0x16: {  	_ =	swait.ge [sflag:s23], s21  }
0x17: {  	s4 =	ssub.s32 $0x0, s21;
	[sflag:s23] =	ssyncset.done $0x0  }
0x18: {  	[sflag:s23] =	ssyncadd.s32 s4;
	_ =	sdelay $0x1  }
0x19: {  	s24 =	simm.s32 $0x1B8B  }
0x1a: {  	_ =	swait.ge [sflag:s24], $0x1  }
0x1b: {  	[sflag:s24] =	ssyncset.done $0x0  }
0x1c: {  	s26 =	simm.s32 $0x1B8E;
	s25 =	sld [smem:$0x3FFE];
	[sflag:s24] =	ssyncadd.s32 $0xFFFFFFFF  }
0x1d: {  	s27 =	simm.s32 $execute0_lowered;
	[smem:$0x3FD2] =	sst s26  }
0x1e: {  	s5 =	sshll.u32 s27, $0x1;
	_ =	strace $0x80000049;
	[dreg:$0x1] =	wrdreg $0xFFFFFFFF  }
0x1f: {  	s28 =	simm.s32 $_size_execute0_lowered;
	s3 =	sadd.s32 s3, s5;
	[dreg:$0x0] =	wrdreg $0x0  }
0x20: {  	s5 =	sshll.u32 s28, $0x1;
	[dreg:$0x2] =	wrdreg s3  }
0x21: {  	[dreg:$0x3] =	wrdreg s5  }
0x22: {  	[dreg:$0x4] =	wrdreg $0xC0  }
0x23: {  	_ =	task [dreg:s7], $0x5FFFF  }
0x24: {  	[dreg:$0x1] =	wrdreg $0xFFFFFFFF  }
0x25: {  	[dreg:$0x0] =	wrdreg $0x60  }
0x26: {  	[dreg:$0x2] =	wrdreg s25  }
0x27: {  	[dreg:$0x3] =	wrdreg s2  }
0x28: {  	[dreg:$0x4] =	wrdreg $0x9  }
0x29: {  	_ =	task.clear_ibuf [dreg:s7], $0x5FFFF;
	_ =	strace $0x90000049  }
0x2a: {  	s29 =	simm.s32 $0x9;
	_ =	strace $0x8000004B  }
0x2b: {  	_ =	swait.ge [sflag:s29], $0x1  }
0x2c: {  	[sflag:s29] =	ssyncadd.s32 $0xFFFFFFFF  }
0x2d: {  	_ =	strace $0x9000004B  }
0x2e: {  	_ =	sfence  }
0x2f: {  	s30 =	sld [smem:$0x0];
	_ =	sdelay $0x2  }
0x30: {  	s31 =	sshll.u32 s1, $0xD;
	s1 =	sshrl.u32 s1, $0x2  }
0x31: {  	s3 =	sand.u32 $0x4000, s31;
	s1 =	sadd.s32 s1, s30  }
0x32: {  	s0 =	sor.u32 s3, s0;
	s1 =	sshll.u32 s1, $0x11  }
0x33: {  	s0 =	sor.u32 s1, s0  }
0x34: {  	s0 =	sadd.s32 $0x8F2B, s0  }
0x35: {  	[sflag:s0] =	ssyncadd.remote.s32 $0x1  }
0x36: {  	_ =	sfence.sel $0xFFFF  }
0x37: {  	[dreg:$0x0] =	wrdreg $0xFFFFFFFF;
	(pc) =	sbr.abs _section_cstart, $3  }
0x38: {  	[dreg:$0x1] =	wrdreg $0xFFFFFFFF  }
0x39: {  	_ =	task.clear_ibuf [dreg:s7], $0x2FFFF;
	_ =	strace $0x9FFFFFFF  }
0x3a: {  	(tm) =	ssettm $0x7FFFFFFF  }
0x3b: {  	_ =	shalt  }
tec
execute0_lowered:
.L_overlay_start_1:
0x0: {  	(tag) =	ssettag $0x1  }
0x1: {  	s5 =	rddreg [dreg:$0x0]  }
0x2: {  	s0 =	srdreg.scid;
	s3 =	rddreg [dreg:$0x1]  }
0x3: {  	_ =	strace $0x8000004A;
	s7 =	simm.s32 $0x1;
	s8 =	simm.s32 $0x2  }
0x4: {  	s23 =	simm.s32 $0x0;
	s15 =	simm.s32 $0x8000;
	s1 =	sshll.u32 s0, $0x4  }
0x5: {  	s22 =	simm.s32 $0x0;
	s0 =	stileid.u32;
	s1 =	sand.u32 $0x10, s1  }
0x6: {  	s24 =	simm.s32 $0x0;
	s21 =	simm.s32 $0x0;
	s1 =	sor.u32 s0, s1  }
0x7: {  	s16 =	simm.s32 $0x0;
	s17 =	simm.s32 $0x0;
	s2 =	sshll.u32 s1, $0x7  }
0x8: {  	s18 =	simm.s32 $0x0;
	s20 =	simm.s32 $0x0;
	s6 =	ssub.s32 $0x1000, s2  }
0x9: {  	s5 =	sadd.s32 $0xA00, s5;
	s9 =	sadd.s32 $0x138000, s3;
	s4 =	sand.u32 $0xF80, s6  }
0xa: {  	s10 =	sadd.s32 $0x1A0000, s3;
	s11 =	sadd.s32 $0x208000, s3;
	p0 =	sne.s32 s4, $0x0  }
.Ltmp0:
0xb: {  	s6 =	sshrl.u32 s6, $0xC;
	s7 =	simm.s32 @!p0 $0x0;
	(pc) =	sbr.rel .LBB1_1-.Ltmp0, $4  }
0xc: {  	s12 =	sadd.s32 $0x270000, s3;
	s4 =	simm.s32 $0x1;
	s6 =	sadd.s32 s7, s6  }
0xd: {  	s13 =	sadd.s32 $0x2D8000, s3;
	[sflag:s4] =	ssyncpa.u1 $0x0;
	s6 =	smul.u32 $0x34, s6  }
0xe: {  	s19 =	smov.u32 s2;
	p0 =	por $0x0, $0x0;
	[sflag:s8] =	ssyncpa.u1 $0x0  }
0xf: {  	s7 =	sadd.s32 $0x68000, s3;
	s8 =	sadd.s32 $0xD0000, s3;
	s14 =	sor.u32 $0x1, s6  }
.LBB1_7:
0x10: {  	s1 =	sadd.s32 $0x10, s16  }
0x11: {  	s21 =	simm.s32 $0x1;
	p2 =	sgt.s32 s1, $0x1F  }
0x12: {  	s21 =	simm.s32 @!p2 $0x0  }
0x13: {  	s25 =	sadd.s32 s21, s17  }
0x14: {  	s26 =	smov.u32 s18;
	s21 =	sadd.s32 $0x8, s18;
	p3 =	sgt.s32 s25, $0x19  }
0x15: {  	s26 =	smov.u32 @p3 s21  }
0x16: {  	s27 =	smov.u32 s19;
	s21 =	sadd.s32 $0x1000, s19;
	p4 =	sgt.s32 s26, $0x7  }
0x17: {  	p1 =	slt.u32 s20, $0x2;
	s27 =	smov.u32 @p4 s21  }
0x18: {  	s23 =	smov.u32 s16;
	s1 =	simm.s32 @p2 $0x0;
	p2 =	sgt.s32 s27, $0xFFF  }
0x19: {  	s28 =	simm.s32 @!p1 $0x2;
	s27 =	smov.u32 @p2 s2;
	p2 =	sne.s32 s20, s14  }
.Ltmp1:
0x1a: {  	s22 =	smov.u32 s17;
	_ =	swait.ge @!p1 [sflag:s28], $0x4000;
	(pc) =	sbr.rel @!p2 .LBB1_8-.Ltmp1, $4  }
0x1b: {  	s24 =	smov.u32 s18;
	p0 =	por !p0, !p0;
	[sflag:s28] =	ssyncset.done @!p1 $0x0  }
0x1c: {  	s16 =	smov.u32 s1;
	[sflag:s28] =	ssyncadd.s32 @!p1 $0xFFFFC000;
	s25 =	simm.s32 @p3 $0x0  }
0x1d: {  	s17 =	smov.u32 s25;
	s26 =	simm.s32 @p4 $0x0;
	s21 =	smov.u32 s19  }
0x1e: {  	s18 =	smov.u32 s26;
	s20 =	sadd.s32 $0x1, s20;
	s19 =	smov.u32 s27  }
.LBB1_1:
0x1f: {  	p1 =	sge.u32 s20, s6;
	s31 =	sadd.s32 $0xFFFFFFFF, s20  }
0x20: {  	s25 =	sshll.u32 @!p1 s17, $0x7;
	s26 =	sshll.u32 @!p1 s16, $0x3;
	s28 =	sxor.u32 @!p1 $0xFFFFFFFF, s20  }
0x21: {  	s29 =	sshrl.u32 @!p1 s16, $0x3;
	s27 =	sand.u32 @!p1 $0xC00, s25;
	s26 =	sand.u32 @!p1 $0xC00, s26  }
0x22: {  	s25 =	sand.u32 @!p1 $0x380, s25;
	s26 =	sadd.s32 @!p1 s27, s26;
	s27 =	sshll.u32 @!p1 s28, $0xE  }
0x23: {  	s25 =	sor.u32 @!p1 s25, s26;
	s26 =	sand.u32 @!p1 $0x4000, s27;
	s27 =	sshll.u32 @!p1 s19, $0xC  }
0x24: {  	s29 =	sand.u32 @!p1 $0xF, s29;
	s28 =	sshll.u32 @!p1 s18, $0x9;
	s27 =	sadd.s32 @!p1 s5, s27  }
0x25: {  	s25 =	sshrl.u32 @!p1 s25, $0x3;
	s27 =	sadd.s32 @!p1 s28, s27;
	s28 =	sand.u32 @!p1 $0x7, s16  }
0x26: {  	s25 =	sand.u32 @!p1 $0x1F0, s25;
	s27 =	sadd.s32 @!p1 s29, s27;
	s28 =	sshll.u32 @!p1 s28, $0x12  }
0x27: {  	s25 =	sadd.s32 @!p1 s25, s27;
	s27 =	sor.u32 @!p1 $0x10, s28;
	s28 =	simm.s32 @!p1 $0x1000  }
0x28: {  	[tilespmem:s26], [sflag:$0x1] =	stream.strided.gather @!p1 [hbm4b:s25+s27], $0x4000, s28, s27, $0x38;
	[tilespmem:$0x10100] =	vst v63  }
0x29: {  	p1 =	sge.u32 s31, s6  }
.Ltmp2:
0x2a: {  	_ = 	snop;
	(pc) =	sbr.rel @p1 .LBB1_7-.Ltmp2, $1  }
0x2b: {  	_ =	sdelay $0x3  }
0x2c: {  	s25 =	simm.s32 $0x1;
	s27 =	sand.u32 $0x1, s20  }
0x2d: {  	s25 =	simm.s32 @!p0 $0x0;
	s29 =	smul.u32 $0x10200, s27  }
0x2e: {  	_ =	swait.ge [sflag:s4], $0x4000;
	s26 =	smul.u32 $0x10200, s25  }
0x2f: {  	[sflag:s4] =	ssyncset.done $0x0;
	s28 =	sshll.u32 s25, $0xE  }
0x30: {  	[sflag:s4] =	ssyncadd.s32 $0xFFFFC000;
	s25 =	sshrl.u32 s29, $0x2;
	s26 =	sshrl.u32 s26, $0x2  }
0x31: {  	s29 =	simm.s32 $0x0;
	s27 =	sor.u32 $0x8000, s26;
	s26 =	sor.u32 $0x8000, s25  }
.LBB1_3:
0x32: {  	v0 =	vmov s28;
	_ =	sdelay $0x3  }
0x33: {  	s30 =	simm.s32 $0x0  }
0x34: {  	v1 =	vld.idx.msk [tilespmem:v0+s30+$0x0 ss:$0x1], $0xffff;
	_ =	sdelay $0x2  }
0x35: {  	s31 =	simm.s32 $0x40;
	s30 =	smov.u32 s27  }
.LBB1_4:
0x36: {  	s1 =	sshra.s32 s31, $0x2;
	p1 =	sne.s32 s31, $0x1C0;
	s31 =	sadd.s32 $0x40, s31  }
.Ltmp3:
0x37: {  	[tilespmem:s30+$0x0 ss:$0x81] =	vst.msk $0xffff, v1;
	v1 =	vld.idx.msk [tilespmem:v0+s1+$0x0 ss:$0x1], $0xffff;
	(pc) =	sbr.rel @p1 .LBB1_4-.Ltmp3, $2  }
0x38: {  	_ =	sdelay $0x2  }
0x39: {  	s30 =	sadd.s32 $0x810, s30  }
0x3a: {  	s29 =	sadd.s32 $0x1, s29  }
0x3b: {  	p1 =	sne.s32 s29, $0x80  }
.Ltmp4:
0x3c: {  	_ = 	snop;
	(pc) =	sbr.rel @p1 .LBB1_3-.Ltmp4, $2  }
0x3d: {  	_ =	sdelay $0x2  }
0x3e: {  	[tilespmem:s30+$0x0 ss:$0x81] =	vst.msk $0xffff, v1;
	s27 =	sadd.s32 $0x1, s27;
	s28 =	sadd.s32 $0x80, s28  }
0x3f: {  	s1 =	sshll.u32 s23, $0xC;
	s27 =	sshll.u32 s21, $0x3;
	s29 =	sand.u32 $0x78, s21  }
0x40: {  	s24 =	smul.u32 $0x68000, s24;
	s22 =	sshll.u32 s22, $0xE;
	s31 =	sand.u32 $0x7, s21  }
0x41: {  	s1 =	sand.u32 $0x18000, s1;
	s28 =	sand.u32 $0x1FC00, s27;
	s27 =	sand.u32 $0xC00, s27  }
0x42: {  	s1 =	sadd.s32 s28, s1;
	s28 =	sshll.u32 s23, $0x7;
	s27 =	sor.u32 s29, s27  }
0x43: {  	s30 =	sadd.s32 s24, s22;
	s23 =	sand.u32 $0x380, s28;
	s1 =	sshrl.u32 s1, $0x3  }
0x44: {  	s23 =	sor.u32 s23, s27;
	s1 =	sand.u32 $0x3E00, s1;
	s27 =	sadd.s32 s3, s30  }
0x45: {  	s21 =	sshll.u32 s31, $0x12;
	s23 =	sshrl.u32 s23, $0x3;
	s27 =	sadd.s32 s1, s27  }
0x46: {  	s21 =	sor.u32 $0x400, s21;
	s28 =	sadd.s32 s24, s7;
	s27 =	sadd.s32 s23, s27  }
0x47: {  	[hbm4b:s27+s21] =	stream.strided.scatter [tilespmem:s26], [sflag:$0x2], $0x800, s15, s21, $0x20;
	[tilespmem:$0x10100] =	vst v63  }
0x48: {  	s26 =	sadd.s32 s22, s28  }
0x49: {  	s26 =	sadd.s32 s1, s26  }
0x4a: {  	s29 =	sadd.s32 $0x8810, s25;
	s30 =	sadd.s32 s24, s8;
	s26 =	sadd.s32 s23, s26  }
0x4b: {  	[hbm4b:s26+s21] =	stream.strided.scatter [tilespmem:s29], [sflag:$0x2], $0x800, s15, s21, $0x20;
	[tilespmem:$0x10100] =	vst v63  }
0x4c: {  	s26 =	sadd.s32 s22, s30  }
0x4d: {  	s26 =	sadd.s32 s1, s26  }
0x4e: {  	s31 =	sadd.s32 $0x9020, s25;
	s28 =	sadd.s32 s24, s9;
	s26 =	sadd.s32 s23, s26  }
0x4f: {  	[hbm4b:s26+s21] =	stream.strided.scatter [tilespmem:s31], [sflag:$0x2], $0x800, s15, s21, $0x20;
	[tilespmem:$0x10100] =	vst v63  }
0x50: {  	s26 =	sadd.s32 s22, s28  }
0x51: {  	s26 =	sadd.s32 s1, s26  }
0x52: {  	s29 =	sadd.s32 $0x9830, s25;
	s30 =	sadd.s32 s24, s10;
	s26 =	sadd.s32 s23, s26  }
0x53: {  	[hbm4b:s26+s21] =	stream.strided.scatter [tilespmem:s29], [sflag:$0x2], $0x800, s15, s21, $0x20;
	[tilespmem:$0x10100] =	vst v63  }
0x54: {  	s26 =	sadd.s32 s22, s30  }
0x55: {  	s26 =	sadd.s32 s1, s26  }
0x56: {  	s27 =	sadd.s32 s24, s11;
	s31 =	sadd.s32 $0xA040, s25;
	s26 =	sadd.s32 s23, s26  }
0x57: {  	[hbm4b:s26+s21] =	stream.strided.scatter [tilespmem:s31], [sflag:$0x2], $0x800, s15, s21, $0x20;
	[tilespmem:$0x10100] =	vst v63  }
0x58: {  	s26 =	sadd.s32 s22, s27  }
0x59: {  	s26 =	sadd.s32 s1, s26  }
0x5a: {  	s28 =	sadd.s32 $0xA850, s25;
	s29 =	sadd.s32 s24, s12;
	s26 =	sadd.s32 s23, s26  }
0x5b: {  	[hbm4b:s26+s21] =	stream.strided.scatter [tilespmem:s28], [sflag:$0x2], $0x800, s15, s21, $0x20;
	[tilespmem:$0x10100] =	vst v63  }
0x5c: {  	s24 =	sadd.s32 s24, s13;
	s26 =	sadd.s32 s22, s29  }
.Ltmp5:
0x5d: {  	s22 =	sadd.s32 s22, s24;
	s26 =	sadd.s32 s1, s26;
	(pc) =	sbr.rel .LBB1_7-.Ltmp5, $4  }
0x5e: {  	s30 =	sadd.s32 $0xB060, s25;
	s1 =	sadd.s32 s1, s22;
	s26 =	sadd.s32 s23, s26  }
0x5f: {  	[hbm4b:s26+s21] =	stream.strided.scatter [tilespmem:s30], [sflag:$0x2], $0x800, s15, s21, $0x20;
	[tilespmem:$0x10100] =	vst v63  }
0x60: {  	s31 =	sadd.s32 $0xB870, s25;
	s1 =	sadd.s32 s23, s1  }
0x61: {  	[hbm4b:s1+s21] =	stream.strided.scatter [tilespmem:s31], [sflag:$0x2], $0x800, s15, s21, $0x20;
	[tilespmem:$0x10100] =	vst v63  }
.LBB1_8:
0x62: {  	_ =	sfence.sel $0x180000  }
0x63: {  	s1 =	simm.s32 $0x1;
	[bflag:$0x0] =	sbarrier.arrive $0xFFFF  }
0x64: {  	s31 =	simm.s32 $0x2;
	[sflag:s1] =	ssyncpa.u1 $0x1  }
0x65: {  	[sflag:s31] =	ssyncpa.u1 $0x1  }
0x66: {  	_ =	strace $0x9000004A  }
0x67: {  	[bflag:$0x2] =	sbarrier.arrive $0xFFFF  }
0x68: {  	p0 =	sne.s32 s0, $0x0;
	s0 =	rddreg [dreg:$0x2]  }
0x69: {  	s0 =	sadd.s32 @!p0 $0x100000, s0  }
0x6a: {  	[sflag:s0] =	ssyncadd.tile.s32 @!p0 $0x1;
	_ =	shalt  }
.Lfunc_end1:
_tile_overlayer_lowered:
.L_overlay_start_2:
0x6b: {  	(tag) =	ssettag $0x2  }
0x6c: {  	s0 =	rddreg [dreg:$0x0];
	s2 =	stileid.u32  }
0x6d: {  	s1 =	rddreg [dreg:$0x1];
	p0 =	sne.s32 s2, $0x0  }
0x6e: {  	s3 =	rddreg [dreg:$0x2];
	[bflag:$0x3] =	sbarrier.arrive $0xFFFF;
	s2 =	simm.s32 @!p0 $0x1C01  }
0x6f: {  	[timem:s3], [sflag:s2] =	dma.local @!p0 [hbm:s0], s1  }
0x70: {  	s0 =	simm.s32 @!p0 $0x1  }
0x71: {  	_ =	swait.ge @!p0 [sflag:s0], s1  }
0x72: {  	s1 =	ssub.s32 @!p0 $0x0, s1;
	[sflag:s0] =	ssyncset.done @!p0 $0x0  }
0x73: {  	[sflag:s0] =	ssyncadd.s32 @!p0 s1  }
0x74: {  	[bflag:$0x3] =	sbarrier.arrive $0xFFFF  }
0x75: {  	_ =	shalt  }

</sc_bundles>
